<compile_context>
chip_gen: v7x
topology: tpu7x:2x2x1
jax: 0.10.2.dev20260603
libtpu: 0.0.44.dev20260713+nightly
codegen_flags: <defaults>
</compile_context>

<pallas_src>
import functools

import jax
import jax.numpy as jnp
from jax import lax
from jax.experimental import pallas as pl
from jax.experimental.pallas import tpu as pltpu
from jax.experimental.pallas import tpu_sc as plsc

_N = 10000
_E = 320000
_D = 128
_B = 1024
_NEG = 10

_NS = 16
_CHUNK = 128
_N_PAD = 10240
_E_PAD = 327680
_NCHUNK = _E_PAD // _CHUNK
_N0 = 80
_N1 = 80
_STRIPE = _N_PAD // _NS
_SUP = 8
_G = 4096
_GCHUNK = 128
_G0 = 28

_mesh = plsc.VectorSubcoreMesh(core_axis_name="c", subcore_axis_name="s")


@functools.partial(
    pl.kernel,
    out_type=(
        jax.ShapeDtypeStruct((_N_PAD, _D), jnp.float32),
        jax.ShapeDtypeStruct((_N_PAD, _D), jnp.float32),
        jax.ShapeDtypeStruct((_G, _D), jnp.float32),
    ),
    mesh=_mesh,
    scratch_types=[
        pltpu.VMEM((_SUP, _CHUNK), jnp.int32),
        pltpu.VMEM((_SUP, _CHUNK), jnp.int32),
        pltpu.VMEM((2, _CHUNK, _D), jnp.float32),
        pltpu.VMEM((2, _GCHUNK), jnp.int32),
        pltpu.VMEM_SHARED((_N_PAD, _D), jnp.float32),
        pltpu.SemaphoreType.DMA,
        pltpu.SemaphoreType.DMA,
    ],
)
def _segsum(table_hbm, src_hbm, dst_hbm, idx_hbm, out0_hbm, out1_hbm, gf_hbm,
            src_v, dst_v, rows_v, gidx_v, acc, sem_a, sem_b):
    c = lax.axis_index("c")
    s = lax.axis_index("s")
    def zrow(i, carry):
        for k in range(_D // 16):
            rows_v[0, i, pl.ds(16 * k, 16)] = jnp.zeros((16,), jnp.float32)
        return carry

    lax.fori_loop(0, _CHUNK, zrow, 0)
    for m in range(_STRIPE // _CHUNK):
        pltpu.sync_copy(rows_v.at[0],
                        acc.at[pl.ds(s * _STRIPE + m * _CHUNK, _CHUNK)])
    pltpu.sync_copy(idx_hbm.at[s], gidx_v)
    plsc.subcore_barrier()

    base_chunk = jnp.where(c == 0, s * _N0, _NS * _N0 + s * _N1)
    nblocks = jnp.where(c == 0, _N0 // _SUP, _N1 // _SUP)

    def outer(t, carry):
        blk = base_chunk + t * _SUP
        pltpu.sync_copy(src_hbm.at[pl.ds(blk, _SUP)], src_v)
        pltpu.sync_copy(dst_hbm.at[pl.ds(blk, _SUP)], dst_v)

        def body(i, carry2):
            j = 2 * i
            cp_a = pltpu.async_copy(table_hbm.at[src_v.at[j]], rows_v.at[0],
                                    sem_a)
            cp_b = pltpu.async_copy(table_hbm.at[src_v.at[j + 1]],
                                    rows_v.at[1], sem_b)
            cp_a.wait()
            pltpu.sync_copy(rows_v.at[0], acc.at[dst_v.at[j]], add=True)
            cp_b.wait()
            pltpu.sync_copy(rows_v.at[1], acc.at[dst_v.at[j + 1]], add=True)
            return carry2

        lax.fori_loop(0, _SUP // 2, body, 0)
        return carry

    lax.fori_loop(0, nblocks, outer, 0)
    fg = pltpu.async_copy(table_hbm.at[gidx_v.at[c]], rows_v.at[0], sem_a)
    fg.wait()
    pltpu.sync_copy(rows_v.at[0],
                    gf_hbm.at[pl.ds((2 * s + c) * _GCHUNK, _GCHUNK)])
    plsc.subcore_barrier()

    @pl.when(c == 0)
    def _():
        pltpu.sync_copy(acc.at[pl.ds(s * _STRIPE, _STRIPE)],
                        out0_hbm.at[pl.ds(s * _STRIPE, _STRIPE)])

    @pl.when(c == 1)
    def _():
        pltpu.sync_copy(acc.at[pl.ds(s * _STRIPE, _STRIPE)],
                        out1_hbm.at[pl.ds(s * _STRIPE, _STRIPE)])


@functools.partial(
    pl.kernel,
    out_type=jax.ShapeDtypeStruct((2, _G, _D), jnp.float32),
    mesh=_mesh,
    scratch_types=[
        pltpu.VMEM((_SUP, _CHUNK), jnp.int32),
        pltpu.VMEM((_SUP, _CHUNK), jnp.int32),
        pltpu.VMEM((2, _CHUNK, _D), jnp.float32),
        pltpu.VMEM((2, _GCHUNK), jnp.int32),
        pltpu.VMEM_SHARED((_N_PAD, _D), jnp.float32),
        pltpu.SemaphoreType.DMA,
        pltpu.SemaphoreType.DMA,
    ],
)
def _segsum_gather(table_hbm, src_hbm, dst_hbm, idx_hbm, gp_hbm,
                   src_v, dst_v, rows_v, gidx_v, acc, sem_a, sem_b):
    c = lax.axis_index("c")
    s = lax.axis_index("s")

    def zrow(i, carry):
        for k in range(_D // 16):
            rows_v[0, i, pl.ds(16 * k, 16)] = jnp.zeros((16,), jnp.float32)
        return carry

    lax.fori_loop(0, _CHUNK, zrow, 0)
    for m in range(_STRIPE // _CHUNK):
        pltpu.sync_copy(rows_v.at[0],
                        acc.at[pl.ds(s * _STRIPE + m * _CHUNK, _CHUNK)])
    pltpu.sync_copy(idx_hbm.at[s], gidx_v)
    plsc.subcore_barrier()

    base_chunk = jnp.where(c == 0, s * _N0, _NS * _N0 + s * _N1)
    nblocks = jnp.where(c == 0, _N0 // _SUP, _N1 // _SUP)

    def outer(t, carry):
        blk = base_chunk + t * _SUP
        pltpu.sync_copy(src_hbm.at[pl.ds(blk, _SUP)], src_v)
        pltpu.sync_copy(dst_hbm.at[pl.ds(blk, _SUP)], dst_v)

        def body(i, carry2):
            j = 2 * i
            cp_a = pltpu.async_copy(table_hbm.at[src_v.at[j]], rows_v.at[0],
                                    sem_a)
            cp_b = pltpu.async_copy(table_hbm.at[src_v.at[j + 1]],
                                    rows_v.at[1], sem_b)
            cp_a.wait()
            pltpu.sync_copy(rows_v.at[0], acc.at[dst_v.at[j]], add=True)
            cp_b.wait()
            pltpu.sync_copy(rows_v.at[1], acc.at[dst_v.at[j + 1]], add=True)
            return carry2

        lax.fori_loop(0, _SUP // 2, body, 0)
        return carry

    lax.fori_loop(0, nblocks, outer, 0)
    plsc.subcore_barrier()

    ga0 = pltpu.async_copy(acc.at[gidx_v.at[0]], rows_v.at[0], sem_a)
    ga1 = pltpu.async_copy(acc.at[gidx_v.at[1]], rows_v.at[1], sem_b)
    ga0.wait()
    wr0 = pltpu.async_copy(rows_v.at[0],
                           gp_hbm.at[c, pl.ds(2 * s * _GCHUNK, _GCHUNK)],
                           sem_a)
    ga1.wait()
    wr1 = pltpu.async_copy(rows_v.at[1],
                           gp_hbm.at[c, pl.ds((2 * s + 1) * _GCHUNK, _GCHUNK)],
                           sem_b)
    wr0.wait()
    wr1.wait()


def _layer1_body(feat_ref, p0_ref, p1_ref, w1a_ref, w1b_ref, b1_ref, out_ref):
    ns = p0_ref[...] + p1_ref[...]
    acc = jnp.dot(feat_ref[...], w1a_ref[...],
                  preferred_element_type=jnp.float32)
    acc = acc + jnp.dot(ns, w1b_ref[...], preferred_element_type=jnp.float32)
    out_ref[...] = jnp.tanh(acc + b1_ref[...])


def _layer2_body(feat_ref, p0_ref, p1_ref, w2a_ref, w2b_ref, b2_ref, out_ref):
    ns = p0_ref[...] + p1_ref[...]
    h2 = jnp.dot(feat_ref[...], w2a_ref[...],
                 preferred_element_type=jnp.float32)
    h2 = h2 + jnp.dot(ns, w2b_ref[...], preferred_element_type=jnp.float32)
    h2 = h2 + b2_ref[...]
    nrm = jnp.sqrt(jnp.sum(h2 * h2, axis=1, keepdims=True))
    out_ref[...] = h2 / jnp.maximum(nrm, 1e-12)


_LBLK = 1024


def _layer(body, feat_pad, p0, p1, wa, wb, br):
    grid = (_N_PAD // _LBLK,)
    row_spec = pl.BlockSpec((_LBLK, _D), lambda i: (i, 0))
    full_spec = pl.BlockSpec((_D, _D), lambda i: (0, 0))
    bias_spec = pl.BlockSpec((1, _D), lambda i: (0, 0))
    return pl.pallas_call(
        body,
        grid=grid,
        in_specs=[row_spec, row_spec, row_spec, full_spec, full_spec,
                  bias_spec],
        out_specs=row_spec,
        out_shape=jax.ShapeDtypeStruct((_N_PAD, _D), jnp.float32),
    )(feat_pad, p0, p1, wa, wb, br)


def kernel(feat_data, edge_index, inputs1, inputs2, neg, W1, b1, W2, b2):
    feat_pad = jnp.zeros((_N_PAD, _D), jnp.float32).at[:_N].set(feat_data)
    src = edge_index[0].astype(jnp.int32)
    dst = edge_index[1].astype(jnp.int32)
    pad_e = _E_PAD - _E
    fill = jnp.arange(pad_e, dtype=jnp.int32)
    src_pad = jnp.concatenate(
        [src, fill % _N]).reshape(_NCHUNK, _CHUNK)
    dst_pad = jnp.concatenate(
        [dst, _N + fill % (_N_PAD - _N)]).reshape(_NCHUNK, _CHUNK)

    idx = jnp.concatenate([
        inputs1.astype(jnp.int32), inputs2.astype(jnp.int32),
        neg.astype(jnp.int32),
        jnp.zeros((_G - 2 * _B - _NEG,), jnp.int32)]).reshape(_NS, 2, _GCHUNK)

    p0, p1, gf = _segsum(feat_pad, src_pad, dst_pad, idx)

    w1t = W1.T
    h1 = _layer(_layer1_body, feat_pad, p0, p1, w1t[:_D], w1t[_D:],
                b1.reshape(1, _D))

    gp = _segsum_gather(h1, src_pad, dst_pad, idx)
    g0, g1 = gp[0], gp[1]

    w2t = W2.T
    out = pl.pallas_call(
        _layer2_body,
        out_shape=jax.ShapeDtypeStruct((_G, _D), jnp.float32),
    )(gf, g0, g1, w2t[:_D], w2t[_D:], b2.reshape(1, _D))
    return (out[:_B], out[_B:2 * _B], out[2 * _B:2 * _B + _NEG])

# --- scband reference (transcript-rebuilt; emitter-appended) ---
"""Pipeline reference for scband-supervised-graph-sage-47914655154262 (READ-ONLY COPY).

The authoritative reference and input builder live on the scoring server;
editing this copy changes nothing except your own understanding.
"""

import jax, jax.numpy as jnp
import numpy as np

N = 10000
E = 320000
D = 128
DIM2 = 128
B = 1024
NEG = 10


def _normalize(x):
    # matches torch F.normalize(x, dim=1): x / max(||x||_2, eps)
    n = jnp.linalg.norm(x, ord=2, axis=1, keepdims=True)
    return x / jnp.maximum(n, 1e-12)


def setup_inputs(seed: int = 0) -> dict:
    key = jax.random.key(seed)
    ks = jax.random.split(key, 10)
    feat_data = jax.random.normal(ks[0], (N, D), dtype=jnp.float32)
    edge_index = jax.random.randint(ks[1], (2, E), 0, N)
    inputs1 = jax.random.randint(ks[2], (B,), 0, N)
    inputs2 = jax.random.randint(ks[3], (B,), 0, N)
    neg = jax.random.randint(ks[4], (NEG,), 0, N)
    # linear1: 2*D -> D ; linear2: 2*D -> DIM2 (torch nn.Linear weight is [out, in])
    W1 = jax.random.normal(ks[5], (D, 2 * D), dtype=jnp.float32) * 0.05
    b1 = jax.random.normal(ks[6], (D,), dtype=jnp.float32) * 0.05
    W2 = jax.random.normal(ks[7], (DIM2, 2 * D), dtype=jnp.float32) * 0.05
    b2 = jax.random.normal(ks[8], (DIM2,), dtype=jnp.float32) * 0.05
    return {"feat_data": feat_data, "edge_index": edge_index, "inputs1": inputs1,
            "inputs2": inputs2, "neg": neg, "W1": W1, "b1": b1, "W2": W2, "b2": b2}


def reference(feat_data, edge_index, inputs1, inputs2, neg, W1, b1, W2, b2):
    # SupervisedGraphSage.forward rewritten edge-parallel.
    # Original aggregator: hop1 emb for batch nodes + their neighbors; hop2 for batch nodes.
    # Computing hop1/hop2 for ALL nodes via segment_sum is mathematically identical
    # on the gathered batch indices.
    src = edge_index[0]
    dst = edge_index[1]
    # hop1: sum of neighbor raw features, concat with self feature, linear1 + tanh
    nsum = jax.ops.segment_sum(feat_data[src], dst, num_segments=N)
    h1 = jnp.tanh(jnp.concatenate([feat_data, nsum], axis=1) @ W1.T + b1)
    # hop2: sum of neighbor hop1 embeddings, concat with self raw feature, linear2
    h1sum = jax.ops.segment_sum(h1[src], dst, num_segments=N)
    h2 = jnp.concatenate([feat_data, h1sum], axis=1) @ W2.T + b2
    # negative samples are supplied as precomputed indices (unigram^0.75 sampler
    # is non-differentiable data-prep in the original)
    outputs1 = _normalize(h2[inputs1])
    outputs2 = _normalize(h2[inputs2])
    neg_outputs = _normalize(h2[neg])
    return (outputs1, outputs2, neg_outputs)

if __name__ == "__main__":
    import jax
    _d = setup_inputs()
    print(jax.jit(kernel)(*tuple(_d.values())))

</pallas_src>

<mosaic_0001>
#map = affine_map<(d0, d1) -> (0, 0)>
#map1 = affine_map<(d0, d1) -> (0, 0, 0)>
module attributes {stable_mosaic.version = 14 : i64} {
  func.func @_segsum_gather(%arg0: i32, %arg1: i32, %arg2: memref<10240x128xf32, #tpu.memory_space<hbm>>, %arg3: memref<2560x128xi32, #tpu.memory_space<hbm>>, %arg4: memref<2560x128xi32, #tpu.memory_space<hbm>>, %arg5: memref<16x2x128xi32, #tpu.memory_space<hbm>>, %arg6: memref<2x4096x128xf32, #tpu.memory_space<hbm>>, %arg7: memref<8x128xi32, #tpu.memory_space<vmem>>, %arg8: memref<8x128xi32, #tpu.memory_space<vmem>>, %arg9: memref<2x128x128xf32, #tpu.memory_space<vmem>>, %arg10: memref<2x128xi32, #tpu.memory_space<vmem>>, %arg11: memref<10240x128xf32, #tpu.memory_space<vmem_shared>>, %arg12: memref<!tpu.dma_semaphore, #tpu.memory_space<semaphore_mem>>, %arg13: memref<!tpu.dma_semaphore, #tpu.memory_space<semaphore_mem>>) attributes {dimension_semantics = [#tpu.dimension_semantics<core_parallel>, #tpu.dimension_semantics<subcore_parallel>], iteration_bounds = array<i64: 2, 16>, scalar_prefetch = 0 : i64, scratch_operands = 7 : i64, tpu.core_type = #tpu.core_type<sc_vector_subcore>, window_params = [{transform_indices = #map}, {transform_indices = #map}, {transform_indices = #map}, {transform_indices = #map1}, {transform_indices = #map1}]} {
    %scan3A = arith.constant 0 : i32
    %scan3A_0 = arith.constant 0 : i32
    %scan3A_1 = arith.constant 128 : i32
    %scan3A_2 = arith.addi %scan3A_0, %scan3A_1 : i32
    %scan3A_3 = arith.constant 1 : i32
    scf.for %scan3A_164 = %scan3A_0 to %scan3A_2 step %scan3A_3  : i32 {
      %broadcast_in_dim3A = arith.constant 0.000000e+00 : f32
      %broadcast_in_dim3A_165 = vector.broadcast %broadcast_in_dim3A : f32 to vector<16xf32>
      %swap3A = arith.constant 0 : i32
      %swap3A_166 = arith.index_cast %swap3A : i32 to index
      %swap3A_167 = arith.index_cast %scan3A_164 : i32 to index
      %swap3A_168 = arith.constant 0 : index
      %swap3A_169 = tpu.vector_load %arg9[%swap3A_166, %swap3A_167, %swap3A_168] {strides = array<i32>} : memref<2x128x128xf32, #tpu.memory_space<vmem>>, vector<1x1x16xf32>,
      %swap3A_170 = vector.shape_cast %swap3A_169 : vector<1x1x16xf32> to vector<16xf32>
      %swap3A_171 = vector.shape_cast %broadcast_in_dim3A_165 : vector<16xf32> to vector<1x1x16xf32>
      tpu.vector_store %arg9[%swap3A_166, %swap3A_167, %swap3A_168], %swap3A_171 {strides = array<i32>} : memref<2x128x128xf32, #tpu.memory_space<vmem>>, vector<1x1x16xf32>,
      %broadcast_in_dim3A_172 = arith.constant 0.000000e+00 : f32
      %broadcast_in_dim3A_173 = vector.broadcast %broadcast_in_dim3A_172 : f32 to vector<16xf32>
      %swap3A_174 = arith.constant 0 : i32
      %swap3A_175 = arith.index_cast %swap3A_174 : i32 to index
      %swap3A_176 = arith.index_cast %scan3A_164 : i32 to index
      %swap3A_177 = arith.constant 16 : index
      %swap3A_178 = tpu.vector_load %arg9[%swap3A_175, %swap3A_176, %swap3A_177] {strides = array<i32>} : memref<2x128x128xf32, #tpu.memory_space<vmem>>, vector<1x1x16xf32>,
      %swap3A_179 = vector.shape_cast %swap3A_178 : vector<1x1x16xf32> to vector<16xf32>
      %swap3A_180 = vector.shape_cast %broadcast_in_dim3A_173 : vector<16xf32> to vector<1x1x16xf32>
      tpu.vector_store %arg9[%swap3A_175, %swap3A_176, %swap3A_177], %swap3A_180 {strides = array<i32>} : memref<2x128x128xf32, #tpu.memory_space<vmem>>, vector<1x1x16xf32>,
      %broadcast_in_dim3A_181 = arith.constant 0.000000e+00 : f32
      %broadcast_in_dim3A_182 = vector.broadcast %broadcast_in_dim3A_181 : f32 to vector<16xf32>
      %swap3A_183 = arith.constant 0 : i32
      %swap3A_184 = arith.index_cast %swap3A_183 : i32 to index
      %swap3A_185 = arith.index_cast %scan3A_164 : i32 to index
      %swap3A_186 = arith.constant 32 : index
      %swap3A_187 = tpu.vector_load %arg9[%swap3A_184, %swap3A_185, %swap3A_186] {strides = array<i32>} : memref<2x128x128xf32, #tpu.memory_space<vmem>>, vector<1x1x16xf32>,
      %swap3A_188 = vector.shape_cast %swap3A_187 : vector<1x1x16xf32> to vector<16xf32>
      %swap3A_189 = vector.shape_cast %broadcast_in_dim3A_182 : vector<16xf32> to vector<1x1x16xf32>
      tpu.vector_store %arg9[%swap3A_184, %swap3A_185, %swap3A_186], %swap3A_189 {strides = array<i32>} : memref<2x128x128xf32, #tpu.memory_space<vmem>>, vector<1x1x16xf32>,
      %broadcast_in_dim3A_190 = arith.constant 0.000000e+00 : f32
      %broadcast_in_dim3A_191 = vector.broadcast %broadcast_in_dim3A_190 : f32 to vector<16xf32>
      %swap3A_192 = arith.constant 0 : i32
      %swap3A_193 = arith.index_cast %swap3A_192 : i32 to index
      %swap3A_194 = arith.index_cast %scan3A_164 : i32 to index
      %swap3A_195 = arith.constant 48 : index
      %swap3A_196 = tpu.vector_load %arg9[%swap3A_193, %swap3A_194, %swap3A_195] {strides = array<i32>} : memref<2x128x128xf32, #tpu.memory_space<vmem>>, vector<1x1x16xf32>,
      %swap3A_197 = vector.shape_cast %swap3A_196 : vector<1x1x16xf32> to vector<16xf32>
      %swap3A_198 = vector.shape_cast %broadcast_in_dim3A_191 : vector<16xf32> to vector<1x1x16xf32>
      tpu.vector_store %arg9[%swap3A_193, %swap3A_194, %swap3A_195], %swap3A_198 {strides = array<i32>} : memref<2x128x128xf32, #tpu.memory_space<vmem>>, vector<1x1x16xf32>,
      %broadcast_in_dim3A_199 = arith.constant 0.000000e+00 : f32
      %broadcast_in_dim3A_200 = vector.broadcast %broadcast_in_dim3A_199 : f32 to vector<16xf32>
      %swap3A_201 = arith.constant 0 : i32
      %swap3A_202 = arith.index_cast %swap3A_201 : i32 to index
      %swap3A_203 = arith.index_cast %scan3A_164 : i32 to index
      %swap3A_204 = arith.constant 64 : index
      %swap3A_205 = tpu.vector_load %arg9[%swap3A_202, %swap3A_203, %swap3A_204] {strides = array<i32>} : memref<2x128x128xf32, #tpu.memory_space<vmem>>, vector<1x1x16xf32>,
      %swap3A_206 = vector.shape_cast %swap3A_205 : vector<1x1x16xf32> to vector<16xf32>
      %swap3A_207 = vector.shape_cast %broadcast_in_dim3A_200 : vector<16xf32> to vector<1x1x16xf32>
      tpu.vector_store %arg9[%swap3A_202, %swap3A_203, %swap3A_204], %swap3A_207 {strides = array<i32>} : memref<2x128x128xf32, #tpu.memory_space<vmem>>, vector<1x1x16xf32>,
      %broadcast_in_dim3A_208 = arith.constant 0.000000e+00 : f32
      %broadcast_in_dim3A_209 = vector.broadcast %broadcast_in_dim3A_208 : f32 to vector<16xf32>
      %swap3A_210 = arith.constant 0 : i32
      %swap3A_211 = arith.index_cast %swap3A_210 : i32 to index
      %swap3A_212 = arith.index_cast %scan3A_164 : i32 to index
      %swap3A_213 = arith.constant 80 : index
      %swap3A_214 = tpu.vector_load %arg9[%swap3A_211, %swap3A_212, %swap3A_213] {strides = array<i32>} : memref<2x128x128xf32, #tpu.memory_space<vmem>>, vector<1x1x16xf32>,
      %swap3A_215 = vector.shape_cast %swap3A_214 : vector<1x1x16xf32> to vector<16xf32>
      %swap3A_216 = vector.shape_cast %broadcast_in_dim3A_209 : vector<16xf32> to vector<1x1x16xf32>
      tpu.vector_store %arg9[%swap3A_211, %swap3A_212, %swap3A_213], %swap3A_216 {strides = array<i32>} : memref<2x128x128xf32, #tpu.memory_space<vmem>>, vector<1x1x16xf32>,
      %broadcast_in_dim3A_217 = arith.constant 0.000000e+00 : f32
      %broadcast_in_dim3A_218 = vector.broadcast %broadcast_in_dim3A_217 : f32 to vector<16xf32>
      %swap3A_219 = arith.constant 0 : i32
      %swap3A_220 = arith.index_cast %swap3A_219 : i32 to index
      %swap3A_221 = arith.index_cast %scan3A_164 : i32 to index
      %swap3A_222 = arith.constant 96 : index
      %swap3A_223 = tpu.vector_load %arg9[%swap3A_220, %swap3A_221, %swap3A_222] {strides = array<i32>} : memref<2x128x128xf32, #tpu.memory_space<vmem>>, vector<1x1x16xf32>,
      %swap3A_224 = vector.shape_cast %swap3A_223 : vector<1x1x16xf32> to vector<16xf32>
      %swap3A_225 = vector.shape_cast %broadcast_in_dim3A_218 : vector<16xf32> to vector<1x1x16xf32>
      tpu.vector_store %arg9[%swap3A_220, %swap3A_221, %swap3A_222], %swap3A_225 {strides = array<i32>} : memref<2x128x128xf32, #tpu.memory_space<vmem>>, vector<1x1x16xf32>,
      %broadcast_in_dim3A_226 = arith.constant 0.000000e+00 : f32
      %broadcast_in_dim3A_227 = vector.broadcast %broadcast_in_dim3A_226 : f32 to vector<16xf32>
      %swap3A_228 = arith.constant 0 : i32
      %swap3A_229 = arith.index_cast %swap3A_228 : i32 to index
      %swap3A_230 = arith.index_cast %scan3A_164 : i32 to index
      %swap3A_231 = arith.constant 112 : index
      %swap3A_232 = tpu.vector_load %arg9[%swap3A_229, %swap3A_230, %swap3A_231] {strides = array<i32>} : memref<2x128x128xf32, #tpu.memory_space<vmem>>, vector<1x1x16xf32>,
      %swap3A_233 = vector.shape_cast %swap3A_232 : vector<1x1x16xf32> to vector<16xf32>
      %swap3A_234 = vector.shape_cast %broadcast_in_dim3A_227 : vector<16xf32> to vector<1x1x16xf32>
      tpu.vector_store %arg9[%swap3A_229, %swap3A_230, %swap3A_231], %swap3A_234 {strides = array<i32>} : memref<2x128x128xf32, #tpu.memory_space<vmem>>, vector<1x1x16xf32>,
    }
    %scan3A_4 = arith.constant 128 : i32
    %mul3A = arith.constant 640 : i32
    %mul3A_5 = arith.muli %arg1, %mul3A : i32
    %add3A = arith.constant 0 : i32
    %add3A_6 = arith.addi %mul3A_5, %add3A : i32
    %run_scoped3A = arith.constant 0 : i32
    "tpu.region"() ({
      %run_scoped3A_164 = tpu.sem_alloc : memref<!tpu.dma_semaphore, #tpu.memory_space<semaphore_mem>>
      %dma_start3A_165 = arith.constant 0 : i32
      %dma_start3A_166 = arith.constant 0 : i32
      %dma_start3A_167 = tpu.memref_slice %arg9[%run_scoped3A, %dma_start3A_165, %dma_start3A_166] : memref<2x128x128xf32, #tpu.memory_space<vmem>> -> memref<1x128x128xf32, #tpu.memory_space<vmem>>
      %dma_start3A_168 = tpu.memref_squeeze %dma_start3A_167 : memref<1x128x128xf32, #tpu.memory_space<vmem>> -> memref<128x128xf32, #tpu.memory_space<vmem>>
      %dma_start3A_169 = arith.constant 0 : i32
      %dma_start3A_170 = tpu.memref_slice %arg11[%add3A_6, %dma_start3A_169] : memref<10240x128xf32, #tpu.memory_space<vmem_shared>> -> memref<128x128xf32, #tpu.memory_space<vmem_shared>>
      %dma_start3A_171 = arith.constant 0 : i32
      %dma_start3A_172 = tpu.memref_slice %arg11[%add3A_6, %dma_start3A_171] : memref<10240x128xf32, #tpu.memory_space<vmem_shared>> -> memref<128x128xf32, #tpu.memory_space<vmem_shared>>
      %dma_start3A_173 = arith.constant 0 : i32
      %dma_start3A_174 = arith.constant 0 : i32
      %dma_start3A_175 = tpu.memref_slice %arg9[%run_scoped3A, %dma_start3A_173, %dma_start3A_174] : memref<2x128x128xf32, #tpu.memory_space<vmem>> -> memref<1x128x128xf32, #tpu.memory_space<vmem>>
      %dma_start3A_176 = tpu.memref_squeeze %dma_start3A_175 : memref<1x128x128xf32, #tpu.memory_space<vmem>> -> memref<128x128xf32, #tpu.memory_space<vmem>>
      tpu.enqueue_dma source(%dma_start3A_176 : memref<128x128xf32, #tpu.memory_space<vmem>>) target(%dma_start3A_172 : memref<128x128xf32, #tpu.memory_space<vmem_shared>>) target_semaphore(%run_scoped3A_164 : memref<!tpu.dma_semaphore, #tpu.memory_space<semaphore_mem>>)
      %dma_wait3A_177 = arith.constant 0 : i32
      %dma_wait3A_178 = arith.constant 0 : i32
      %dma_wait3A_179 = tpu.memref_slice %arg9[%run_scoped3A, %dma_wait3A_177, %dma_wait3A_178] : memref<2x128x128xf32, #tpu.memory_space<vmem>> -> memref<1x128x128xf32, #tpu.memory_space<vmem>>
      %dma_wait3A_180 = tpu.memref_squeeze %dma_wait3A_179 : memref<1x128x128xf32, #tpu.memory_space<vmem>> -> memref<128x128xf32, #tpu.memory_space<vmem>>
      %dma_wait3A_181 = arith.constant 0 : i32
      %dma_wait3A_182 = tpu.memref_slice %arg11[%add3A_6, %dma_wait3A_181] : memref<10240x128xf32, #tpu.memory_space<vmem_shared>> -> memref<128x128xf32, #tpu.memory_space<vmem_shared>>
      %dma_wait3A_183 = arith.constant 0 : i32
      %dma_wait3A_184 = tpu.memref_slice %arg11[%add3A_6, %dma_wait3A_183] : memref<10240x128xf32, #tpu.memory_space<vmem_shared>> -> memref<128x128xf32, #tpu.memory_space<vmem_shared>>
      %dma_wait3A_185 = arith.constant 0 : i32
      %dma_wait3A_186 = arith.constant 0 : i32
      %dma_wait3A_187 = tpu.memref_slice %arg9[%run_scoped3A, %dma_wait3A_185, %dma_wait3A_186] : memref<2x128x128xf32, #tpu.memory_space<vmem>> -> memref<1x128x128xf32, #tpu.memory_space<vmem>>
      %dma_wait3A_188 = tpu.memref_squeeze %dma_wait3A_187 : memref<1x128x128xf32, #tpu.memory_space<vmem>> -> memref<128x128xf32, #tpu.memory_space<vmem>>
      tpu.wait_dma2 semaphore(%run_scoped3A_164 : memref<!tpu.dma_semaphore, #tpu.memory_space<semaphore_mem>>) src(%dma_wait3A_188 : memref<128x128xf32, #tpu.memory_space<vmem>>) dst(%dma_wait3A_184 : memref<128x128xf32, #tpu.memory_space<vmem_shared>>)
      tpu.yield
    }) : () -> ()
    %mul3A_7 = arith.constant 640 : i32
    %mul3A_8 = arith.muli %arg1, %mul3A_7 : i32
    %add3A_9 = arith.constant 128 : i32
    %add3A_10 = arith.addi %mul3A_8, %add3A_9 : i32
    %run_scoped3A_11 = arith.constant 0 : i32
    "tpu.region"() ({
      %run_scoped3A_164 = tpu.sem_alloc : memref<!tpu.dma_semaphore, #tpu.memory_space<semaphore_mem>>
      %dma_start3A_165 = arith.constant 0 : i32
      %dma_start3A_166 = arith.constant 0 : i32
      %dma_start3A_167 = tpu.memref_slice %arg9[%run_scoped3A_11, %dma_start3A_165, %dma_start3A_166] : memref<2x128x128xf32, #tpu.memory_space<vmem>> -> memref<1x128x128xf32, #tpu.memory_space<vmem>>
      %dma_start3A_168 = tpu.memref_squeeze %dma_start3A_167 : memref<1x128x128xf32, #tpu.memory_space<vmem>> -> memref<128x128xf32, #tpu.memory_space<vmem>>
      %dma_start3A_169 = arith.constant 0 : i32
      %dma_start3A_170 = tpu.memref_slice %arg11[%add3A_10, %dma_start3A_169] : memref<10240x128xf32, #tpu.memory_space<vmem_shared>> -> memref<128x128xf32, #tpu.memory_space<vmem_shared>>
      %dma_start3A_171 = arith.constant 0 : i32
      %dma_start3A_172 = tpu.memref_slice %arg11[%add3A_10, %dma_start3A_171] : memref<10240x128xf32, #tpu.memory_space<vmem_shared>> -> memref<128x128xf32, #tpu.memory_space<vmem_shared>>
      %dma_start3A_173 = arith.constant 0 : i32
      %dma_start3A_174 = arith.constant 0 : i32
      %dma_start3A_175 = tpu.memref_slice %arg9[%run_scoped3A_11, %dma_start3A_173, %dma_start3A_174] : memref<2x128x128xf32, #tpu.memory_space<vmem>> -> memref<1x128x128xf32, #tpu.memory_space<vmem>>
      %dma_start3A_176 = tpu.memref_squeeze %dma_start3A_175 : memref<1x128x128xf32, #tpu.memory_space<vmem>> -> memref<128x128xf32, #tpu.memory_space<vmem>>
      tpu.enqueue_dma source(%dma_start3A_176 : memref<128x128xf32, #tpu.memory_space<vmem>>) target(%dma_start3A_172 : memref<128x128xf32, #tpu.memory_space<vmem_shared>>) target_semaphore(%run_scoped3A_164 : memref<!tpu.dma_semaphore, #tpu.memory_space<semaphore_mem>>)
      %dma_wait3A_177 = arith.constant 0 : i32
      %dma_wait3A_178 = arith.constant 0 : i32
      %dma_wait3A_179 = tpu.memref_slice %arg9[%run_scoped3A_11, %dma_wait3A_177, %dma_wait3A_178] : memref<2x128x128xf32, #tpu.memory_space<vmem>> -> memref<1x128x128xf32, #tpu.memory_space<vmem>>
      %dma_wait3A_180 = tpu.memref_squeeze %dma_wait3A_179 : memref<1x128x128xf32, #tpu.memory_space<vmem>> -> memref<128x128xf32, #tpu.memory_space<vmem>>
      %dma_wait3A_181 = arith.constant 0 : i32
      %dma_wait3A_182 = tpu.memref_slice %arg11[%add3A_10, %dma_wait3A_181] : memref<10240x128xf32, #tpu.memory_space<vmem_shared>> -> memref<128x128xf32, #tpu.memory_space<vmem_shared>>
      %dma_wait3A_183 = arith.constant 0 : i32
      %dma_wait3A_184 = tpu.memref_slice %arg11[%add3A_10, %dma_wait3A_183] : memref<10240x128xf32, #tpu.memory_space<vmem_shared>> -> memref<128x128xf32, #tpu.memory_space<vmem_shared>>
      %dma_wait3A_185 = arith.constant 0 : i32
      %dma_wait3A_186 = arith.constant 0 : i32
      %dma_wait3A_187 = tpu.memref_slice %arg9[%run_scoped3A_11, %dma_wait3A_185, %dma_wait3A_186] : memref<2x128x128xf32, #tpu.memory_space<vmem>> -> memref<1x128x128xf32, #tpu.memory_space<vmem>>
      %dma_wait3A_188 = tpu.memref_squeeze %dma_wait3A_187 : memref<1x128x128xf32, #tpu.memory_space<vmem>> -> memref<128x128xf32, #tpu.memory_space<vmem>>
      tpu.wait_dma2 semaphore(%run_scoped3A_164 : memref<!tpu.dma_semaphore, #tpu.memory_space<semaphore_mem>>) src(%dma_wait3A_188 : memref<128x128xf32, #tpu.memory_space<vmem>>) dst(%dma_wait3A_184 : memref<128x128xf32, #tpu.memory_space<vmem_shared>>)
      tpu.yield
    }) : () -> ()
    %mul3A_12 = arith.constant 640 : i32
    %mul3A_13 = arith.muli %arg1, %mul3A_12 : i32
    %add3A_14 = arith.constant 256 : i32
    %add3A_15 = arith.addi %mul3A_13, %add3A_14 : i32
    %run_scoped3A_16 = arith.constant 0 : i32
    "tpu.region"() ({
      %run_scoped3A_164 = tpu.sem_alloc : memref<!tpu.dma_semaphore, #tpu.memory_space<semaphore_mem>>
      %dma_start3A_165 = arith.constant 0 : i32
      %dma_start3A_166 = arith.constant 0 : i32
      %dma_start3A_167 = tpu.memref_slice %arg9[%run_scoped3A_16, %dma_start3A_165, %dma_start3A_166] : memref<2x128x128xf32, #tpu.memory_space<vmem>> -> memref<1x128x128xf32, #tpu.memory_space<vmem>>
      %dma_start3A_168 = tpu.memref_squeeze %dma_start3A_167 : memref<1x128x128xf32, #tpu.memory_space<vmem>> -> memref<128x128xf32, #tpu.memory_space<vmem>>
      %dma_start3A_169 = arith.constant 0 : i32
      %dma_start3A_170 = tpu.memref_slice %arg11[%add3A_15, %dma_start3A_169] : memref<10240x128xf32, #tpu.memory_space<vmem_shared>> -> memref<128x128xf32, #tpu.memory_space<vmem_shared>>
      %dma_start3A_171 = arith.constant 0 : i32
      %dma_start3A_172 = tpu.memref_slice %arg11[%add3A_15, %dma_start3A_171] : memref<10240x128xf32, #tpu.memory_space<vmem_shared>> -> memref<128x128xf32, #tpu.memory_space<vmem_shared>>
      %dma_start3A_173 = arith.constant 0 : i32
      %dma_start3A_174 = arith.constant 0 : i32
      %dma_start3A_175 = tpu.memref_slice %arg9[%run_scoped3A_16, %dma_start3A_173, %dma_start3A_174] : memref<2x128x128xf32, #tpu.memory_space<vmem>> -> memref<1x128x128xf32, #tpu.memory_space<vmem>>
      %dma_start3A_176 = tpu.memref_squeeze %dma_start3A_175 : memref<1x128x128xf32, #tpu.memory_space<vmem>> -> memref<128x128xf32, #tpu.memory_space<vmem>>
      tpu.enqueue_dma source(%dma_start3A_176 : memref<128x128xf32, #tpu.memory_space<vmem>>) target(%dma_start3A_172 : memref<128x128xf32, #tpu.memory_space<vmem_shared>>) target_semaphore(%run_scoped3A_164 : memref<!tpu.dma_semaphore, #tpu.memory_space<semaphore_mem>>)
      %dma_wait3A_177 = arith.constant 0 : i32
      %dma_wait3A_178 = arith.constant 0 : i32
      %dma_wait3A_179 = tpu.memref_slice %arg9[%run_scoped3A_16, %dma_wait3A_177, %dma_wait3A_178] : memref<2x128x128xf32, #tpu.memory_space<vmem>> -> memref<1x128x128xf32, #tpu.memory_space<vmem>>
      %dma_wait3A_180 = tpu.memref_squeeze %dma_wait3A_179 : memref<1x128x128xf32, #tpu.memory_space<vmem>> -> memref<128x128xf32, #tpu.memory_space<vmem>>
      %dma_wait3A_181 = arith.constant 0 : i32
      %dma_wait3A_182 = tpu.memref_slice %arg11[%add3A_15, %dma_wait3A_181] : memref<10240x128xf32, #tpu.memory_space<vmem_shared>> -> memref<128x128xf32, #tpu.memory_space<vmem_shared>>
      %dma_wait3A_183 = arith.constant 0 : i32
      %dma_wait3A_184 = tpu.memref_slice %arg11[%add3A_15, %dma_wait3A_183] : memref<10240x128xf32, #tpu.memory_space<vmem_shared>> -> memref<128x128xf32, #tpu.memory_space<vmem_shared>>
      %dma_wait3A_185 = arith.constant 0 : i32
      %dma_wait3A_186 = arith.constant 0 : i32
      %dma_wait3A_187 = tpu.memref_slice %arg9[%run_scoped3A_16, %dma_wait3A_185, %dma_wait3A_186] : memref<2x128x128xf32, #tpu.memory_space<vmem>> -> memref<1x128x128xf32, #tpu.memory_space<vmem>>
      %dma_wait3A_188 = tpu.memref_squeeze %dma_wait3A_187 : memref<1x128x128xf32, #tpu.memory_space<vmem>> -> memref<128x128xf32, #tpu.memory_space<vmem>>
      tpu.wait_dma2 semaphore(%run_scoped3A_164 : memref<!tpu.dma_semaphore, #tpu.memory_space<semaphore_mem>>) src(%dma_wait3A_188 : memref<128x128xf32, #tpu.memory_space<vmem>>) dst(%dma_wait3A_184 : memref<128x128xf32, #tpu.memory_space<vmem_shared>>)
      tpu.yield
    }) : () -> ()
    %mul3A_17 = arith.constant 640 : i32
    %mul3A_18 = arith.muli %arg1, %mul3A_17 : i32
    %add3A_19 = arith.constant 384 : i32
    %add3A_20 = arith.addi %mul3A_18, %add3A_19 : i32
    %run_scoped3A_21 = arith.constant 0 : i32
    "tpu.region"() ({
      %run_scoped3A_164 = tpu.sem_alloc : memref<!tpu.dma_semaphore, #tpu.memory_space<semaphore_mem>>
      %dma_start3A_165 = arith.constant 0 : i32
      %dma_start3A_166 = arith.constant 0 : i32
      %dma_start3A_167 = tpu.memref_slice %arg9[%run_scoped3A_21, %dma_start3A_165, %dma_start3A_166] : memref<2x128x128xf32, #tpu.memory_space<vmem>> -> memref<1x128x128xf32, #tpu.memory_space<vmem>>
      %dma_start3A_168 = tpu.memref_squeeze %dma_start3A_167 : memref<1x128x128xf32, #tpu.memory_space<vmem>> -> memref<128x128xf32, #tpu.memory_space<vmem>>
      %dma_start3A_169 = arith.constant 0 : i32
      %dma_start3A_170 = tpu.memref_slice %arg11[%add3A_20, %dma_start3A_169] : memref<10240x128xf32, #tpu.memory_space<vmem_shared>> -> memref<128x128xf32, #tpu.memory_space<vmem_shared>>
      %dma_start3A_171 = arith.constant 0 : i32
      %dma_start3A_172 = tpu.memref_slice %arg11[%add3A_20, %dma_start3A_171] : memref<10240x128xf32, #tpu.memory_space<vmem_shared>> -> memref<128x128xf32, #tpu.memory_space<vmem_shared>>
      %dma_start3A_173 = arith.constant 0 : i32
      %dma_start3A_174 = arith.constant 0 : i32
      %dma_start3A_175 = tpu.memref_slice %arg9[%run_scoped3A_21, %dma_start3A_173, %dma_start3A_174] : memref<2x128x128xf32, #tpu.memory_space<vmem>> -> memref<1x128x128xf32, #tpu.memory_space<vmem>>
      %dma_start3A_176 = tpu.memref_squeeze %dma_start3A_175 : memref<1x128x128xf32, #tpu.memory_space<vmem>> -> memref<128x128xf32, #tpu.memory_space<vmem>>
      tpu.enqueue_dma source(%dma_start3A_176 : memref<128x128xf32, #tpu.memory_space<vmem>>) target(%dma_start3A_172 : memref<128x128xf32, #tpu.memory_space<vmem_shared>>) target_semaphore(%run_scoped3A_164 : memref<!tpu.dma_semaphore, #tpu.memory_space<semaphore_mem>>)
      %dma_wait3A_177 = arith.constant 0 : i32
      %dma_wait3A_178 = arith.constant 0 : i32
      %dma_wait3A_179 = tpu.memref_slice %arg9[%run_scoped3A_21, %dma_wait3A_177, %dma_wait3A_178] : memref<2x128x128xf32, #tpu.memory_space<vmem>> -> memref<1x128x128xf32, #tpu.memory_space<vmem>>
      %dma_wait3A_180 = tpu.memref_squeeze %dma_wait3A_179 : memref<1x128x128xf32, #tpu.memory_space<vmem>> -> memref<128x128xf32, #tpu.memory_space<vmem>>
      %dma_wait3A_181 = arith.constant 0 : i32
      %dma_wait3A_182 = tpu.memref_slice %arg11[%add3A_20, %dma_wait3A_181] : memref<10240x128xf32, #tpu.memory_space<vmem_shared>> -> memref<128x128xf32, #tpu.memory_space<vmem_shared>>
      %dma_wait3A_183 = arith.constant 0 : i32
      %dma_wait3A_184 = tpu.memref_slice %arg11[%add3A_20, %dma_wait3A_183] : memref<10240x128xf32, #tpu.memory_space<vmem_shared>> -> memref<128x128xf32, #tpu.memory_space<vmem_shared>>
      %dma_wait3A_185 = arith.constant 0 : i32
      %dma_wait3A_186 = arith.constant 0 : i32
      %dma_wait3A_187 = tpu.memref_slice %arg9[%run_scoped3A_21, %dma_wait3A_185, %dma_wait3A_186] : memref<2x128x128xf32, #tpu.memory_space<vmem>> -> memref<1x128x128xf32, #tpu.memory_space<vmem>>
      %dma_wait3A_188 = tpu.memref_squeeze %dma_wait3A_187 : memref<1x128x128xf32, #tpu.memory_space<vmem>> -> memref<128x128xf32, #tpu.memory_space<vmem>>
      tpu.wait_dma2 semaphore(%run_scoped3A_164 : memref<!tpu.dma_semaphore, #tpu.memory_space<semaphore_mem>>) src(%dma_wait3A_188 : memref<128x128xf32, #tpu.memory_space<vmem>>) dst(%dma_wait3A_184 : memref<128x128xf32, #tpu.memory_space<vmem_shared>>)
      tpu.yield
    }) : () -> ()
    %mul3A_22 = arith.constant 640 : i32
    %mul3A_23 = arith.muli %arg1, %mul3A_22 : i32
    %add3A_24 = arith.constant 512 : i32
    %add3A_25 = arith.addi %mul3A_23, %add3A_24 : i32
    %run_scoped3A_26 = arith.constant 0 : i32
    "tpu.region"() ({
      %run_scoped3A_164 = tpu.sem_alloc : memref<!tpu.dma_semaphore, #tpu.memory_space<semaphore_mem>>
      %dma_start3A_165 = arith.constant 0 : i32
      %dma_start3A_166 = arith.constant 0 : i32
      %dma_start3A_167 = tpu.memref_slice %arg9[%run_scoped3A_26, %dma_start3A_165, %dma_start3A_166] : memref<2x128x128xf32, #tpu.memory_space<vmem>> -> memref<1x128x128xf32, #tpu.memory_space<vmem>>
      %dma_start3A_168 = tpu.memref_squeeze %dma_start3A_167 : memref<1x128x128xf32, #tpu.memory_space<vmem>> -> memref<128x128xf32, #tpu.memory_space<vmem>>
      %dma_start3A_169 = arith.constant 0 : i32
      %dma_start3A_170 = tpu.memref_slice %arg11[%add3A_25, %dma_start3A_169] : memref<10240x128xf32, #tpu.memory_space<vmem_shared>> -> memref<128x128xf32, #tpu.memory_space<vmem_shared>>
      %dma_start3A_171 = arith.constant 0 : i32
      %dma_start3A_172 = tpu.memref_slice %arg11[%add3A_25, %dma_start3A_171] : memref<10240x128xf32, #tpu.memory_space<vmem_shared>> -> memref<128x128xf32, #tpu.memory_space<vmem_shared>>
      %dma_start3A_173 = arith.constant 0 : i32
      %dma_start3A_174 = arith.constant 0 : i32
      %dma_start3A_175 = tpu.memref_slice %arg9[%run_scoped3A_26, %dma_start3A_173, %dma_start3A_174] : memref<2x128x128xf32, #tpu.memory_space<vmem>> -> memref<1x128x128xf32, #tpu.memory_space<vmem>>
      %dma_start3A_176 = tpu.memref_squeeze %dma_start3A_175 : memref<1x128x128xf32, #tpu.memory_space<vmem>> -> memref<128x128xf32, #tpu.memory_space<vmem>>
      tpu.enqueue_dma source(%dma_start3A_176 : memref<128x128xf32, #tpu.memory_space<vmem>>) target(%dma_start3A_172 : memref<128x128xf32, #tpu.memory_space<vmem_shared>>) target_semaphore(%run_scoped3A_164 : memref<!tpu.dma_semaphore, #tpu.memory_space<semaphore_mem>>)
      %dma_wait3A_177 = arith.constant 0 : i32
      %dma_wait3A_178 = arith.constant 0 : i32
      %dma_wait3A_179 = tpu.memref_slice %arg9[%run_scoped3A_26, %dma_wait3A_177, %dma_wait3A_178] : memref<2x128x128xf32, #tpu.memory_space<vmem>> -> memref<1x128x128xf32, #tpu.memory_space<vmem>>
      %dma_wait3A_180 = tpu.memref_squeeze %dma_wait3A_179 : memref<1x128x128xf32, #tpu.memory_space<vmem>> -> memref<128x128xf32, #tpu.memory_space<vmem>>
      %dma_wait3A_181 = arith.constant 0 : i32
      %dma_wait3A_182 = tpu.memref_slice %arg11[%add3A_25, %dma_wait3A_181] : memref<10240x128xf32, #tpu.memory_space<vmem_shared>> -> memref<128x128xf32, #tpu.memory_space<vmem_shared>>
      %dma_wait3A_183 = arith.constant 0 : i32
      %dma_wait3A_184 = tpu.memref_slice %arg11[%add3A_25, %dma_wait3A_183] : memref<10240x128xf32, #tpu.memory_space<vmem_shared>> -> memref<128x128xf32, #tpu.memory_space<vmem_shared>>
      %dma_wait3A_185 = arith.constant 0 : i32
      %dma_wait3A_186 = arith.constant 0 : i32
      %dma_wait3A_187 = tpu.memref_slice %arg9[%run_scoped3A_26, %dma_wait3A_185, %dma_wait3A_186] : memref<2x128x128xf32, #tpu.memory_space<vmem>> -> memref<1x128x128xf32, #tpu.memory_space<vmem>>
      %dma_wait3A_188 = tpu.memref_squeeze %dma_wait3A_187 : memref<1x128x128xf32, #tpu.memory_space<vmem>> -> memref<128x128xf32, #tpu.memory_space<vmem>>
      tpu.wait_dma2 semaphore(%run_scoped3A_164 : memref<!tpu.dma_semaphore, #tpu.memory_space<semaphore_mem>>) src(%dma_wait3A_188 : memref<128x128xf32, #tpu.memory_space<vmem>>) dst(%dma_wait3A_184 : memref<128x128xf32, #tpu.memory_space<vmem_shared>>)
      tpu.yield
    }) : () -> ()
    "tpu.region"() ({
      %run_scoped3A_164 = tpu.sem_alloc : memref<!tpu.dma_semaphore, #tpu.memory_space<semaphore_mem>>
      %dma_start3A_165 = arith.constant 0 : i32
      %dma_start3A_166 = arith.constant 0 : i32
      %dma_start3A_167 = tpu.memref_slice %arg5[%arg1, %dma_start3A_165, %dma_start3A_166] : memref<16x2x128xi32, #tpu.memory_space<hbm>> -> memref<1x2x128xi32, #tpu.memory_space<hbm>>
      %dma_start3A_168 = tpu.memref_squeeze %dma_start3A_167 : memref<1x2x128xi32, #tpu.memory_space<hbm>> -> memref<2x128xi32, #tpu.memory_space<hbm>>
      %dma_start3A_169 = arith.constant 0 : i32
      %dma_start3A_170 = arith.constant 0 : i32
      %dma_start3A_171 = tpu.memref_slice %arg5[%arg1, %dma_start3A_169, %dma_start3A_170] : memref<16x2x128xi32, #tpu.memory_space<hbm>> -> memref<1x2x128xi32, #tpu.memory_space<hbm>>
      %dma_start3A_172 = tpu.memref_squeeze %dma_start3A_171 : memref<1x2x128xi32, #tpu.memory_space<hbm>> -> memref<2x128xi32, #tpu.memory_space<hbm>>
      tpu.enqueue_dma source(%dma_start3A_172 : memref<2x128xi32, #tpu.memory_space<hbm>>) target(%arg10 : memref<2x128xi32, #tpu.memory_space<vmem>>) target_semaphore(%run_scoped3A_164 : memref<!tpu.dma_semaphore, #tpu.memory_space<semaphore_mem>>)
      %dma_wait3A_173 = arith.constant 0 : i32
      %dma_wait3A_174 = arith.constant 0 : i32
      %dma_wait3A_175 = tpu.memref_slice %arg5[%arg1, %dma_wait3A_173, %dma_wait3A_174] : memref<16x2x128xi32, #tpu.memory_space<hbm>> -> memref<1x2x128xi32, #tpu.memory_space<hbm>>
      %dma_wait3A_176 = tpu.memref_squeeze %dma_wait3A_175 : memref<1x2x128xi32, #tpu.memory_space<hbm>> -> memref<2x128xi32, #tpu.memory_space<hbm>>
      %dma_wait3A_177 = arith.constant 0 : i32
      %dma_wait3A_178 = arith.constant 0 : i32
      %dma_wait3A_179 = tpu.memref_slice %arg5[%arg1, %dma_wait3A_177, %dma_wait3A_178] : memref<16x2x128xi32, #tpu.memory_space<hbm>> -> memref<1x2x128xi32, #tpu.memory_space<hbm>>
      %dma_wait3A_180 = tpu.memref_squeeze %dma_wait3A_179 : memref<1x2x128xi32, #tpu.memory_space<hbm>> -> memref<2x128xi32, #tpu.memory_space<hbm>>
      tpu.wait_dma2 semaphore(%run_scoped3A_164 : memref<!tpu.dma_semaphore, #tpu.memory_space<semaphore_mem>>) src(%dma_wait3A_180 : memref<2x128xi32, #tpu.memory_space<hbm>>) dst(%arg10 : memref<2x128xi32, #tpu.memory_space<vmem>>)
      tpu.yield
    }) : () -> ()
    %barrier3A = arith.constant 0 : index
    tpu.barrier barrier_id(%barrier3A)
    %eq3A = arith.constant 0 : i32
    %eq3A_27 = arith.cmpi eq, %arg0, %eq3A : i32
    %mul3A_28 = arith.constant 80 : i32
    %mul3A_29 = arith.muli %arg1, %mul3A_28 : i32
    %mul3A_30 = arith.constant 80 : i32
    %mul3A_31 = arith.muli %arg1, %mul3A_30 : i32
    %add3A_32 = arith.constant 1280 : i32
    %add3A_33 = arith.addi %add3A_32, %mul3A_31 : i32
    %select_n3A = arith.select %eq3A_27, %mul3A_29, %add3A_33 : i32
    %eq3A_34 = arith.constant 0 : i32
    %eq3A_35 = arith.cmpi eq, %arg0, %eq3A_34 : i32
    %jit3A = arith.constant 10 : i32
    %jit3A_36 = arith.constant 10 : i32
    %select_n3A_37 = arith.select %eq3A_35, %jit3A, %jit3A_36 : i32
    %while3A = arith.constant 0 : i32
    %while3A_38 = arith.constant 0 : i32
    %while3A_39 = arith.subi %select_n3A_37, %while3A_38 : i32
    %while3A_40 = arith.addi %while3A_38, %while3A_39 : i32
    %while3A_41 = arith.constant 1 : i32
    %while3A_42 = arith.divsi %while3A_39, %while3A_41 : i32
    %while3A_43 = arith.muli %while3A_42, %while3A_41 : i32
    %while3A_44 = arith.addi %while3A_38, %while3A_43 : i32
    %while3A_45 = arith.constant 1 : i32
    scf.for %while3A_164 = %while3A_38 to %while3A_44 step %while3A_45  : i32 {
      %mul3A_165 = arith.constant 8 : i32
      %mul3A_166 = arith.muli %while3A_164, %mul3A_165 : i32
      %add3A_167 = arith.addi %select_n3A, %mul3A_166 : i32
      "tpu.region"() ({
        %run_scoped3A_174 = tpu.sem_alloc : memref<!tpu.dma_semaphore, #tpu.memory_space<semaphore_mem>>
        %dma_start3A_175 = arith.constant 0 : i32
        %dma_start3A_176 = tpu.memref_slice %arg3[%add3A_167, %dma_start3A_175] : memref<2560x128xi32, #tpu.memory_space<hbm>> -> memref<8x128xi32, #tpu.memory_space<hbm>>
        %dma_start3A_177 = arith.constant 0 : i32
        %dma_start3A_178 = tpu.memref_slice %arg3[%add3A_167, %dma_start3A_177] : memref<2560x128xi32, #tpu.memory_space<hbm>> -> memref<8x128xi32, #tpu.memory_space<hbm>>
        tpu.enqueue_dma source(%dma_start3A_178 : memref<8x128xi32, #tpu.memory_space<hbm>>) target(%arg7 : memref<8x128xi32, #tpu.memory_space<vmem>>) target_semaphore(%run_scoped3A_174 : memref<!tpu.dma_semaphore, #tpu.memory_space<semaphore_mem>>)
        %dma_wait3A_179 = arith.constant 0 : i32
        %dma_wait3A_180 = tpu.memref_slice %arg3[%add3A_167, %dma_wait3A_179] : memref<2560x128xi32, #tpu.memory_space<hbm>> -> memref<8x128xi32, #tpu.memory_space<hbm>>
        %dma_wait3A_181 = arith.constant 0 : i32
        %dma_wait3A_182 = tpu.memref_slice %arg3[%add3A_167, %dma_wait3A_181] : memref<2560x128xi32, #tpu.memory_space<hbm>> -> memref<8x128xi32, #tpu.memory_space<hbm>>
        tpu.wait_dma2 semaphore(%run_scoped3A_174 : memref<!tpu.dma_semaphore, #tpu.memory_space<semaphore_mem>>) src(%dma_wait3A_182 : memref<8x128xi32, #tpu.memory_space<hbm>>) dst(%arg7 : memref<8x128xi32, #tpu.memory_space<vmem>>)
        tpu.yield
      }) : () -> ()
      "tpu.region"() ({
        %run_scoped3A_174 = tpu.sem_alloc : memref<!tpu.dma_semaphore, #tpu.memory_space<semaphore_mem>>
        %dma_start3A_175 = arith.constant 0 : i32
        %dma_start3A_176 = tpu.memref_slice %arg4[%add3A_167, %dma_start3A_175] : memref<2560x128xi32, #tpu.memory_space<hbm>> -> memref<8x128xi32, #tpu.memory_space<hbm>>
        %dma_start3A_177 = arith.constant 0 : i32
        %dma_start3A_178 = tpu.memref_slice %arg4[%add3A_167, %dma_start3A_177] : memref<2560x128xi32, #tpu.memory_space<hbm>> -> memref<8x128xi32, #tpu.memory_space<hbm>>
        tpu.enqueue_dma source(%dma_start3A_178 : memref<8x128xi32, #tpu.memory_space<hbm>>) target(%arg8 : memref<8x128xi32, #tpu.memory_space<vmem>>) target_semaphore(%run_scoped3A_174 : memref<!tpu.dma_semaphore, #tpu.memory_space<semaphore_mem>>)
        %dma_wait3A_179 = arith.constant 0 : i32
        %dma_wait3A_180 = tpu.memref_slice %arg4[%add3A_167, %dma_wait3A_179] : memref<2560x128xi32, #tpu.memory_space<hbm>> -> memref<8x128xi32, #tpu.memory_space<hbm>>
        %dma_wait3A_181 = arith.constant 0 : i32
        %dma_wait3A_182 = tpu.memref_slice %arg4[%add3A_167, %dma_wait3A_181] : memref<2560x128xi32, #tpu.memory_space<hbm>> -> memref<8x128xi32, #tpu.memory_space<hbm>>
        tpu.wait_dma2 semaphore(%run_scoped3A_174 : memref<!tpu.dma_semaphore, #tpu.memory_space<semaphore_mem>>) src(%dma_wait3A_182 : memref<8x128xi32, #tpu.memory_space<hbm>>) dst(%arg8 : memref<8x128xi32, #tpu.memory_space<vmem>>)
        tpu.yield
      }) : () -> ()
      %scan3A_168 = arith.constant 0 : i32
      %scan3A_169 = arith.constant 0 : i32
      %scan3A_170 = arith.constant 4 : i32
      %scan3A_171 = arith.addi %scan3A_169, %scan3A_170 : i32
      %scan3A_172 = arith.constant 1 : i32
      scf.for %scan3A_174 = %scan3A_169 to %scan3A_171 step %scan3A_172  : i32 {
        %mul3A_175 = arith.constant 2 : i32
        %mul3A_176 = arith.muli %mul3A_175, %scan3A_174 : i32
        %dma_start3A_177 = arith.constant 0 : i32
        %dma_start3A_178 = arith.constant 0 : i32
        %dma_start3A_179 = arith.constant 0 : i32
        %dma_start3A_180 = tpu.memref_slice %arg9[%dma_start3A_177, %dma_start3A_178, %dma_start3A_179] : memref<2x128x128xf32, #tpu.memory_space<vmem>> -> memref<1x128x128xf32, #tpu.memory_space<vmem>>
        %dma_start3A_181 = tpu.memref_squeeze %dma_start3A_180 : memref<1x128x128xf32, #tpu.memory_space<vmem>> -> memref<128x128xf32, #tpu.memory_space<vmem>>
        %dma_start3A_182 = arith.constant 0 : i32
        %dma_start3A_183 = tpu.memref_slice %arg7[%mul3A_176, %dma_start3A_182] : memref<8x128xi32, #tpu.memory_space<vmem>> -> memref<1x128xi32, #tpu.memory_space<vmem>>
        %dma_start3A_184 = tpu.memref_squeeze %dma_start3A_183 : memref<1x128xi32, #tpu.memory_space<vmem>> -> memref<128xi32, #tpu.memory_space<vmem>>
        %dma_start3A_185 = arith.constant 0 : i32
        %dma_start3A_186 = arith.constant 0 : i32
        %dma_start3A_187 = tpu.memref_slice %arg2[%dma_start3A_185, %dma_start3A_186] : memref<10240x128xf32, #tpu.memory_space<hbm>> -> memref<10240x128xf32, #tpu.memory_space<hbm>>
        tpu.enqueue_indirect_dma source(%dma_start3A_187 : memref<10240x128xf32, #tpu.memory_space<hbm>>) target(%dma_start3A_181 : memref<128x128xf32, #tpu.memory_space<vmem>>) offsets(%dma_start3A_184 : memref<128xi32, #tpu.memory_space<vmem>>) semaphore(%arg12 : memref<!tpu.dma_semaphore, #tpu.memory_space<semaphore_mem>>)
        %add3A_188 = arith.constant 1 : i32
        %add3A_189 = arith.addi %mul3A_176, %add3A_188 : i32
        %dma_start3A_190 = arith.constant 1 : i32
        %dma_start3A_191 = arith.constant 0 : i32
        %dma_start3A_192 = arith.constant 0 : i32
        %dma_start3A_193 = tpu.memref_slice %arg9[%dma_start3A_190, %dma_start3A_191, %dma_start3A_192] : memref<2x128x128xf32, #tpu.memory_space<vmem>> -> memref<1x128x128xf32, #tpu.memory_space<vmem>>
        %dma_start3A_194 = tpu.memref_squeeze %dma_start3A_193 : memref<1x128x128xf32, #tpu.memory_space<vmem>> -> memref<128x128xf32, #tpu.memory_space<vmem>>
        %dma_start3A_195 = arith.constant 0 : i32
        %dma_start3A_196 = tpu.memref_slice %arg7[%add3A_189, %dma_start3A_195] : memref<8x128xi32, #tpu.memory_space<vmem>> -> memref<1x128xi32, #tpu.memory_space<vmem>>
        %dma_start3A_197 = tpu.memref_squeeze %dma_start3A_196 : memref<1x128xi32, #tpu.memory_space<vmem>> -> memref<128xi32, #tpu.memory_space<vmem>>
        %dma_start3A_198 = arith.constant 0 : i32
        %dma_start3A_199 = arith.constant 0 : i32
        %dma_start3A_200 = tpu.memref_slice %arg2[%dma_start3A_198, %dma_start3A_199] : memref<10240x128xf32, #tpu.memory_space<hbm>> -> memref<10240x128xf32, #tpu.memory_space<hbm>>
        tpu.enqueue_indirect_dma source(%dma_start3A_200 : memref<10240x128xf32, #tpu.memory_space<hbm>>) target(%dma_start3A_194 : memref<128x128xf32, #tpu.memory_space<vmem>>) offsets(%dma_start3A_197 : memref<128xi32, #tpu.memory_space<vmem>>) semaphore(%arg13 : memref<!tpu.dma_semaphore, #tpu.memory_space<semaphore_mem>>)
        %dma_wait3A_201 = arith.constant 0 : i32
        %dma_wait3A_202 = arith.constant 0 : i32
        %dma_wait3A_203 = arith.constant 0 : i32
        %dma_wait3A_204 = tpu.memref_slice %arg9[%dma_wait3A_201, %dma_wait3A_202, %dma_wait3A_203] : memref<2x128x128xf32, #tpu.memory_space<vmem>> -> memref<1x128x128xf32, #tpu.memory_space<vmem>>
        %dma_wait3A_205 = tpu.memref_squeeze %dma_wait3A_204 : memref<1x128x128xf32, #tpu.memory_space<vmem>> -> memref<128x128xf32, #tpu.memory_space<vmem>>
        %dma_wait3A_206 = arith.constant 0 : i32
        %dma_wait3A_207 = tpu.memref_slice %arg7[%mul3A_176, %dma_wait3A_206] : memref<8x128xi32, #tpu.memory_space<vmem>> -> memref<1x128xi32, #tpu.memory_space<vmem>>
        %dma_wait3A_208 = tpu.memref_squeeze %dma_wait3A_207 : memref<1x128xi32, #tpu.memory_space<vmem>> -> memref<128xi32, #tpu.memory_space<vmem>>
        %dma_wait3A_209 = arith.constant 0 : i32
        %dma_wait3A_210 = arith.constant 0 : i32
        %dma_wait3A_211 = tpu.memref_slice %arg2[%dma_wait3A_209, %dma_wait3A_210] : memref<10240x128xf32, #tpu.memory_space<hbm>> -> memref<10240x128xf32, #tpu.memory_space<hbm>>
        tpu.wait_indirect_dma semaphore(%arg12 : memref<!tpu.dma_semaphore, #tpu.memory_space<semaphore_mem>>) src(%dma_wait3A_211 : memref<10240x128xf32, #tpu.memory_space<hbm>>) dst(%dma_wait3A_205 : memref<128x128xf32, #tpu.memory_space<vmem>>)
        %run_scoped3A_212 = arith.constant 0 : i32
        "tpu.region"() ({
          %run_scoped3A_227 = tpu.sem_alloc : memref<!tpu.dma_semaphore, #tpu.memory_space<semaphore_mem>>
          %dma_start3A_228 = arith.constant 0 : i32
          %dma_start3A_229 = arith.constant 0 : i32
          %dma_start3A_230 = tpu.memref_slice %arg9[%run_scoped3A_212, %dma_start3A_228, %dma_start3A_229] : memref<2x128x128xf32, #tpu.memory_space<vmem>> -> memref<1x128x128xf32, #tpu.memory_space<vmem>>
          %dma_start3A_231 = tpu.memref_squeeze %dma_start3A_230 : memref<1x128x128xf32, #tpu.memory_space<vmem>> -> memref<128x128xf32, #tpu.memory_space<vmem>>
          %dma_start3A_232 = arith.constant 0 : i32
          %dma_start3A_233 = tpu.memref_slice %arg8[%mul3A_176, %dma_start3A_232] : memref<8x128xi32, #tpu.memory_space<vmem>> -> memref<1x128xi32, #tpu.memory_space<vmem>>
          %dma_start3A_234 = tpu.memref_squeeze %dma_start3A_233 : memref<1x128xi32, #tpu.memory_space<vmem>> -> memref<128xi32, #tpu.memory_space<vmem>>
          %dma_start3A_235 = arith.constant 0 : i32
          %dma_start3A_236 = arith.constant 0 : i32
          %dma_start3A_237 = tpu.memref_slice %arg11[%dma_start3A_235, %dma_start3A_236] : memref<10240x128xf32, #tpu.memory_space<vmem_shared>> -> memref<10240x128xf32, #tpu.memory_space<vmem_shared>>
          tpu.enqueue_indirect_dma source(%dma_start3A_231 : memref<128x128xf32, #tpu.memory_space<vmem>>) target(%dma_start3A_237 : memref<10240x128xf32, #tpu.memory_space<vmem_shared>>) offsets(%dma_start3A_234 : memref<128xi32, #tpu.memory_space<vmem>>) semaphore(%run_scoped3A_227 : memref<!tpu.dma_semaphore, #tpu.memory_space<semaphore_mem>>) {add = true}
          %dma_wait3A_238 = arith.constant 0 : i32
          %dma_wait3A_239 = arith.constant 0 : i32
          %dma_wait3A_240 = tpu.memref_slice %arg9[%run_scoped3A_212, %dma_wait3A_238, %dma_wait3A_239] : memref<2x128x128xf32, #tpu.memory_space<vmem>> -> memref<1x128x128xf32, #tpu.memory_space<vmem>>
          %dma_wait3A_241 = tpu.memref_squeeze %dma_wait3A_240 : memref<1x128x128xf32, #tpu.memory_space<vmem>> -> memref<128x128xf32, #tpu.memory_space<vmem>>
          %dma_wait3A_242 = arith.constant 0 : i32
          %dma_wait3A_243 = tpu.memref_slice %arg8[%mul3A_176, %dma_wait3A_242] : memref<8x128xi32, #tpu.memory_space<vmem>> -> memref<1x128xi32, #tpu.memory_space<vmem>>
          %dma_wait3A_244 = tpu.memref_squeeze %dma_wait3A_243 : memref<1x128xi32, #tpu.memory_space<vmem>> -> memref<128xi32, #tpu.memory_space<vmem>>
          %dma_wait3A_245 = arith.constant 0 : i32
          %dma_wait3A_246 = arith.constant 0 : i32
          %dma_wait3A_247 = tpu.memref_slice %arg11[%dma_wait3A_245, %dma_wait3A_246] : memref<10240x128xf32, #tpu.memory_space<vmem_shared>> -> memref<10240x128xf32, #tpu.memory_space<vmem_shared>>
          tpu.wait_indirect_dma semaphore(%run_scoped3A_227 : memref<!tpu.dma_semaphore, #tpu.memory_space<semaphore_mem>>) src(%dma_wait3A_241 : memref<128x128xf32, #tpu.memory_space<vmem>>) dst(%dma_wait3A_247 : memref<10240x128xf32, #tpu.memory_space<vmem_shared>>)
          tpu.yield
        }) : () -> ()
        %dma_wait3A_213 = arith.constant 1 : i32
        %dma_wait3A_214 = arith.constant 0 : i32
        %dma_wait3A_215 = arith.constant 0 : i32
        %dma_wait3A_216 = tpu.memref_slice %arg9[%dma_wait3A_213, %dma_wait3A_214, %dma_wait3A_215] : memref<2x128x128xf32, #tpu.memory_space<vmem>> -> memref<1x128x128xf32, #tpu.memory_space<vmem>>
        %dma_wait3A_217 = tpu.memref_squeeze %dma_wait3A_216 : memref<1x128x128xf32, #tpu.memory_space<vmem>> -> memref<128x128xf32, #tpu.memory_space<vmem>>
        %dma_wait3A_218 = arith.constant 0 : i32
        %dma_wait3A_219 = tpu.memref_slice %arg7[%add3A_189, %dma_wait3A_218] : memref<8x128xi32, #tpu.memory_space<vmem>> -> memref<1x128xi32, #tpu.memory_space<vmem>>
        %dma_wait3A_220 = tpu.memref_squeeze %dma_wait3A_219 : memref<1x128xi32, #tpu.memory_space<vmem>> -> memref<128xi32, #tpu.memory_space<vmem>>
        %dma_wait3A_221 = arith.constant 0 : i32
        %dma_wait3A_222 = arith.constant 0 : i32
        %dma_wait3A_223 = tpu.memref_slice %arg2[%dma_wait3A_221, %dma_wait3A_222] : memref<10240x128xf32, #tpu.memory_space<hbm>> -> memref<10240x128xf32, #tpu.memory_space<hbm>>
        tpu.wait_indirect_dma semaphore(%arg13 : memref<!tpu.dma_semaphore, #tpu.memory_space<semaphore_mem>>) src(%dma_wait3A_223 : memref<10240x128xf32, #tpu.memory_space<hbm>>) dst(%dma_wait3A_217 : memref<128x128xf32, #tpu.memory_space<vmem>>)
        %add3A_224 = arith.constant 1 : i32
        %add3A_225 = arith.addi %mul3A_176, %add3A_224 : i32
        %run_scoped3A_226 = arith.constant 1 : i32
        "tpu.region"() ({
          %run_scoped3A_227 = tpu.sem_alloc : memref<!tpu.dma_semaphore, #tpu.memory_space<semaphore_mem>>
          %dma_start3A_228 = arith.constant 0 : i32
          %dma_start3A_229 = arith.constant 0 : i32
          %dma_start3A_230 = tpu.memref_slice %arg9[%run_scoped3A_226, %dma_start3A_228, %dma_start3A_229] : memref<2x128x128xf32, #tpu.memory_space<vmem>> -> memref<1x128x128xf32, #tpu.memory_space<vmem>>
          %dma_start3A_231 = tpu.memref_squeeze %dma_start3A_230 : memref<1x128x128xf32, #tpu.memory_space<vmem>> -> memref<128x128xf32, #tpu.memory_space<vmem>>
          %dma_start3A_232 = arith.constant 0 : i32
          %dma_start3A_233 = tpu.memref_slice %arg8[%add3A_225, %dma_start3A_232] : memref<8x128xi32, #tpu.memory_space<vmem>> -> memref<1x128xi32, #tpu.memory_space<vmem>>
          %dma_start3A_234 = tpu.memref_squeeze %dma_start3A_233 : memref<1x128xi32, #tpu.memory_space<vmem>> -> memref<128xi32, #tpu.memory_space<vmem>>
          %dma_start3A_235 = arith.constant 0 : i32
          %dma_start3A_236 = arith.constant 0 : i32
          %dma_start3A_237 = tpu.memref_slice %arg11[%dma_start3A_235, %dma_start3A_236] : memref<10240x128xf32, #tpu.memory_space<vmem_shared>> -> memref<10240x128xf32, #tpu.memory_space<vmem_shared>>
          tpu.enqueue_indirect_dma source(%dma_start3A_231 : memref<128x128xf32, #tpu.memory_space<vmem>>) target(%dma_start3A_237 : memref<10240x128xf32, #tpu.memory_space<vmem_shared>>) offsets(%dma_start3A_234 : memref<128xi32, #tpu.memory_space<vmem>>) semaphore(%run_scoped3A_227 : memref<!tpu.dma_semaphore, #tpu.memory_space<semaphore_mem>>) {add = true}
          %dma_wait3A_238 = arith.constant 0 : i32
          %dma_wait3A_239 = arith.constant 0 : i32
          %dma_wait3A_240 = tpu.memref_slice %arg9[%run_scoped3A_226, %dma_wait3A_238, %dma_wait3A_239] : memref<2x128x128xf32, #tpu.memory_space<vmem>> -> memref<1x128x128xf32, #tpu.memory_space<vmem>>
          %dma_wait3A_241 = tpu.memref_squeeze %dma_wait3A_240 : memref<1x128x128xf32, #tpu.memory_space<vmem>> -> memref<128x128xf32, #tpu.memory_space<vmem>>
          %dma_wait3A_242 = arith.constant 0 : i32
          %dma_wait3A_243 = tpu.memref_slice %arg8[%add3A_225, %dma_wait3A_242] : memref<8x128xi32, #tpu.memory_space<vmem>> -> memref<1x128xi32, #tpu.memory_space<vmem>>
          %dma_wait3A_244 = tpu.memref_squeeze %dma_wait3A_243 : memref<1x128xi32, #tpu.memory_space<vmem>> -> memref<128xi32, #tpu.memory_space<vmem>>
          %dma_wait3A_245 = arith.constant 0 : i32
          %dma_wait3A_246 = arith.constant 0 : i32
          %dma_wait3A_247 = tpu.memref_slice %arg11[%dma_wait3A_245, %dma_wait3A_246] : memref<10240x128xf32, #tpu.memory_space<vmem_shared>> -> memref<10240x128xf32, #tpu.memory_space<vmem_shared>>
          tpu.wait_indirect_dma semaphore(%run_scoped3A_227 : memref<!tpu.dma_semaphore, #tpu.memory_space<semaphore_mem>>) src(%dma_wait3A_241 : memref<128x128xf32, #tpu.memory_space<vmem>>) dst(%dma_wait3A_247 : memref<10240x128xf32, #tpu.memory_space<vmem_shared>>)
          tpu.yield
        }) : () -> ()
      }
      %scan3A_173 = arith.constant 4 : i32
    }
    %while3A_46 = arith.constant 1 : i32
    scf.for %while3A_164 = %while3A_44 to %while3A_40 step %while3A_46  : i32 {
      %mul3A_165 = arith.constant 8 : i32
      %mul3A_166 = arith.muli %while3A_164, %mul3A_165 : i32
      %add3A_167 = arith.addi %select_n3A, %mul3A_166 : i32
      "tpu.region"() ({
        %run_scoped3A_174 = tpu.sem_alloc : memref<!tpu.dma_semaphore, #tpu.memory_space<semaphore_mem>>
        %dma_start3A_175 = arith.constant 0 : i32
        %dma_start3A_176 = tpu.memref_slice %arg3[%add3A_167, %dma_start3A_175] : memref<2560x128xi32, #tpu.memory_space<hbm>> -> memref<8x128xi32, #tpu.memory_space<hbm>>
        %dma_start3A_177 = arith.constant 0 : i32
        %dma_start3A_178 = tpu.memref_slice %arg3[%add3A_167, %dma_start3A_177] : memref<2560x128xi32, #tpu.memory_space<hbm>> -> memref<8x128xi32, #tpu.memory_space<hbm>>
        tpu.enqueue_dma source(%dma_start3A_178 : memref<8x128xi32, #tpu.memory_space<hbm>>) target(%arg7 : memref<8x128xi32, #tpu.memory_space<vmem>>) target_semaphore(%run_scoped3A_174 : memref<!tpu.dma_semaphore, #tpu.memory_space<semaphore_mem>>)
        %dma_wait3A_179 = arith.constant 0 : i32
        %dma_wait3A_180 = tpu.memref_slice %arg3[%add3A_167, %dma_wait3A_179] : memref<2560x128xi32, #tpu.memory_space<hbm>> -> memref<8x128xi32, #tpu.memory_space<hbm>>
        %dma_wait3A_181 = arith.constant 0 : i32
        %dma_wait3A_182 = tpu.memref_slice %arg3[%add3A_167, %dma_wait3A_181] : memref<2560x128xi32, #tpu.memory_space<hbm>> -> memref<8x128xi32, #tpu.memory_space<hbm>>
        tpu.wait_dma2 semaphore(%run_scoped3A_174 : memref<!tpu.dma_semaphore, #tpu.memory_space<semaphore_mem>>) src(%dma_wait3A_182 : memref<8x128xi32, #tpu.memory_space<hbm>>) dst(%arg7 : memref<8x128xi32, #tpu.memory_space<vmem>>)
        tpu.yield
      }) : () -> ()
      "tpu.region"() ({
        %run_scoped3A_174 = tpu.sem_alloc : memref<!tpu.dma_semaphore, #tpu.memory_space<semaphore_mem>>
        %dma_start3A_175 = arith.constant 0 : i32
        %dma_start3A_176 = tpu.memref_slice %arg4[%add3A_167, %dma_start3A_175] : memref<2560x128xi32, #tpu.memory_space<hbm>> -> memref<8x128xi32, #tpu.memory_space<hbm>>
        %dma_start3A_177 = arith.constant 0 : i32
        %dma_start3A_178 = tpu.memref_slice %arg4[%add3A_167, %dma_start3A_177] : memref<2560x128xi32, #tpu.memory_space<hbm>> -> memref<8x128xi32, #tpu.memory_space<hbm>>
        tpu.enqueue_dma source(%dma_start3A_178 : memref<8x128xi32, #tpu.memory_space<hbm>>) target(%arg8 : memref<8x128xi32, #tpu.memory_space<vmem>>) target_semaphore(%run_scoped3A_174 : memref<!tpu.dma_semaphore, #tpu.memory_space<semaphore_mem>>)
        %dma_wait3A_179 = arith.constant 0 : i32
        %dma_wait3A_180 = tpu.memref_slice %arg4[%add3A_167, %dma_wait3A_179] : memref<2560x128xi32, #tpu.memory_space<hbm>> -> memref<8x128xi32, #tpu.memory_space<hbm>>
        %dma_wait3A_181 = arith.constant 0 : i32
        %dma_wait3A_182 = tpu.memref_slice %arg4[%add3A_167, %dma_wait3A_181] : memref<2560x128xi32, #tpu.memory_space<hbm>> -> memref<8x128xi32, #tpu.memory_space<hbm>>
        tpu.wait_dma2 semaphore(%run_scoped3A_174 : memref<!tpu.dma_semaphore, #tpu.memory_space<semaphore_mem>>) src(%dma_wait3A_182 : memref<8x128xi32, #tpu.memory_space<hbm>>) dst(%arg8 : memref<8x128xi32, #tpu.memory_space<vmem>>)
        tpu.yield
      }) : () -> ()
      %scan3A_168 = arith.constant 0 : i32
      %scan3A_169 = arith.constant 0 : i32
      %scan3A_170 = arith.constant 4 : i32
      %scan3A_171 = arith.addi %scan3A_169, %scan3A_170 : i32
      %scan3A_172 = arith.constant 1 : i32
      scf.for %scan3A_174 = %scan3A_169 to %scan3A_171 step %scan3A_172  : i32 {
        %mul3A_175 = arith.constant 2 : i32
        %mul3A_176 = arith.muli %mul3A_175, %scan3A_174 : i32
        %dma_start3A_177 = arith.constant 0 : i32
        %dma_start3A_178 = arith.constant 0 : i32
        %dma_start3A_179 = arith.constant 0 : i32
        %dma_start3A_180 = tpu.memref_slice %arg9[%dma_start3A_177, %dma_start3A_178, %dma_start3A_179] : memref<2x128x128xf32, #tpu.memory_space<vmem>> -> memref<1x128x128xf32, #tpu.memory_space<vmem>>
        %dma_start3A_181 = tpu.memref_squeeze %dma_start3A_180 : memref<1x128x128xf32, #tpu.memory_space<vmem>> -> memref<128x128xf32, #tpu.memory_space<vmem>>
        %dma_start3A_182 = arith.constant 0 : i32
        %dma_start3A_183 = tpu.memref_slice %arg7[%mul3A_176, %dma_start3A_182] : memref<8x128xi32, #tpu.memory_space<vmem>> -> memref<1x128xi32, #tpu.memory_space<vmem>>
        %dma_start3A_184 = tpu.memref_squeeze %dma_start3A_183 : memref<1x128xi32, #tpu.memory_space<vmem>> -> memref<128xi32, #tpu.memory_space<vmem>>
        %dma_start3A_185 = arith.constant 0 : i32
        %dma_start3A_186 = arith.constant 0 : i32
        %dma_start3A_187 = tpu.memref_slice %arg2[%dma_start3A_185, %dma_start3A_186] : memref<10240x128xf32, #tpu.memory_space<hbm>> -> memref<10240x128xf32, #tpu.memory_space<hbm>>
        tpu.enqueue_indirect_dma source(%dma_start3A_187 : memref<10240x128xf32, #tpu.memory_space<hbm>>) target(%dma_start3A_181 : memref<128x128xf32, #tpu.memory_space<vmem>>) offsets(%dma_start3A_184 : memref<128xi32, #tpu.memory_space<vmem>>) semaphore(%arg12 : memref<!tpu.dma_semaphore, #tpu.memory_space<semaphore_mem>>)
        %add3A_188 = arith.constant 1 : i32
        %add3A_189 = arith.addi %mul3A_176, %add3A_188 : i32
        %dma_start3A_190 = arith.constant 1 : i32
        %dma_start3A_191 = arith.constant 0 : i32
        %dma_start3A_192 = arith.constant 0 : i32
        %dma_start3A_193 = tpu.memref_slice %arg9[%dma_start3A_190, %dma_start3A_191, %dma_start3A_192] : memref<2x128x128xf32, #tpu.memory_space<vmem>> -> memref<1x128x128xf32, #tpu.memory_space<vmem>>
        %dma_start3A_194 = tpu.memref_squeeze %dma_start3A_193 : memref<1x128x128xf32, #tpu.memory_space<vmem>> -> memref<128x128xf32, #tpu.memory_space<vmem>>
        %dma_start3A_195 = arith.constant 0 : i32
        %dma_start3A_196 = tpu.memref_slice %arg7[%add3A_189, %dma_start3A_195] : memref<8x128xi32, #tpu.memory_space<vmem>> -> memref<1x128xi32, #tpu.memory_space<vmem>>
        %dma_start3A_197 = tpu.memref_squeeze %dma_start3A_196 : memref<1x128xi32, #tpu.memory_space<vmem>> -> memref<128xi32, #tpu.memory_space<vmem>>
        %dma_start3A_198 = arith.constant 0 : i32
        %dma_start3A_199 = arith.constant 0 : i32
        %dma_start3A_200 = tpu.memref_slice %arg2[%dma_start3A_198, %dma_start3A_199] : memref<10240x128xf32, #tpu.memory_space<hbm>> -> memref<10240x128xf32, #tpu.memory_space<hbm>>
        tpu.enqueue_indirect_dma source(%dma_start3A_200 : memref<10240x128xf32, #tpu.memory_space<hbm>>) target(%dma_start3A_194 : memref<128x128xf32, #tpu.memory_space<vmem>>) offsets(%dma_start3A_197 : memref<128xi32, #tpu.memory_space<vmem>>) semaphore(%arg13 : memref<!tpu.dma_semaphore, #tpu.memory_space<semaphore_mem>>)
        %dma_wait3A_201 = arith.constant 0 : i32
        %dma_wait3A_202 = arith.constant 0 : i32
        %dma_wait3A_203 = arith.constant 0 : i32
        %dma_wait3A_204 = tpu.memref_slice %arg9[%dma_wait3A_201, %dma_wait3A_202, %dma_wait3A_203] : memref<2x128x128xf32, #tpu.memory_space<vmem>> -> memref<1x128x128xf32, #tpu.memory_space<vmem>>
        %dma_wait3A_205 = tpu.memref_squeeze %dma_wait3A_204 : memref<1x128x128xf32, #tpu.memory_space<vmem>> -> memref<128x128xf32, #tpu.memory_space<vmem>>
        %dma_wait3A_206 = arith.constant 0 : i32
        %dma_wait3A_207 = tpu.memref_slice %arg7[%mul3A_176, %dma_wait3A_206] : memref<8x128xi32, #tpu.memory_space<vmem>> -> memref<1x128xi32, #tpu.memory_space<vmem>>
        %dma_wait3A_208 = tpu.memref_squeeze %dma_wait3A_207 : memref<1x128xi32, #tpu.memory_space<vmem>> -> memref<128xi32, #tpu.memory_space<vmem>>
        %dma_wait3A_209 = arith.constant 0 : i32
        %dma_wait3A_210 = arith.constant 0 : i32
        %dma_wait3A_211 = tpu.memref_slice %arg2[%dma_wait3A_209, %dma_wait3A_210] : memref<10240x128xf32, #tpu.memory_space<hbm>> -> memref<10240x128xf32, #tpu.memory_space<hbm>>
        tpu.wait_indirect_dma semaphore(%arg12 : memref<!tpu.dma_semaphore, #tpu.memory_space<semaphore_mem>>) src(%dma_wait3A_211 : memref<10240x128xf32, #tpu.memory_space<hbm>>) dst(%dma_wait3A_205 : memref<128x128xf32, #tpu.memory_space<vmem>>)
        %run_scoped3A_212 = arith.constant 0 : i32
        "tpu.region"() ({
          %run_scoped3A_227 = tpu.sem_alloc : memref<!tpu.dma_semaphore, #tpu.memory_space<semaphore_mem>>
          %dma_start3A_228 = arith.constant 0 : i32
          %dma_start3A_229 = arith.constant 0 : i32
          %dma_start3A_230 = tpu.memref_slice %arg9[%run_scoped3A_212, %dma_start3A_228, %dma_start3A_229] : memref<2x128x128xf32, #tpu.memory_space<vmem>> -> memref<1x128x128xf32, #tpu.memory_space<vmem>>
          %dma_start3A_231 = tpu.memref_squeeze %dma_start3A_230 : memref<1x128x128xf32, #tpu.memory_space<vmem>> -> memref<128x128xf32, #tpu.memory_space<vmem>>
          %dma_start3A_232 = arith.constant 0 : i32
          %dma_start3A_233 = tpu.memref_slice %arg8[%mul3A_176, %dma_start3A_232] : memref<8x128xi32, #tpu.memory_space<vmem>> -> memref<1x128xi32, #tpu.memory_space<vmem>>
          %dma_start3A_234 = tpu.memref_squeeze %dma_start3A_233 : memref<1x128xi32, #tpu.memory_space<vmem>> -> memref<128xi32, #tpu.memory_space<vmem>>
          %dma_start3A_235 = arith.constant 0 : i32
          %dma_start3A_236 = arith.constant 0 : i32
          %dma_start3A_237 = tpu.memref_slice %arg11[%dma_start3A_235, %dma_start3A_236] : memref<10240x128xf32, #tpu.memory_space<vmem_shared>> -> memref<10240x128xf32, #tpu.memory_space<vmem_shared>>
          tpu.enqueue_indirect_dma source(%dma_start3A_231 : memref<128x128xf32, #tpu.memory_space<vmem>>) target(%dma_start3A_237 : memref<10240x128xf32, #tpu.memory_space<vmem_shared>>) offsets(%dma_start3A_234 : memref<128xi32, #tpu.memory_space<vmem>>) semaphore(%run_scoped3A_227 : memref<!tpu.dma_semaphore, #tpu.memory_space<semaphore_mem>>) {add = true}
          %dma_wait3A_238 = arith.constant 0 : i32
          %dma_wait3A_239 = arith.constant 0 : i32
          %dma_wait3A_240 = tpu.memref_slice %arg9[%run_scoped3A_212, %dma_wait3A_238, %dma_wait3A_239] : memref<2x128x128xf32, #tpu.memory_space<vmem>> -> memref<1x128x128xf32, #tpu.memory_space<vmem>>
          %dma_wait3A_241 = tpu.memref_squeeze %dma_wait3A_240 : memref<1x128x128xf32, #tpu.memory_space<vmem>> -> memref<128x128xf32, #tpu.memory_space<vmem>>
          %dma_wait3A_242 = arith.constant 0 : i32
          %dma_wait3A_243 = tpu.memref_slice %arg8[%mul3A_176, %dma_wait3A_242] : memref<8x128xi32, #tpu.memory_space<vmem>> -> memref<1x128xi32, #tpu.memory_space<vmem>>
          %dma_wait3A_244 = tpu.memref_squeeze %dma_wait3A_243 : memref<1x128xi32, #tpu.memory_space<vmem>> -> memref<128xi32, #tpu.memory_space<vmem>>
          %dma_wait3A_245 = arith.constant 0 : i32
          %dma_wait3A_246 = arith.constant 0 : i32
          %dma_wait3A_247 = tpu.memref_slice %arg11[%dma_wait3A_245, %dma_wait3A_246] : memref<10240x128xf32, #tpu.memory_space<vmem_shared>> -> memref<10240x128xf32, #tpu.memory_space<vmem_shared>>
          tpu.wait_indirect_dma semaphore(%run_scoped3A_227 : memref<!tpu.dma_semaphore, #tpu.memory_space<semaphore_mem>>) src(%dma_wait3A_241 : memref<128x128xf32, #tpu.memory_space<vmem>>) dst(%dma_wait3A_247 : memref<10240x128xf32, #tpu.memory_space<vmem_shared>>)
          tpu.yield
        }) : () -> ()
        %dma_wait3A_213 = arith.constant 1 : i32
        %dma_wait3A_214 = arith.constant 0 : i32
        %dma_wait3A_215 = arith.constant 0 : i32
        %dma_wait3A_216 = tpu.memref_slice %arg9[%dma_wait3A_213, %dma_wait3A_214, %dma_wait3A_215] : memref<2x128x128xf32, #tpu.memory_space<vmem>> -> memref<1x128x128xf32, #tpu.memory_space<vmem>>
        %dma_wait3A_217 = tpu.memref_squeeze %dma_wait3A_216 : memref<1x128x128xf32, #tpu.memory_space<vmem>> -> memref<128x128xf32, #tpu.memory_space<vmem>>
        %dma_wait3A_218 = arith.constant 0 : i32
        %dma_wait3A_219 = tpu.memref_slice %arg7[%add3A_189, %dma_wait3A_218] : memref<8x128xi32, #tpu.memory_space<vmem>> -> memref<1x128xi32, #tpu.memory_space<vmem>>
        %dma_wait3A_220 = tpu.memref_squeeze %dma_wait3A_219 : memref<1x128xi32, #tpu.memory_space<vmem>> -> memref<128xi32, #tpu.memory_space<vmem>>
        %dma_wait3A_221 = arith.constant 0 : i32
        %dma_wait3A_222 = arith.constant 0 : i32
        %dma_wait3A_223 = tpu.memref_slice %arg2[%dma_wait3A_221, %dma_wait3A_222] : memref<10240x128xf32, #tpu.memory_space<hbm>> -> memref<10240x128xf32, #tpu.memory_space<hbm>>
        tpu.wait_indirect_dma semaphore(%arg13 : memref<!tpu.dma_semaphore, #tpu.memory_space<semaphore_mem>>) src(%dma_wait3A_223 : memref<10240x128xf32, #tpu.memory_space<hbm>>) dst(%dma_wait3A_217 : memref<128x128xf32, #tpu.memory_space<vmem>>)
        %add3A_224 = arith.constant 1 : i32
        %add3A_225 = arith.addi %mul3A_176, %add3A_224 : i32
        %run_scoped3A_226 = arith.constant 1 : i32
        "tpu.region"() ({
          %run_scoped3A_227 = tpu.sem_alloc : memref<!tpu.dma_semaphore, #tpu.memory_space<semaphore_mem>>
          %dma_start3A_228 = arith.constant 0 : i32
          %dma_start3A_229 = arith.constant 0 : i32
          %dma_start3A_230 = tpu.memref_slice %arg9[%run_scoped3A_226, %dma_start3A_228, %dma_start3A_229] : memref<2x128x128xf32, #tpu.memory_space<vmem>> -> memref<1x128x128xf32, #tpu.memory_space<vmem>>
          %dma_start3A_231 = tpu.memref_squeeze %dma_start3A_230 : memref<1x128x128xf32, #tpu.memory_space<vmem>> -> memref<128x128xf32, #tpu.memory_space<vmem>>
          %dma_start3A_232 = arith.constant 0 : i32
          %dma_start3A_233 = tpu.memref_slice %arg8[%add3A_225, %dma_start3A_232] : memref<8x128xi32, #tpu.memory_space<vmem>> -> memref<1x128xi32, #tpu.memory_space<vmem>>
          %dma_start3A_234 = tpu.memref_squeeze %dma_start3A_233 : memref<1x128xi32, #tpu.memory_space<vmem>> -> memref<128xi32, #tpu.memory_space<vmem>>
          %dma_start3A_235 = arith.constant 0 : i32
          %dma_start3A_236 = arith.constant 0 : i32
          %dma_start3A_237 = tpu.memref_slice %arg11[%dma_start3A_235, %dma_start3A_236] : memref<10240x128xf32, #tpu.memory_space<vmem_shared>> -> memref<10240x128xf32, #tpu.memory_space<vmem_shared>>
          tpu.enqueue_indirect_dma source(%dma_start3A_231 : memref<128x128xf32, #tpu.memory_space<vmem>>) target(%dma_start3A_237 : memref<10240x128xf32, #tpu.memory_space<vmem_shared>>) offsets(%dma_start3A_234 : memref<128xi32, #tpu.memory_space<vmem>>) semaphore(%run_scoped3A_227 : memref<!tpu.dma_semaphore, #tpu.memory_space<semaphore_mem>>) {add = true}
          %dma_wait3A_238 = arith.constant 0 : i32
          %dma_wait3A_239 = arith.constant 0 : i32
          %dma_wait3A_240 = tpu.memref_slice %arg9[%run_scoped3A_226, %dma_wait3A_238, %dma_wait3A_239] : memref<2x128x128xf32, #tpu.memory_space<vmem>> -> memref<1x128x128xf32, #tpu.memory_space<vmem>>
          %dma_wait3A_241 = tpu.memref_squeeze %dma_wait3A_240 : memref<1x128x128xf32, #tpu.memory_space<vmem>> -> memref<128x128xf32, #tpu.memory_space<vmem>>
          %dma_wait3A_242 = arith.constant 0 : i32
          %dma_wait3A_243 = tpu.memref_slice %arg8[%add3A_225, %dma_wait3A_242] : memref<8x128xi32, #tpu.memory_space<vmem>> -> memref<1x128xi32, #tpu.memory_space<vmem>>
          %dma_wait3A_244 = tpu.memref_squeeze %dma_wait3A_243 : memref<1x128xi32, #tpu.memory_space<vmem>> -> memref<128xi32, #tpu.memory_space<vmem>>
          %dma_wait3A_245 = arith.constant 0 : i32
          %dma_wait3A_246 = arith.constant 0 : i32
          %dma_wait3A_247 = tpu.memref_slice %arg11[%dma_wait3A_245, %dma_wait3A_246] : memref<10240x128xf32, #tpu.memory_space<vmem_shared>> -> memref<10240x128xf32, #tpu.memory_space<vmem_shared>>
          tpu.wait_indirect_dma semaphore(%run_scoped3A_227 : memref<!tpu.dma_semaphore, #tpu.memory_space<semaphore_mem>>) src(%dma_wait3A_241 : memref<128x128xf32, #tpu.memory_space<vmem>>) dst(%dma_wait3A_247 : memref<10240x128xf32, #tpu.memory_space<vmem_shared>>)
          tpu.yield
        }) : () -> ()
      }
      %scan3A_173 = arith.constant 4 : i32
    }
    %barrier3A_47 = arith.constant 0 : index
    tpu.barrier barrier_id(%barrier3A_47)
    %dma_start3A = arith.constant 0 : i32
    %dma_start3A_48 = arith.constant 0 : i32
    %dma_start3A_49 = arith.constant 0 : i32
    %dma_start3A_50 = arith.constant 0 : i32
    %dma_start3A_51 = tpu.memref_slice %arg9[%dma_start3A_48, %dma_start3A_49, %dma_start3A_50] : memref<2x128x128xf32, #tpu.memory_space<vmem>> -> memref<1x128x128xf32, #tpu.memory_space<vmem>>
    %dma_start3A_52 = tpu.memref_squeeze %dma_start3A_51 : memref<1x128x128xf32, #tpu.memory_space<vmem>> -> memref<128x128xf32, #tpu.memory_space<vmem>>
    %dma_start3A_53 = arith.constant 0 : i32
    %dma_start3A_54 = tpu.memref_slice %arg10[%dma_start3A, %dma_start3A_53] : memref<2x128xi32, #tpu.memory_space<vmem>> -> memref<1x128xi32, #tpu.memory_space<vmem>>
    %dma_start3A_55 = tpu.memref_squeeze %dma_start3A_54 : memref<1x128xi32, #tpu.memory_space<vmem>> -> memref<128xi32, #tpu.memory_space<vmem>>
    %dma_start3A_56 = arith.constant 0 : i32
    %dma_start3A_57 = arith.constant 0 : i32
    %dma_start3A_58 = tpu.memref_slice %arg11[%dma_start3A_56, %dma_start3A_57] : memref<10240x128xf32, #tpu.memory_space<vmem_shared>> -> memref<10240x128xf32, #tpu.memory_space<vmem_shared>>
    tpu.enqueue_indirect_dma source(%dma_start3A_58 : memref<10240x128xf32, #tpu.memory_space<vmem_shared>>) target(%dma_start3A_52 : memref<128x128xf32, #tpu.memory_space<vmem>>) offsets(%dma_start3A_55 : memref<128xi32, #tpu.memory_space<vmem>>) semaphore(%arg12 : memref<!tpu.dma_semaphore, #tpu.memory_space<semaphore_mem>>)
    %dma_start3A_59 = arith.constant 1 : i32
    %dma_start3A_60 = arith.constant 1 : i32
    %dma_start3A_61 = arith.constant 0 : i32
    %dma_start3A_62 = arith.constant 0 : i32
    %dma_start3A_63 = tpu.memref_slice %arg9[%dma_start3A_60, %dma_start3A_61, %dma_start3A_62] : memref<2x128x128xf32, #tpu.memory_space<vmem>> -> memref<1x128x128xf32, #tpu.memory_space<vmem>>
    %dma_start3A_64 = tpu.memref_squeeze %dma_start3A_63 : memref<1x128x128xf32, #tpu.memory_space<vmem>> -> memref<128x128xf32, #tpu.memory_space<vmem>>
    %dma_start3A_65 = arith.constant 0 : i32
    %dma_start3A_66 = tpu.memref_slice %arg10[%dma_start3A_59, %dma_start3A_65] : memref<2x128xi32, #tpu.memory_space<vmem>> -> memref<1x128xi32, #tpu.memory_space<vmem>>
    %dma_start3A_67 = tpu.memref_squeeze %dma_start3A_66 : memref<1x128xi32, #tpu.memory_space<vmem>> -> memref<128xi32, #tpu.memory_space<vmem>>
    %dma_start3A_68 = arith.constant 0 : i32
    %dma_start3A_69 = arith.constant 0 : i32
    %dma_start3A_70 = tpu.memref_slice %arg11[%dma_start3A_68, %dma_start3A_69] : memref<10240x128xf32, #tpu.memory_space<vmem_shared>> -> memref<10240x128xf32, #tpu.memory_space<vmem_shared>>
    tpu.enqueue_indirect_dma source(%dma_start3A_70 : memref<10240x128xf32, #tpu.memory_space<vmem_shared>>) target(%dma_start3A_64 : memref<128x128xf32, #tpu.memory_space<vmem>>) offsets(%dma_start3A_67 : memref<128xi32, #tpu.memory_space<vmem>>) semaphore(%arg13 : memref<!tpu.dma_semaphore, #tpu.memory_space<semaphore_mem>>)
    %dma_wait3A = arith.constant 0 : i32
    %dma_wait3A_71 = arith.constant 0 : i32
    %dma_wait3A_72 = arith.constant 0 : i32
    %dma_wait3A_73 = arith.constant 0 : i32
    %dma_wait3A_74 = tpu.memref_slice %arg9[%dma_wait3A_71, %dma_wait3A_72, %dma_wait3A_73] : memref<2x128x128xf32, #tpu.memory_space<vmem>> -> memref<1x128x128xf32, #tpu.memory_space<vmem>>
    %dma_wait3A_75 = tpu.memref_squeeze %dma_wait3A_74 : memref<1x128x128xf32, #tpu.memory_space<vmem>> -> memref<128x128xf32, #tpu.memory_space<vmem>>
    %dma_wait3A_76 = arith.constant 0 : i32
    %dma_wait3A_77 = tpu.memref_slice %arg10[%dma_wait3A, %dma_wait3A_76] : memref<2x128xi32, #tpu.memory_space<vmem>> -> memref<1x128xi32, #tpu.memory_space<vmem>>
    %dma_wait3A_78 = tpu.memref_squeeze %dma_wait3A_77 : memref<1x128xi32, #tpu.memory_space<vmem>> -> memref<128xi32, #tpu.memory_space<vmem>>
    %dma_wait3A_79 = arith.constant 0 : i32
    %dma_wait3A_80 = arith.constant 0 : i32
    %dma_wait3A_81 = tpu.memref_slice %arg11[%dma_wait3A_79, %dma_wait3A_80] : memref<10240x128xf32, #tpu.memory_space<vmem_shared>> -> memref<10240x128xf32, #tpu.memory_space<vmem_shared>>
    tpu.wait_indirect_dma semaphore(%arg12 : memref<!tpu.dma_semaphore, #tpu.memory_space<semaphore_mem>>) src(%dma_wait3A_81 : memref<10240x128xf32, #tpu.memory_space<vmem_shared>>) dst(%dma_wait3A_75 : memref<128x128xf32, #tpu.memory_space<vmem>>)
    %mul3A_82 = arith.constant 2 : i32
    %mul3A_83 = arith.muli %mul3A_82, %arg1 : i32
    %mul3A_84 = arith.constant 128 : i32
    %mul3A_85 = arith.muli %mul3A_83, %mul3A_84 : i32
    %dma_start3A_86 = arith.constant 0 : i32
    %dma_start3A_87 = arith.constant 0 : i32
    %dma_start3A_88 = arith.constant 0 : i32
    %dma_start3A_89 = tpu.memref_slice %arg9[%dma_start3A_86, %dma_start3A_87, %dma_start3A_88] : memref<2x128x128xf32, #tpu.memory_space<vmem>> -> memref<1x128x128xf32, #tpu.memory_space<vmem>>
    %dma_start3A_90 = tpu.memref_squeeze %dma_start3A_89 : memref<1x128x128xf32, #tpu.memory_space<vmem>> -> memref<128x128xf32, #tpu.memory_space<vmem>>
    %dma_start3A_91 = arith.constant 0 : i32
    %dma_start3A_92 = tpu.memref_slice %arg6[%arg0, %mul3A_85, %dma_start3A_91] : memref<2x4096x128xf32, #tpu.memory_space<hbm>> -> memref<1x128x128xf32, #tpu.memory_space<hbm>>
    %dma_start3A_93 = tpu.memref_squeeze %dma_start3A_92 : memref<1x128x128xf32, #tpu.memory_space<hbm>> -> memref<128x128xf32, #tpu.memory_space<hbm>>
    %dma_start3A_94 = arith.constant 0 : i32
    %dma_start3A_95 = tpu.memref_slice %arg6[%arg0, %mul3A_85, %dma_start3A_94] : memref<2x4096x128xf32, #tpu.memory_space<hbm>> -> memref<1x128x128xf32, #tpu.memory_space<hbm>>
    %dma_start3A_96 = tpu.memref_squeeze %dma_start3A_95 : memref<1x128x128xf32, #tpu.memory_space<hbm>> -> memref<128x128xf32, #tpu.memory_space<hbm>>
    %dma_start3A_97 = arith.constant 0 : i32
    %dma_start3A_98 = arith.constant 0 : i32
    %dma_start3A_99 = tpu.memref_slice %arg9[%dma_start3A_86, %dma_start3A_97, %dma_start3A_98] : memref<2x128x128xf32, #tpu.memory_space<vmem>> -> memref<1x128x128xf32, #tpu.memory_space<vmem>>
    %dma_start3A_100 = tpu.memref_squeeze %dma_start3A_99 : memref<1x128x128xf32, #tpu.memory_space<vmem>> -> memref<128x128xf32, #tpu.memory_space<vmem>>
    tpu.enqueue_dma source(%dma_start3A_100 : memref<128x128xf32, #tpu.memory_space<vmem>>) target(%dma_start3A_96 : memref<128x128xf32, #tpu.memory_space<hbm>>) target_semaphore(%arg12 : memref<!tpu.dma_semaphore, #tpu.memory_space<semaphore_mem>>)
    %dma_wait3A_101 = arith.constant 1 : i32
    %dma_wait3A_102 = arith.constant 1 : i32
    %dma_wait3A_103 = arith.constant 0 : i32
    %dma_wait3A_104 = arith.constant 0 : i32
    %dma_wait3A_105 = tpu.memref_slice %arg9[%dma_wait3A_102, %dma_wait3A_103, %dma_wait3A_104] : memref<2x128x128xf32, #tpu.memory_space<vmem>> -> memref<1x128x128xf32, #tpu.memory_space<vmem>>
    %dma_wait3A_106 = tpu.memref_squeeze %dma_wait3A_105 : memref<1x128x128xf32, #tpu.memory_space<vmem>> -> memref<128x128xf32, #tpu.memory_space<vmem>>
    %dma_wait3A_107 = arith.constant 0 : i32
    %dma_wait3A_108 = tpu.memref_slice %arg10[%dma_wait3A_101, %dma_wait3A_107] : memref<2x128xi32, #tpu.memory_space<vmem>> -> memref<1x128xi32, #tpu.memory_space<vmem>>
    %dma_wait3A_109 = tpu.memref_squeeze %dma_wait3A_108 : memref<1x128xi32, #tpu.memory_space<vmem>> -> memref<128xi32, #tpu.memory_space<vmem>>
    %dma_wait3A_110 = arith.constant 0 : i32
    %dma_wait3A_111 = arith.constant 0 : i32
    %dma_wait3A_112 = tpu.memref_slice %arg11[%dma_wait3A_110, %dma_wait3A_111] : memref<10240x128xf32, #tpu.memory_space<vmem_shared>> -> memref<10240x128xf32, #tpu.memory_space<vmem_shared>>
    tpu.wait_indirect_dma semaphore(%arg13 : memref<!tpu.dma_semaphore, #tpu.memory_space<semaphore_mem>>) src(%dma_wait3A_112 : memref<10240x128xf32, #tpu.memory_space<vmem_shared>>) dst(%dma_wait3A_106 : memref<128x128xf32, #tpu.memory_space<vmem>>)
    %mul3A_113 = arith.constant 2 : i32
    %mul3A_114 = arith.muli %mul3A_113, %arg1 : i32
    %add3A_115 = arith.constant 1 : i32
    %add3A_116 = arith.addi %mul3A_114, %add3A_115 : i32
    %mul3A_117 = arith.constant 128 : i32
    %mul3A_118 = arith.muli %add3A_116, %mul3A_117 : i32
    %dma_start3A_119 = arith.constant 1 : i32
    %dma_start3A_120 = arith.constant 0 : i32
    %dma_start3A_121 = arith.constant 0 : i32
    %dma_start3A_122 = tpu.memref_slice %arg9[%dma_start3A_119, %dma_start3A_120, %dma_start3A_121] : memref<2x128x128xf32, #tpu.memory_space<vmem>> -> memref<1x128x128xf32, #tpu.memory_space<vmem>>
    %dma_start3A_123 = tpu.memref_squeeze %dma_start3A_122 : memref<1x128x128xf32, #tpu.memory_space<vmem>> -> memref<128x128xf32, #tpu.memory_space<vmem>>
    %dma_start3A_124 = arith.constant 0 : i32
    %dma_start3A_125 = tpu.memref_slice %arg6[%arg0, %mul3A_118, %dma_start3A_124] : memref<2x4096x128xf32, #tpu.memory_space<hbm>> -> memref<1x128x128xf32, #tpu.memory_space<hbm>>
    %dma_start3A_126 = tpu.memref_squeeze %dma_start3A_125 : memref<1x128x128xf32, #tpu.memory_space<hbm>> -> memref<128x128xf32, #tpu.memory_space<hbm>>
    %dma_start3A_127 = arith.constant 0 : i32
    %dma_start3A_128 = tpu.memref_slice %arg6[%arg0, %mul3A_118, %dma_start3A_127] : memref<2x4096x128xf32, #tpu.memory_space<hbm>> -> memref<1x128x128xf32, #tpu.memory_space<hbm>>
    %dma_start3A_129 = tpu.memref_squeeze %dma_start3A_128 : memref<1x128x128xf32, #tpu.memory_space<hbm>> -> memref<128x128xf32, #tpu.memory_space<hbm>>
    %dma_start3A_130 = arith.constant 0 : i32
    %dma_start3A_131 = arith.constant 0 : i32
    %dma_start3A_132 = tpu.memref_slice %arg9[%dma_start3A_119, %dma_start3A_130, %dma_start3A_131] : memref<2x128x128xf32, #tpu.memory_space<vmem>> -> memref<1x128x128xf32, #tpu.memory_space<vmem>>
    %dma_start3A_133 = tpu.memref_squeeze %dma_start3A_132 : memref<1x128x128xf32, #tpu.memory_space<vmem>> -> memref<128x128xf32, #tpu.memory_space<vmem>>
    tpu.enqueue_dma source(%dma_start3A_133 : memref<128x128xf32, #tpu.memory_space<vmem>>) target(%dma_start3A_129 : memref<128x128xf32, #tpu.memory_space<hbm>>) target_semaphore(%arg13 : memref<!tpu.dma_semaphore, #tpu.memory_space<semaphore_mem>>)
    %dma_wait3A_134 = arith.constant 0 : i32
    %dma_wait3A_135 = arith.constant 0 : i32
    %dma_wait3A_136 = arith.constant 0 : i32
    %dma_wait3A_137 = tpu.memref_slice %arg9[%dma_wait3A_134, %dma_wait3A_135, %dma_wait3A_136] : memref<2x128x128xf32, #tpu.memory_space<vmem>> -> memref<1x128x128xf32, #tpu.memory_space<vmem>>
    %dma_wait3A_138 = tpu.memref_squeeze %dma_wait3A_137 : memref<1x128x128xf32, #tpu.memory_space<vmem>> -> memref<128x128xf32, #tpu.memory_space<vmem>>
    %dma_wait3A_139 = arith.constant 0 : i32
    %dma_wait3A_140 = tpu.memref_slice %arg6[%arg0, %mul3A_85, %dma_wait3A_139] : memref<2x4096x128xf32, #tpu.memory_space<hbm>> -> memref<1x128x128xf32, #tpu.memory_space<hbm>>
    %dma_wait3A_141 = tpu.memref_squeeze %dma_wait3A_140 : memref<1x128x128xf32, #tpu.memory_space<hbm>> -> memref<128x128xf32, #tpu.memory_space<hbm>>
    %dma_wait3A_142 = arith.constant 0 : i32
    %dma_wait3A_143 = tpu.memref_slice %arg6[%arg0, %mul3A_85, %dma_wait3A_142] : memref<2x4096x128xf32, #tpu.memory_space<hbm>> -> memref<1x128x128xf32, #tpu.memory_space<hbm>>
    %dma_wait3A_144 = tpu.memref_squeeze %dma_wait3A_143 : memref<1x128x128xf32, #tpu.memory_space<hbm>> -> memref<128x128xf32, #tpu.memory_space<hbm>>
    %dma_wait3A_145 = arith.constant 0 : i32
    %dma_wait3A_146 = arith.constant 0 : i32
    %dma_wait3A_147 = tpu.memref_slice %arg9[%dma_wait3A_134, %dma_wait3A_145, %dma_wait3A_146] : memref<2x128x128xf32, #tpu.memory_space<vmem>> -> memref<1x128x128xf32, #tpu.memory_space<vmem>>
    %dma_wait3A_148 = tpu.memref_squeeze %dma_wait3A_147 : memref<1x128x128xf32, #tpu.memory_space<vmem>> -> memref<128x128xf32, #tpu.memory_space<vmem>>
    tpu.wait_dma2 semaphore(%arg12 : memref<!tpu.dma_semaphore, #tpu.memory_space<semaphore_mem>>) src(%dma_wait3A_148 : memref<128x128xf32, #tpu.memory_space<vmem>>) dst(%dma_wait3A_144 : memref<128x128xf32, #tpu.memory_space<hbm>>)
    %dma_wait3A_149 = arith.constant 1 : i32
    %dma_wait3A_150 = arith.constant 0 : i32
    %dma_wait3A_151 = arith.constant 0 : i32
    %dma_wait3A_152 = tpu.memref_slice %arg9[%dma_wait3A_149, %dma_wait3A_150, %dma_wait3A_151] : memref<2x128x128xf32, #tpu.memory_space<vmem>> -> memref<1x128x128xf32, #tpu.memory_space<vmem>>
    %dma_wait3A_153 = tpu.memref_squeeze %dma_wait3A_152 : memref<1x128x128xf32, #tpu.memory_space<vmem>> -> memref<128x128xf32, #tpu.memory_space<vmem>>
    %dma_wait3A_154 = arith.constant 0 : i32
    %dma_wait3A_155 = tpu.memref_slice %arg6[%arg0, %mul3A_118, %dma_wait3A_154] : memref<2x4096x128xf32, #tpu.memory_space<hbm>> -> memref<1x128x128xf32, #tpu.memory_space<hbm>>
    %dma_wait3A_156 = tpu.memref_squeeze %dma_wait3A_155 : memref<1x128x128xf32, #tpu.memory_space<hbm>> -> memref<128x128xf32, #tpu.memory_space<hbm>>
    %dma_wait3A_157 = arith.constant 0 : i32
    %dma_wait3A_158 = tpu.memref_slice %arg6[%arg0, %mul3A_118, %dma_wait3A_157] : memref<2x4096x128xf32, #tpu.memory_space<hbm>> -> memref<1x128x128xf32, #tpu.memory_space<hbm>>
    %dma_wait3A_159 = tpu.memref_squeeze %dma_wait3A_158 : memref<1x128x128xf32, #tpu.memory_space<hbm>> -> memref<128x128xf32, #tpu.memory_space<hbm>>
    %dma_wait3A_160 = arith.constant 0 : i32
    %dma_wait3A_161 = arith.constant 0 : i32
    %dma_wait3A_162 = tpu.memref_slice %arg9[%dma_wait3A_149, %dma_wait3A_160, %dma_wait3A_161] : memref<2x128x128xf32, #tpu.memory_space<vmem>> -> memref<1x128x128xf32, #tpu.memory_space<vmem>>
    %dma_wait3A_163 = tpu.memref_squeeze %dma_wait3A_162 : memref<1x128x128xf32, #tpu.memory_space<vmem>> -> memref<128x128xf32, #tpu.memory_space<vmem>>
    tpu.wait_dma2 semaphore(%arg13 : memref<!tpu.dma_semaphore, #tpu.memory_space<semaphore_mem>>) src(%dma_wait3A_163 : memref<128x128xf32, #tpu.memory_space<vmem>>) dst(%dma_wait3A_159 : memref<128x128xf32, #tpu.memory_space<hbm>>)
    return
  }
}

#map = affine_map<(d0, d1) -> (0, 0)>
#map1 = affine_map<(d0, d1) -> (0, 0, 0)>
module attributes {stable_mosaic.version = 14 : i64} {
  func.func @_segsum(%arg0: i32, %arg1: i32, %arg2: memref<10240x128xf32, #tpu.memory_space<hbm>>, %arg3: memref<2560x128xi32, #tpu.memory_space<hbm>>, %arg4: memref<2560x128xi32, #tpu.memory_space<hbm>>, %arg5: memref<16x2x128xi32, #tpu.memory_space<hbm>>, %arg6: memref<10240x128xf32, #tpu.memory_space<hbm>>, %arg7: memref<10240x128xf32, #tpu.memory_space<hbm>>, %arg8: memref<4096x128xf32, #tpu.memory_space<hbm>>, %arg9: memref<8x128xi32, #tpu.memory_space<vmem>>, %arg10: memref<8x128xi32, #tpu.memory_space<vmem>>, %arg11: memref<2x128x128xf32, #tpu.memory_space<vmem>>, %arg12: memref<2x128xi32, #tpu.memory_space<vmem>>, %arg13: memref<10240x128xf32, #tpu.memory_space<vmem_shared>>, %arg14: memref<!tpu.dma_semaphore, #tpu.memory_space<semaphore_mem>>, %arg15: memref<!tpu.dma_semaphore, #tpu.memory_space<semaphore_mem>>) attributes {dimension_semantics = [#tpu.dimension_semantics<core_parallel>, #tpu.dimension_semantics<subcore_parallel>], iteration_bounds = array<i64: 2, 16>, scalar_prefetch = 0 : i64, scratch_operands = 7 : i64, tpu.core_type = #tpu.core_type<sc_vector_subcore>, window_params = [{transform_indices = #map}, {transform_indices = #map}, {transform_indices = #map}, {transform_indices = #map1}, {transform_indices = #map}, {transform_indices = #map}, {transform_indices = #map}]} {
    %scan3A = arith.constant 0 : i32
    %scan3A_0 = arith.constant 0 : i32
    %scan3A_1 = arith.constant 128 : i32
    %scan3A_2 = arith.addi %scan3A_0, %scan3A_1 : i32
    %scan3A_3 = arith.constant 1 : i32
    scf.for %scan3A_82 = %scan3A_0 to %scan3A_2 step %scan3A_3  : i32 {
      %broadcast_in_dim3A = arith.constant 0.000000e+00 : f32
      %broadcast_in_dim3A_83 = vector.broadcast %broadcast_in_dim3A : f32 to vector<16xf32>
      %swap3A = arith.constant 0 : i32
      %swap3A_84 = arith.index_cast %swap3A : i32 to index
      %swap3A_85 = arith.index_cast %scan3A_82 : i32 to index
      %swap3A_86 = arith.constant 0 : index
      %swap3A_87 = tpu.vector_load %arg11[%swap3A_84, %swap3A_85, %swap3A_86] {strides = array<i32>} : memref<2x128x128xf32, #tpu.memory_space<vmem>>, vector<1x1x16xf32>,
      %swap3A_88 = vector.shape_cast %swap3A_87 : vector<1x1x16xf32> to vector<16xf32>
      %swap3A_89 = vector.shape_cast %broadcast_in_dim3A_83 : vector<16xf32> to vector<1x1x16xf32>
      tpu.vector_store %arg11[%swap3A_84, %swap3A_85, %swap3A_86], %swap3A_89 {strides = array<i32>} : memref<2x128x128xf32, #tpu.memory_space<vmem>>, vector<1x1x16xf32>,
      %broadcast_in_dim3A_90 = arith.constant 0.000000e+00 : f32
      %broadcast_in_dim3A_91 = vector.broadcast %broadcast_in_dim3A_90 : f32 to vector<16xf32>
      %swap3A_92 = arith.constant 0 : i32
      %swap3A_93 = arith.index_cast %swap3A_92 : i32 to index
      %swap3A_94 = arith.index_cast %scan3A_82 : i32 to index
      %swap3A_95 = arith.constant 16 : index
      %swap3A_96 = tpu.vector_load %arg11[%swap3A_93, %swap3A_94, %swap3A_95] {strides = array<i32>} : memref<2x128x128xf32, #tpu.memory_space<vmem>>, vector<1x1x16xf32>,
      %swap3A_97 = vector.shape_cast %swap3A_96 : vector<1x1x16xf32> to vector<16xf32>
      %swap3A_98 = vector.shape_cast %broadcast_in_dim3A_91 : vector<16xf32> to vector<1x1x16xf32>
      tpu.vector_store %arg11[%swap3A_93, %swap3A_94, %swap3A_95], %swap3A_98 {strides = array<i32>} : memref<2x128x128xf32, #tpu.memory_space<vmem>>, vector<1x1x16xf32>,
      %broadcast_in_dim3A_99 = arith.constant 0.000000e+00 : f32
      %broadcast_in_dim3A_100 = vector.broadcast %broadcast_in_dim3A_99 : f32 to vector<16xf32>
      %swap3A_101 = arith.constant 0 : i32
      %swap3A_102 = arith.index_cast %swap3A_101 : i32 to index
      %swap3A_103 = arith.index_cast %scan3A_82 : i32 to index
      %swap3A_104 = arith.constant 32 : index
      %swap3A_105 = tpu.vector_load %arg11[%swap3A_102, %swap3A_103, %swap3A_104] {strides = array<i32>} : memref<2x128x128xf32, #tpu.memory_space<vmem>>, vector<1x1x16xf32>,
      %swap3A_106 = vector.shape_cast %swap3A_105 : vector<1x1x16xf32> to vector<16xf32>
      %swap3A_107 = vector.shape_cast %broadcast_in_dim3A_100 : vector<16xf32> to vector<1x1x16xf32>
      tpu.vector_store %arg11[%swap3A_102, %swap3A_103, %swap3A_104], %swap3A_107 {strides = array<i32>} : memref<2x128x128xf32, #tpu.memory_space<vmem>>, vector<1x1x16xf32>,
      %broadcast_in_dim3A_108 = arith.constant 0.000000e+00 : f32
      %broadcast_in_dim3A_109 = vector.broadcast %broadcast_in_dim3A_108 : f32 to vector<16xf32>
      %swap3A_110 = arith.constant 0 : i32
      %swap3A_111 = arith.index_cast %swap3A_110 : i32 to index
      %swap3A_112 = arith.index_cast %scan3A_82 : i32 to index
      %swap3A_113 = arith.constant 48 : index
      %swap3A_114 = tpu.vector_load %arg11[%swap3A_111, %swap3A_112, %swap3A_113] {strides = array<i32>} : memref<2x128x128xf32, #tpu.memory_space<vmem>>, vector<1x1x16xf32>,
      %swap3A_115 = vector.shape_cast %swap3A_114 : vector<1x1x16xf32> to vector<16xf32>
      %swap3A_116 = vector.shape_cast %broadcast_in_dim3A_109 : vector<16xf32> to vector<1x1x16xf32>
      tpu.vector_store %arg11[%swap3A_111, %swap3A_112, %swap3A_113], %swap3A_116 {strides = array<i32>} : memref<2x128x128xf32, #tpu.memory_space<vmem>>, vector<1x1x16xf32>,
      %broadcast_in_dim3A_117 = arith.constant 0.000000e+00 : f32
      %broadcast_in_dim3A_118 = vector.broadcast %broadcast_in_dim3A_117 : f32 to vector<16xf32>
      %swap3A_119 = arith.constant 0 : i32
      %swap3A_120 = arith.index_cast %swap3A_119 : i32 to index
      %swap3A_121 = arith.index_cast %scan3A_82 : i32 to index
      %swap3A_122 = arith.constant 64 : index
      %swap3A_123 = tpu.vector_load %arg11[%swap3A_120, %swap3A_121, %swap3A_122] {strides = array<i32>} : memref<2x128x128xf32, #tpu.memory_space<vmem>>, vector<1x1x16xf32>,
      %swap3A_124 = vector.shape_cast %swap3A_123 : vector<1x1x16xf32> to vector<16xf32>
      %swap3A_125 = vector.shape_cast %broadcast_in_dim3A_118 : vector<16xf32> to vector<1x1x16xf32>
      tpu.vector_store %arg11[%swap3A_120, %swap3A_121, %swap3A_122], %swap3A_125 {strides = array<i32>} : memref<2x128x128xf32, #tpu.memory_space<vmem>>, vector<1x1x16xf32>,
      %broadcast_in_dim3A_126 = arith.constant 0.000000e+00 : f32
      %broadcast_in_dim3A_127 = vector.broadcast %broadcast_in_dim3A_126 : f32 to vector<16xf32>
      %swap3A_128 = arith.constant 0 : i32
      %swap3A_129 = arith.index_cast %swap3A_128 : i32 to index
      %swap3A_130 = arith.index_cast %scan3A_82 : i32 to index
      %swap3A_131 = arith.constant 80 : index
      %swap3A_132 = tpu.vector_load %arg11[%swap3A_129, %swap3A_130, %swap3A_131] {strides = array<i32>} : memref<2x128x128xf32, #tpu.memory_space<vmem>>, vector<1x1x16xf32>,
      %swap3A_133 = vector.shape_cast %swap3A_132 : vector<1x1x16xf32> to vector<16xf32>
      %swap3A_134 = vector.shape_cast %broadcast_in_dim3A_127 : vector<16xf32> to vector<1x1x16xf32>
      tpu.vector_store %arg11[%swap3A_129, %swap3A_130, %swap3A_131], %swap3A_134 {strides = array<i32>} : memref<2x128x128xf32, #tpu.memory_space<vmem>>, vector<1x1x16xf32>,
      %broadcast_in_dim3A_135 = arith.constant 0.000000e+00 : f32
      %broadcast_in_dim3A_136 = vector.broadcast %broadcast_in_dim3A_135 : f32 to vector<16xf32>
      %swap3A_137 = arith.constant 0 : i32
      %swap3A_138 = arith.index_cast %swap3A_137 : i32 to index
      %swap3A_139 = arith.index_cast %scan3A_82 : i32 to index
      %swap3A_140 = arith.constant 96 : index
      %swap3A_141 = tpu.vector_load %arg11[%swap3A_138, %swap3A_139, %swap3A_140] {strides = array<i32>} : memref<2x128x128xf32, #tpu.memory_space<vmem>>, vector<1x1x16xf32>,
      %swap3A_142 = vector.shape_cast %swap3A_141 : vector<1x1x16xf32> to vector<16xf32>
      %swap3A_143 = vector.shape_cast %broadcast_in_dim3A_136 : vector<16xf32> to vector<1x1x16xf32>
      tpu.vector_store %arg11[%swap3A_138, %swap3A_139, %swap3A_140], %swap3A_143 {strides = array<i32>} : memref<2x128x128xf32, #tpu.memory_space<vmem>>, vector<1x1x16xf32>,
      %broadcast_in_dim3A_144 = arith.constant 0.000000e+00 : f32
      %broadcast_in_dim3A_145 = vector.broadcast %broadcast_in_dim3A_144 : f32 to vector<16xf32>
      %swap3A_146 = arith.constant 0 : i32
      %swap3A_147 = arith.index_cast %swap3A_146 : i32 to index
      %swap3A_148 = arith.index_cast %scan3A_82 : i32 to index
      %swap3A_149 = arith.constant 112 : index
      %swap3A_150 = tpu.vector_load %arg11[%swap3A_147, %swap3A_148, %swap3A_149] {strides = array<i32>} : memref<2x128x128xf32, #tpu.memory_space<vmem>>, vector<1x1x16xf32>,
      %swap3A_151 = vector.shape_cast %swap3A_150 : vector<1x1x16xf32> to vector<16xf32>
      %swap3A_152 = vector.shape_cast %broadcast_in_dim3A_145 : vector<16xf32> to vector<1x1x16xf32>
      tpu.vector_store %arg11[%swap3A_147, %swap3A_148, %swap3A_149], %swap3A_152 {strides = array<i32>} : memref<2x128x128xf32, #tpu.memory_space<vmem>>, vector<1x1x16xf32>,
    }
    %scan3A_4 = arith.constant 128 : i32
    %mul3A = arith.constant 640 : i32
    %mul3A_5 = arith.muli %arg1, %mul3A : i32
    %add3A = arith.constant 0 : i32
    %add3A_6 = arith.addi %mul3A_5, %add3A : i32
    %run_scoped3A = arith.constant 0 : i32
    "tpu.region"() ({
      %run_scoped3A_82 = tpu.sem_alloc : memref<!tpu.dma_semaphore, #tpu.memory_space<semaphore_mem>>
      %dma_start3A_83 = arith.constant 0 : i32
      %dma_start3A_84 = arith.constant 0 : i32
      %dma_start3A_85 = tpu.memref_slice %arg11[%run_scoped3A, %dma_start3A_83, %dma_start3A_84] : memref<2x128x128xf32, #tpu.memory_space<vmem>> -> memref<1x128x128xf32, #tpu.memory_space<vmem>>
      %dma_start3A_86 = tpu.memref_squeeze %dma_start3A_85 : memref<1x128x128xf32, #tpu.memory_space<vmem>> -> memref<128x128xf32, #tpu.memory_space<vmem>>
      %dma_start3A_87 = arith.constant 0 : i32
      %dma_start3A_88 = tpu.memref_slice %arg13[%add3A_6, %dma_start3A_87] : memref<10240x128xf32, #tpu.memory_space<vmem_shared>> -> memref<128x128xf32, #tpu.memory_space<vmem_shared>>
      %dma_start3A_89 = arith.constant 0 : i32
      %dma_start3A_90 = tpu.memref_slice %arg13[%add3A_6, %dma_start3A_89] : memref<10240x128xf32, #tpu.memory_space<vmem_shared>> -> memref<128x128xf32, #tpu.memory_space<vmem_shared>>
      %dma_start3A_91 = arith.constant 0 : i32
      %dma_start3A_92 = arith.constant 0 : i32
      %dma_start3A_93 = tpu.memref_slice %arg11[%run_scoped3A, %dma_start3A_91, %dma_start3A_92] : memref<2x128x128xf32, #tpu.memory_space<vmem>> -> memref<1x128x128xf32, #tpu.memory_space<vmem>>
      %dma_start3A_94 = tpu.memref_squeeze %dma_start3A_93 : memref<1x128x128xf32, #tpu.memory_space<vmem>> -> memref<128x128xf32, #tpu.memory_space<vmem>>
      tpu.enqueue_dma source(%dma_start3A_94 : memref<128x128xf32, #tpu.memory_space<vmem>>) target(%dma_start3A_90 : memref<128x128xf32, #tpu.memory_space<vmem_shared>>) target_semaphore(%run_scoped3A_82 : memref<!tpu.dma_semaphore, #tpu.memory_space<semaphore_mem>>)
      %dma_wait3A_95 = arith.constant 0 : i32
      %dma_wait3A_96 = arith.constant 0 : i32
      %dma_wait3A_97 = tpu.memref_slice %arg11[%run_scoped3A, %dma_wait3A_95, %dma_wait3A_96] : memref<2x128x128xf32, #tpu.memory_space<vmem>> -> memref<1x128x128xf32, #tpu.memory_space<vmem>>
      %dma_wait3A_98 = tpu.memref_squeeze %dma_wait3A_97 : memref<1x128x128xf32, #tpu.memory_space<vmem>> -> memref<128x128xf32, #tpu.memory_space<vmem>>
      %dma_wait3A_99 = arith.constant 0 : i32
      %dma_wait3A_100 = tpu.memref_slice %arg13[%add3A_6, %dma_wait3A_99] : memref<10240x128xf32, #tpu.memory_space<vmem_shared>> -> memref<128x128xf32, #tpu.memory_space<vmem_shared>>
      %dma_wait3A_101 = arith.constant 0 : i32
      %dma_wait3A_102 = tpu.memref_slice %arg13[%add3A_6, %dma_wait3A_101] : memref<10240x128xf32, #tpu.memory_space<vmem_shared>> -> memref<128x128xf32, #tpu.memory_space<vmem_shared>>
      %dma_wait3A_103 = arith.constant 0 : i32
      %dma_wait3A_104 = arith.constant 0 : i32
      %dma_wait3A_105 = tpu.memref_slice %arg11[%run_scoped3A, %dma_wait3A_103, %dma_wait3A_104] : memref<2x128x128xf32, #tpu.memory_space<vmem>> -> memref<1x128x128xf32, #tpu.memory_space<vmem>>
      %dma_wait3A_106 = tpu.memref_squeeze %dma_wait3A_105 : memref<1x128x128xf32, #tpu.memory_space<vmem>> -> memref<128x128xf32, #tpu.memory_space<vmem>>
      tpu.wait_dma2 semaphore(%run_scoped3A_82 : memref<!tpu.dma_semaphore, #tpu.memory_space<semaphore_mem>>) src(%dma_wait3A_106 : memref<128x128xf32, #tpu.memory_space<vmem>>) dst(%dma_wait3A_102 : memref<128x128xf32, #tpu.memory_space<vmem_shared>>)
      tpu.yield
    }) : () -> ()
    %mul3A_7 = arith.constant 640 : i32
    %mul3A_8 = arith.muli %arg1, %mul3A_7 : i32
    %add3A_9 = arith.constant 128 : i32
    %add3A_10 = arith.addi %mul3A_8, %add3A_9 : i32
    %run_scoped3A_11 = arith.constant 0 : i32
    "tpu.region"() ({
      %run_scoped3A_82 = tpu.sem_alloc : memref<!tpu.dma_semaphore, #tpu.memory_space<semaphore_mem>>
      %dma_start3A_83 = arith.constant 0 : i32
      %dma_start3A_84 = arith.constant 0 : i32
      %dma_start3A_85 = tpu.memref_slice %arg11[%run_scoped3A_11, %dma_start3A_83, %dma_start3A_84] : memref<2x128x128xf32, #tpu.memory_space<vmem>> -> memref<1x128x128xf32, #tpu.memory_space<vmem>>
      %dma_start3A_86 = tpu.memref_squeeze %dma_start3A_85 : memref<1x128x128xf32, #tpu.memory_space<vmem>> -> memref<128x128xf32, #tpu.memory_space<vmem>>
      %dma_start3A_87 = arith.constant 0 : i32
      %dma_start3A_88 = tpu.memref_slice %arg13[%add3A_10, %dma_start3A_87] : memref<10240x128xf32, #tpu.memory_space<vmem_shared>> -> memref<128x128xf32, #tpu.memory_space<vmem_shared>>
      %dma_start3A_89 = arith.constant 0 : i32
      %dma_start3A_90 = tpu.memref_slice %arg13[%add3A_10, %dma_start3A_89] : memref<10240x128xf32, #tpu.memory_space<vmem_shared>> -> memref<128x128xf32, #tpu.memory_space<vmem_shared>>
      %dma_start3A_91 = arith.constant 0 : i32
      %dma_start3A_92 = arith.constant 0 : i32
      %dma_start3A_93 = tpu.memref_slice %arg11[%run_scoped3A_11, %dma_start3A_91, %dma_start3A_92] : memref<2x128x128xf32, #tpu.memory_space<vmem>> -> memref<1x128x128xf32, #tpu.memory_space<vmem>>
      %dma_start3A_94 = tpu.memref_squeeze %dma_start3A_93 : memref<1x128x128xf32, #tpu.memory_space<vmem>> -> memref<128x128xf32, #tpu.memory_space<vmem>>
      tpu.enqueue_dma source(%dma_start3A_94 : memref<128x128xf32, #tpu.memory_space<vmem>>) target(%dma_start3A_90 : memref<128x128xf32, #tpu.memory_space<vmem_shared>>) target_semaphore(%run_scoped3A_82 : memref<!tpu.dma_semaphore, #tpu.memory_space<semaphore_mem>>)
      %dma_wait3A_95 = arith.constant 0 : i32
      %dma_wait3A_96 = arith.constant 0 : i32
      %dma_wait3A_97 = tpu.memref_slice %arg11[%run_scoped3A_11, %dma_wait3A_95, %dma_wait3A_96] : memref<2x128x128xf32, #tpu.memory_space<vmem>> -> memref<1x128x128xf32, #tpu.memory_space<vmem>>
      %dma_wait3A_98 = tpu.memref_squeeze %dma_wait3A_97 : memref<1x128x128xf32, #tpu.memory_space<vmem>> -> memref<128x128xf32, #tpu.memory_space<vmem>>
      %dma_wait3A_99 = arith.constant 0 : i32
      %dma_wait3A_100 = tpu.memref_slice %arg13[%add3A_10, %dma_wait3A_99] : memref<10240x128xf32, #tpu.memory_space<vmem_shared>> -> memref<128x128xf32, #tpu.memory_space<vmem_shared>>
      %dma_wait3A_101 = arith.constant 0 : i32
      %dma_wait3A_102 = tpu.memref_slice %arg13[%add3A_10, %dma_wait3A_101] : memref<10240x128xf32, #tpu.memory_space<vmem_shared>> -> memref<128x128xf32, #tpu.memory_space<vmem_shared>>
      %dma_wait3A_103 = arith.constant 0 : i32
      %dma_wait3A_104 = arith.constant 0 : i32
      %dma_wait3A_105 = tpu.memref_slice %arg11[%run_scoped3A_11, %dma_wait3A_103, %dma_wait3A_104] : memref<2x128x128xf32, #tpu.memory_space<vmem>> -> memref<1x128x128xf32, #tpu.memory_space<vmem>>
      %dma_wait3A_106 = tpu.memref_squeeze %dma_wait3A_105 : memref<1x128x128xf32, #tpu.memory_space<vmem>> -> memref<128x128xf32, #tpu.memory_space<vmem>>
      tpu.wait_dma2 semaphore(%run_scoped3A_82 : memref<!tpu.dma_semaphore, #tpu.memory_space<semaphore_mem>>) src(%dma_wait3A_106 : memref<128x128xf32, #tpu.memory_space<vmem>>) dst(%dma_wait3A_102 : memref<128x128xf32, #tpu.memory_space<vmem_shared>>)
      tpu.yield
    }) : () -> ()
    %mul3A_12 = arith.constant 640 : i32
    %mul3A_13 = arith.muli %arg1, %mul3A_12 : i32
    %add3A_14 = arith.constant 256 : i32
    %add3A_15 = arith.addi %mul3A_13, %add3A_14 : i32
    %run_scoped3A_16 = arith.constant 0 : i32
    "tpu.region"() ({
      %run_scoped3A_82 = tpu.sem_alloc : memref<!tpu.dma_semaphore, #tpu.memory_space<semaphore_mem>>
      %dma_start3A_83 = arith.constant 0 : i32
      %dma_start3A_84 = arith.constant 0 : i32
      %dma_start3A_85 = tpu.memref_slice %arg11[%run_scoped3A_16, %dma_start3A_83, %dma_start3A_84] : memref<2x128x128xf32, #tpu.memory_space<vmem>> -> memref<1x128x128xf32, #tpu.memory_space<vmem>>
      %dma_start3A_86 = tpu.memref_squeeze %dma_start3A_85 : memref<1x128x128xf32, #tpu.memory_space<vmem>> -> memref<128x128xf32, #tpu.memory_space<vmem>>
      %dma_start3A_87 = arith.constant 0 : i32
      %dma_start3A_88 = tpu.memref_slice %arg13[%add3A_15, %dma_start3A_87] : memref<10240x128xf32, #tpu.memory_space<vmem_shared>> -> memref<128x128xf32, #tpu.memory_space<vmem_shared>>
      %dma_start3A_89 = arith.constant 0 : i32
      %dma_start3A_90 = tpu.memref_slice %arg13[%add3A_15, %dma_start3A_89] : memref<10240x128xf32, #tpu.memory_space<vmem_shared>> -> memref<128x128xf32, #tpu.memory_space<vmem_shared>>
      %dma_start3A_91 = arith.constant 0 : i32
      %dma_start3A_92 = arith.constant 0 : i32
      %dma_start3A_93 = tpu.memref_slice %arg11[%run_scoped3A_16, %dma_start3A_91, %dma_start3A_92] : memref<2x128x128xf32, #tpu.memory_space<vmem>> -> memref<1x128x128xf32, #tpu.memory_space<vmem>>
      %dma_start3A_94 = tpu.memref_squeeze %dma_start3A_93 : memref<1x128x128xf32, #tpu.memory_space<vmem>> -> memref<128x128xf32, #tpu.memory_space<vmem>>
      tpu.enqueue_dma source(%dma_start3A_94 : memref<128x128xf32, #tpu.memory_space<vmem>>) target(%dma_start3A_90 : memref<128x128xf32, #tpu.memory_space<vmem_shared>>) target_semaphore(%run_scoped3A_82 : memref<!tpu.dma_semaphore, #tpu.memory_space<semaphore_mem>>)
      %dma_wait3A_95 = arith.constant 0 : i32
      %dma_wait3A_96 = arith.constant 0 : i32
      %dma_wait3A_97 = tpu.memref_slice %arg11[%run_scoped3A_16, %dma_wait3A_95, %dma_wait3A_96] : memref<2x128x128xf32, #tpu.memory_space<vmem>> -> memref<1x128x128xf32, #tpu.memory_space<vmem>>
      %dma_wait3A_98 = tpu.memref_squeeze %dma_wait3A_97 : memref<1x128x128xf32, #tpu.memory_space<vmem>> -> memref<128x128xf32, #tpu.memory_space<vmem>>
      %dma_wait3A_99 = arith.constant 0 : i32
      %dma_wait3A_100 = tpu.memref_slice %arg13[%add3A_15, %dma_wait3A_99] : memref<10240x128xf32, #tpu.memory_space<vmem_shared>> -> memref<128x128xf32, #tpu.memory_space<vmem_shared>>
      %dma_wait3A_101 = arith.constant 0 : i32
      %dma_wait3A_102 = tpu.memref_slice %arg13[%add3A_15, %dma_wait3A_101] : memref<10240x128xf32, #tpu.memory_space<vmem_shared>> -> memref<128x128xf32, #tpu.memory_space<vmem_shared>>
      %dma_wait3A_103 = arith.constant 0 : i32
      %dma_wait3A_104 = arith.constant 0 : i32
      %dma_wait3A_105 = tpu.memref_slice %arg11[%run_scoped3A_16, %dma_wait3A_103, %dma_wait3A_104] : memref<2x128x128xf32, #tpu.memory_space<vmem>> -> memref<1x128x128xf32, #tpu.memory_space<vmem>>
      %dma_wait3A_106 = tpu.memref_squeeze %dma_wait3A_105 : memref<1x128x128xf32, #tpu.memory_space<vmem>> -> memref<128x128xf32, #tpu.memory_space<vmem>>
      tpu.wait_dma2 semaphore(%run_scoped3A_82 : memref<!tpu.dma_semaphore, #tpu.memory_space<semaphore_mem>>) src(%dma_wait3A_106 : memref<128x128xf32, #tpu.memory_space<vmem>>) dst(%dma_wait3A_102 : memref<128x128xf32, #tpu.memory_space<vmem_shared>>)
      tpu.yield
    }) : () -> ()
    %mul3A_17 = arith.constant 640 : i32
    %mul3A_18 = arith.muli %arg1, %mul3A_17 : i32
    %add3A_19 = arith.constant 384 : i32
    %add3A_20 = arith.addi %mul3A_18, %add3A_19 : i32
    %run_scoped3A_21 = arith.constant 0 : i32
    "tpu.region"() ({
      %run_scoped3A_82 = tpu.sem_alloc : memref<!tpu.dma_semaphore, #tpu.memory_space<semaphore_mem>>
      %dma_start3A_83 = arith.constant 0 : i32
      %dma_start3A_84 = arith.constant 0 : i32
      %dma_start3A_85 = tpu.memref_slice %arg11[%run_scoped3A_21, %dma_start3A_83, %dma_start3A_84] : memref<2x128x128xf32, #tpu.memory_space<vmem>> -> memref<1x128x128xf32, #tpu.memory_space<vmem>>
      %dma_start3A_86 = tpu.memref_squeeze %dma_start3A_85 : memref<1x128x128xf32, #tpu.memory_space<vmem>> -> memref<128x128xf32, #tpu.memory_space<vmem>>
      %dma_start3A_87 = arith.constant 0 : i32
      %dma_start3A_88 = tpu.memref_slice %arg13[%add3A_20, %dma_start3A_87] : memref<10240x128xf32, #tpu.memory_space<vmem_shared>> -> memref<128x128xf32, #tpu.memory_space<vmem_shared>>
      %dma_start3A_89 = arith.constant 0 : i32
      %dma_start3A_90 = tpu.memref_slice %arg13[%add3A_20, %dma_start3A_89] : memref<10240x128xf32, #tpu.memory_space<vmem_shared>> -> memref<128x128xf32, #tpu.memory_space<vmem_shared>>
      %dma_start3A_91 = arith.constant 0 : i32
      %dma_start3A_92 = arith.constant 0 : i32
      %dma_start3A_93 = tpu.memref_slice %arg11[%run_scoped3A_21, %dma_start3A_91, %dma_start3A_92] : memref<2x128x128xf32, #tpu.memory_space<vmem>> -> memref<1x128x128xf32, #tpu.memory_space<vmem>>
      %dma_start3A_94 = tpu.memref_squeeze %dma_start3A_93 : memref<1x128x128xf32, #tpu.memory_space<vmem>> -> memref<128x128xf32, #tpu.memory_space<vmem>>
      tpu.enqueue_dma source(%dma_start3A_94 : memref<128x128xf32, #tpu.memory_space<vmem>>) target(%dma_start3A_90 : memref<128x128xf32, #tpu.memory_space<vmem_shared>>) target_semaphore(%run_scoped3A_82 : memref<!tpu.dma_semaphore, #tpu.memory_space<semaphore_mem>>)
      %dma_wait3A_95 = arith.constant 0 : i32
      %dma_wait3A_96 = arith.constant 0 : i32
      %dma_wait3A_97 = tpu.memref_slice %arg11[%run_scoped3A_21, %dma_wait3A_95, %dma_wait3A_96] : memref<2x128x128xf32, #tpu.memory_space<vmem>> -> memref<1x128x128xf32, #tpu.memory_space<vmem>>
      %dma_wait3A_98 = tpu.memref_squeeze %dma_wait3A_97 : memref<1x128x128xf32, #tpu.memory_space<vmem>> -> memref<128x128xf32, #tpu.memory_space<vmem>>
      %dma_wait3A_99 = arith.constant 0 : i32
      %dma_wait3A_100 = tpu.memref_slice %arg13[%add3A_20, %dma_wait3A_99] : memref<10240x128xf32, #tpu.memory_space<vmem_shared>> -> memref<128x128xf32, #tpu.memory_space<vmem_shared>>
      %dma_wait3A_101 = arith.constant 0 : i32
      %dma_wait3A_102 = tpu.memref_slice %arg13[%add3A_20, %dma_wait3A_101] : memref<10240x128xf32, #tpu.memory_space<vmem_shared>> -> memref<128x128xf32, #tpu.memory_space<vmem_shared>>
      %dma_wait3A_103 = arith.constant 0 : i32
      %dma_wait3A_104 = arith.constant 0 : i32
      %dma_wait3A_105 = tpu.memref_slice %arg11[%run_scoped3A_21, %dma_wait3A_103, %dma_wait3A_104] : memref<2x128x128xf32, #tpu.memory_space<vmem>> -> memref<1x128x128xf32, #tpu.memory_space<vmem>>
      %dma_wait3A_106 = tpu.memref_squeeze %dma_wait3A_105 : memref<1x128x128xf32, #tpu.memory_space<vmem>> -> memref<128x128xf32, #tpu.memory_space<vmem>>
      tpu.wait_dma2 semaphore(%run_scoped3A_82 : memref<!tpu.dma_semaphore, #tpu.memory_space<semaphore_mem>>) src(%dma_wait3A_106 : memref<128x128xf32, #tpu.memory_space<vmem>>) dst(%dma_wait3A_102 : memref<128x128xf32, #tpu.memory_space<vmem_shared>>)
      tpu.yield
    }) : () -> ()
    %mul3A_22 = arith.constant 640 : i32
    %mul3A_23 = arith.muli %arg1, %mul3A_22 : i32
    %add3A_24 = arith.constant 512 : i32
    %add3A_25 = arith.addi %mul3A_23, %add3A_24 : i32
    %run_scoped3A_26 = arith.constant 0 : i32
    "tpu.region"() ({
      %run_scoped3A_82 = tpu.sem_alloc : memref<!tpu.dma_semaphore, #tpu.memory_space<semaphore_mem>>
      %dma_start3A_83 = arith.constant 0 : i32
      %dma_start3A_84 = arith.constant 0 : i32
      %dma_start3A_85 = tpu.memref_slice %arg11[%run_scoped3A_26, %dma_start3A_83, %dma_start3A_84] : memref<2x128x128xf32, #tpu.memory_space<vmem>> -> memref<1x128x128xf32, #tpu.memory_space<vmem>>
      %dma_start3A_86 = tpu.memref_squeeze %dma_start3A_85 : memref<1x128x128xf32, #tpu.memory_space<vmem>> -> memref<128x128xf32, #tpu.memory_space<vmem>>
      %dma_start3A_87 = arith.constant 0 : i32
      %dma_start3A_88 = tpu.memref_slice %arg13[%add3A_25, %dma_start3A_87] : memref<10240x128xf32, #tpu.memory_space<vmem_shared>> -> memref<128x128xf32, #tpu.memory_space<vmem_shared>>
      %dma_start3A_89 = arith.constant 0 : i32
      %dma_start3A_90 = tpu.memref_slice %arg13[%add3A_25, %dma_start3A_89] : memref<10240x128xf32, #tpu.memory_space<vmem_shared>> -> memref<128x128xf32, #tpu.memory_space<vmem_shared>>
      %dma_start3A_91 = arith.constant 0 : i32
      %dma_start3A_92 = arith.constant 0 : i32
      %dma_start3A_93 = tpu.memref_slice %arg11[%run_scoped3A_26, %dma_start3A_91, %dma_start3A_92] : memref<2x128x128xf32, #tpu.memory_space<vmem>> -> memref<1x128x128xf32, #tpu.memory_space<vmem>>
      %dma_start3A_94 = tpu.memref_squeeze %dma_start3A_93 : memref<1x128x128xf32, #tpu.memory_space<vmem>> -> memref<128x128xf32, #tpu.memory_space<vmem>>
      tpu.enqueue_dma source(%dma_start3A_94 : memref<128x128xf32, #tpu.memory_space<vmem>>) target(%dma_start3A_90 : memref<128x128xf32, #tpu.memory_space<vmem_shared>>) target_semaphore(%run_scoped3A_82 : memref<!tpu.dma_semaphore, #tpu.memory_space<semaphore_mem>>)
      %dma_wait3A_95 = arith.constant 0 : i32
      %dma_wait3A_96 = arith.constant 0 : i32
      %dma_wait3A_97 = tpu.memref_slice %arg11[%run_scoped3A_26, %dma_wait3A_95, %dma_wait3A_96] : memref<2x128x128xf32, #tpu.memory_space<vmem>> -> memref<1x128x128xf32, #tpu.memory_space<vmem>>
      %dma_wait3A_98 = tpu.memref_squeeze %dma_wait3A_97 : memref<1x128x128xf32, #tpu.memory_space<vmem>> -> memref<128x128xf32, #tpu.memory_space<vmem>>
      %dma_wait3A_99 = arith.constant 0 : i32
      %dma_wait3A_100 = tpu.memref_slice %arg13[%add3A_25, %dma_wait3A_99] : memref<10240x128xf32, #tpu.memory_space<vmem_shared>> -> memref<128x128xf32, #tpu.memory_space<vmem_shared>>
      %dma_wait3A_101 = arith.constant 0 : i32
      %dma_wait3A_102 = tpu.memref_slice %arg13[%add3A_25, %dma_wait3A_101] : memref<10240x128xf32, #tpu.memory_space<vmem_shared>> -> memref<128x128xf32, #tpu.memory_space<vmem_shared>>
      %dma_wait3A_103 = arith.constant 0 : i32
      %dma_wait3A_104 = arith.constant 0 : i32
      %dma_wait3A_105 = tpu.memref_slice %arg11[%run_scoped3A_26, %dma_wait3A_103, %dma_wait3A_104] : memref<2x128x128xf32, #tpu.memory_space<vmem>> -> memref<1x128x128xf32, #tpu.memory_space<vmem>>
      %dma_wait3A_106 = tpu.memref_squeeze %dma_wait3A_105 : memref<1x128x128xf32, #tpu.memory_space<vmem>> -> memref<128x128xf32, #tpu.memory_space<vmem>>
      tpu.wait_dma2 semaphore(%run_scoped3A_82 : memref<!tpu.dma_semaphore, #tpu.memory_space<semaphore_mem>>) src(%dma_wait3A_106 : memref<128x128xf32, #tpu.memory_space<vmem>>) dst(%dma_wait3A_102 : memref<128x128xf32, #tpu.memory_space<vmem_shared>>)
      tpu.yield
    }) : () -> ()
    "tpu.region"() ({
      %run_scoped3A_82 = tpu.sem_alloc : memref<!tpu.dma_semaphore, #tpu.memory_space<semaphore_mem>>
      %dma_start3A_83 = arith.constant 0 : i32
      %dma_start3A_84 = arith.constant 0 : i32
      %dma_start3A_85 = tpu.memref_slice %arg5[%arg1, %dma_start3A_83, %dma_start3A_84] : memref<16x2x128xi32, #tpu.memory_space<hbm>> -> memref<1x2x128xi32, #tpu.memory_space<hbm>>
      %dma_start3A_86 = tpu.memref_squeeze %dma_start3A_85 : memref<1x2x128xi32, #tpu.memory_space<hbm>> -> memref<2x128xi32, #tpu.memory_space<hbm>>
      %dma_start3A_87 = arith.constant 0 : i32
      %dma_start3A_88 = arith.constant 0 : i32
      %dma_start3A_89 = tpu.memref_slice %arg5[%arg1, %dma_start3A_87, %dma_start3A_88] : memref<16x2x128xi32, #tpu.memory_space<hbm>> -> memref<1x2x128xi32, #tpu.memory_space<hbm>>
      %dma_start3A_90 = tpu.memref_squeeze %dma_start3A_89 : memref<1x2x128xi32, #tpu.memory_space<hbm>> -> memref<2x128xi32, #tpu.memory_space<hbm>>
      tpu.enqueue_dma source(%dma_start3A_90 : memref<2x128xi32, #tpu.memory_space<hbm>>) target(%arg12 : memref<2x128xi32, #tpu.memory_space<vmem>>) target_semaphore(%run_scoped3A_82 : memref<!tpu.dma_semaphore, #tpu.memory_space<semaphore_mem>>)
      %dma_wait3A_91 = arith.constant 0 : i32
      %dma_wait3A_92 = arith.constant 0 : i32
      %dma_wait3A_93 = tpu.memref_slice %arg5[%arg1, %dma_wait3A_91, %dma_wait3A_92] : memref<16x2x128xi32, #tpu.memory_space<hbm>> -> memref<1x2x128xi32, #tpu.memory_space<hbm>>
      %dma_wait3A_94 = tpu.memref_squeeze %dma_wait3A_93 : memref<1x2x128xi32, #tpu.memory_space<hbm>> -> memref<2x128xi32, #tpu.memory_space<hbm>>
      %dma_wait3A_95 = arith.constant 0 : i32
      %dma_wait3A_96 = arith.constant 0 : i32
      %dma_wait3A_97 = tpu.memref_slice %arg5[%arg1, %dma_wait3A_95, %dma_wait3A_96] : memref<16x2x128xi32, #tpu.memory_space<hbm>> -> memref<1x2x128xi32, #tpu.memory_space<hbm>>
      %dma_wait3A_98 = tpu.memref_squeeze %dma_wait3A_97 : memref<1x2x128xi32, #tpu.memory_space<hbm>> -> memref<2x128xi32, #tpu.memory_space<hbm>>
      tpu.wait_dma2 semaphore(%run_scoped3A_82 : memref<!tpu.dma_semaphore, #tpu.memory_space<semaphore_mem>>) src(%dma_wait3A_98 : memref<2x128xi32, #tpu.memory_space<hbm>>) dst(%arg12 : memref<2x128xi32, #tpu.memory_space<vmem>>)
      tpu.yield
    }) : () -> ()
    %barrier3A = arith.constant 0 : index
    tpu.barrier barrier_id(%barrier3A)
    %eq3A = arith.constant 0 : i32
    %eq3A_27 = arith.cmpi eq, %arg0, %eq3A : i32
    %mul3A_28 = arith.constant 80 : i32
    %mul3A_29 = arith.muli %arg1, %mul3A_28 : i32
    %mul3A_30 = arith.constant 80 : i32
    %mul3A_31 = arith.muli %arg1, %mul3A_30 : i32
    %add3A_32 = arith.constant 1280 : i32
    %add3A_33 = arith.addi %add3A_32, %mul3A_31 : i32
    %select_n3A = arith.select %eq3A_27, %mul3A_29, %add3A_33 : i32
    %eq3A_34 = arith.constant 0 : i32
    %eq3A_35 = arith.cmpi eq, %arg0, %eq3A_34 : i32
    %jit3A = arith.constant 10 : i32
    %jit3A_36 = arith.constant 10 : i32
    %select_n3A_37 = arith.select %eq3A_35, %jit3A, %jit3A_36 : i32
    %while3A = arith.constant 0 : i32
    %while3A_38 = arith.constant 0 : i32
    %while3A_39 = arith.subi %select_n3A_37, %while3A_38 : i32
    %while3A_40 = arith.addi %while3A_38, %while3A_39 : i32
    %while3A_41 = arith.constant 1 : i32
    %while3A_42 = arith.divsi %while3A_39, %while3A_41 : i32
    %while3A_43 = arith.muli %while3A_42, %while3A_41 : i32
    %while3A_44 = arith.addi %while3A_38, %while3A_43 : i32
    %while3A_45 = arith.constant 1 : i32
    scf.for %while3A_82 = %while3A_38 to %while3A_44 step %while3A_45  : i32 {
      %mul3A_83 = arith.constant 8 : i32
      %mul3A_84 = arith.muli %while3A_82, %mul3A_83 : i32
      %add3A_85 = arith.addi %select_n3A, %mul3A_84 : i32
      "tpu.region"() ({
        %run_scoped3A_92 = tpu.sem_alloc : memref<!tpu.dma_semaphore, #tpu.memory_space<semaphore_mem>>
        %dma_start3A_93 = arith.constant 0 : i32
        %dma_start3A_94 = tpu.memref_slice %arg3[%add3A_85, %dma_start3A_93] : memref<2560x128xi32, #tpu.memory_space<hbm>> -> memref<8x128xi32, #tpu.memory_space<hbm>>
        %dma_start3A_95 = arith.constant 0 : i32
        %dma_start3A_96 = tpu.memref_slice %arg3[%add3A_85, %dma_start3A_95] : memref<2560x128xi32, #tpu.memory_space<hbm>> -> memref<8x128xi32, #tpu.memory_space<hbm>>
        tpu.enqueue_dma source(%dma_start3A_96 : memref<8x128xi32, #tpu.memory_space<hbm>>) target(%arg9 : memref<8x128xi32, #tpu.memory_space<vmem>>) target_semaphore(%run_scoped3A_92 : memref<!tpu.dma_semaphore, #tpu.memory_space<semaphore_mem>>)
        %dma_wait3A_97 = arith.constant 0 : i32
        %dma_wait3A_98 = tpu.memref_slice %arg3[%add3A_85, %dma_wait3A_97] : memref<2560x128xi32, #tpu.memory_space<hbm>> -> memref<8x128xi32, #tpu.memory_space<hbm>>
        %dma_wait3A_99 = arith.constant 0 : i32
        %dma_wait3A_100 = tpu.memref_slice %arg3[%add3A_85, %dma_wait3A_99] : memref<2560x128xi32, #tpu.memory_space<hbm>> -> memref<8x128xi32, #tpu.memory_space<hbm>>
        tpu.wait_dma2 semaphore(%run_scoped3A_92 : memref<!tpu.dma_semaphore, #tpu.memory_space<semaphore_mem>>) src(%dma_wait3A_100 : memref<8x128xi32, #tpu.memory_space<hbm>>) dst(%arg9 : memref<8x128xi32, #tpu.memory_space<vmem>>)
        tpu.yield
      }) : () -> ()
      "tpu.region"() ({
        %run_scoped3A_92 = tpu.sem_alloc : memref<!tpu.dma_semaphore, #tpu.memory_space<semaphore_mem>>
        %dma_start3A_93 = arith.constant 0 : i32
        %dma_start3A_94 = tpu.memref_slice %arg4[%add3A_85, %dma_start3A_93] : memref<2560x128xi32, #tpu.memory_space<hbm>> -> memref<8x128xi32, #tpu.memory_space<hbm>>
        %dma_start3A_95 = arith.constant 0 : i32
        %dma_start3A_96 = tpu.memref_slice %arg4[%add3A_85, %dma_start3A_95] : memref<2560x128xi32, #tpu.memory_space<hbm>> -> memref<8x128xi32, #tpu.memory_space<hbm>>
        tpu.enqueue_dma source(%dma_start3A_96 : memref<8x128xi32, #tpu.memory_space<hbm>>) target(%arg10 : memref<8x128xi32, #tpu.memory_space<vmem>>) target_semaphore(%run_scoped3A_92 : memref<!tpu.dma_semaphore, #tpu.memory_space<semaphore_mem>>)
        %dma_wait3A_97 = arith.constant 0 : i32
        %dma_wait3A_98 = tpu.memref_slice %arg4[%add3A_85, %dma_wait3A_97] : memref<2560x128xi32, #tpu.memory_space<hbm>> -> memref<8x128xi32, #tpu.memory_space<hbm>>
        %dma_wait3A_99 = arith.constant 0 : i32
        %dma_wait3A_100 = tpu.memref_slice %arg4[%add3A_85, %dma_wait3A_99] : memref<2560x128xi32, #tpu.memory_space<hbm>> -> memref<8x128xi32, #tpu.memory_space<hbm>>
        tpu.wait_dma2 semaphore(%run_scoped3A_92 : memref<!tpu.dma_semaphore, #tpu.memory_space<semaphore_mem>>) src(%dma_wait3A_100 : memref<8x128xi32, #tpu.memory_space<hbm>>) dst(%arg10 : memref<8x128xi32, #tpu.memory_space<vmem>>)
        tpu.yield
      }) : () -> ()
      %scan3A_86 = arith.constant 0 : i32
      %scan3A_87 = arith.constant 0 : i32
      %scan3A_88 = arith.constant 4 : i32
      %scan3A_89 = arith.addi %scan3A_87, %scan3A_88 : i32
      %scan3A_90 = arith.constant 1 : i32
      scf.for %scan3A_92 = %scan3A_87 to %scan3A_89 step %scan3A_90  : i32 {
        %mul3A_93 = arith.constant 2 : i32
        %mul3A_94 = arith.muli %mul3A_93, %scan3A_92 : i32
        %dma_start3A_95 = arith.constant 0 : i32
        %dma_start3A_96 = arith.constant 0 : i32
        %dma_start3A_97 = arith.constant 0 : i32
        %dma_start3A_98 = tpu.memref_slice %arg11[%dma_start3A_95, %dma_start3A_96, %dma_start3A_97] : memref<2x128x128xf32, #tpu.memory_space<vmem>> -> memref<1x128x128xf32, #tpu.memory_space<vmem>>
        %dma_start3A_99 = tpu.memref_squeeze %dma_start3A_98 : memref<1x128x128xf32, #tpu.memory_space<vmem>> -> memref<128x128xf32, #tpu.memory_space<vmem>>
        %dma_start3A_100 = arith.constant 0 : i32
        %dma_start3A_101 = tpu.memref_slice %arg9[%mul3A_94, %dma_start3A_100] : memref<8x128xi32, #tpu.memory_space<vmem>> -> memref<1x128xi32, #tpu.memory_space<vmem>>
        %dma_start3A_102 = tpu.memref_squeeze %dma_start3A_101 : memref<1x128xi32, #tpu.memory_space<vmem>> -> memref<128xi32, #tpu.memory_space<vmem>>
        %dma_start3A_103 = arith.constant 0 : i32
        %dma_start3A_104 = arith.constant 0 : i32
        %dma_start3A_105 = tpu.memref_slice %arg2[%dma_start3A_103, %dma_start3A_104] : memref<10240x128xf32, #tpu.memory_space<hbm>> -> memref<10240x128xf32, #tpu.memory_space<hbm>>
        tpu.enqueue_indirect_dma source(%dma_start3A_105 : memref<10240x128xf32, #tpu.memory_space<hbm>>) target(%dma_start3A_99 : memref<128x128xf32, #tpu.memory_space<vmem>>) offsets(%dma_start3A_102 : memref<128xi32, #tpu.memory_space<vmem>>) semaphore(%arg14 : memref<!tpu.dma_semaphore, #tpu.memory_space<semaphore_mem>>)
        %add3A_106 = arith.constant 1 : i32
        %add3A_107 = arith.addi %mul3A_94, %add3A_106 : i32
        %dma_start3A_108 = arith.constant 1 : i32
        %dma_start3A_109 = arith.constant 0 : i32
        %dma_start3A_110 = arith.constant 0 : i32
        %dma_start3A_111 = tpu.memref_slice %arg11[%dma_start3A_108, %dma_start3A_109, %dma_start3A_110] : memref<2x128x128xf32, #tpu.memory_space<vmem>> -> memref<1x128x128xf32, #tpu.memory_space<vmem>>
        %dma_start3A_112 = tpu.memref_squeeze %dma_start3A_111 : memref<1x128x128xf32, #tpu.memory_space<vmem>> -> memref<128x128xf32, #tpu.memory_space<vmem>>
        %dma_start3A_113 = arith.constant 0 : i32
        %dma_start3A_114 = tpu.memref_slice %arg9[%add3A_107, %dma_start3A_113] : memref<8x128xi32, #tpu.memory_space<vmem>> -> memref<1x128xi32, #tpu.memory_space<vmem>>
        %dma_start3A_115 = tpu.memref_squeeze %dma_start3A_114 : memref<1x128xi32, #tpu.memory_space<vmem>> -> memref<128xi32, #tpu.memory_space<vmem>>
        %dma_start3A_116 = arith.constant 0 : i32
        %dma_start3A_117 = arith.constant 0 : i32
        %dma_start3A_118 = tpu.memref_slice %arg2[%dma_start3A_116, %dma_start3A_117] : memref<10240x128xf32, #tpu.memory_space<hbm>> -> memref<10240x128xf32, #tpu.memory_space<hbm>>
        tpu.enqueue_indirect_dma source(%dma_start3A_118 : memref<10240x128xf32, #tpu.memory_space<hbm>>) target(%dma_start3A_112 : memref<128x128xf32, #tpu.memory_space<vmem>>) offsets(%dma_start3A_115 : memref<128xi32, #tpu.memory_space<vmem>>) semaphore(%arg15 : memref<!tpu.dma_semaphore, #tpu.memory_space<semaphore_mem>>)
        %dma_wait3A_119 = arith.constant 0 : i32
        %dma_wait3A_120 = arith.constant 0 : i32
        %dma_wait3A_121 = arith.constant 0 : i32
        %dma_wait3A_122 = tpu.memref_slice %arg11[%dma_wait3A_119, %dma_wait3A_120, %dma_wait3A_121] : memref<2x128x128xf32, #tpu.memory_space<vmem>> -> memref<1x128x128xf32, #tpu.memory_space<vmem>>
        %dma_wait3A_123 = tpu.memref_squeeze %dma_wait3A_122 : memref<1x128x128xf32, #tpu.memory_space<vmem>> -> memref<128x128xf32, #tpu.memory_space<vmem>>
        %dma_wait3A_124 = arith.constant 0 : i32
        %dma_wait3A_125 = tpu.memref_slice %arg9[%mul3A_94, %dma_wait3A_124] : memref<8x128xi32, #tpu.memory_space<vmem>> -> memref<1x128xi32, #tpu.memory_space<vmem>>
        %dma_wait3A_126 = tpu.memref_squeeze %dma_wait3A_125 : memref<1x128xi32, #tpu.memory_space<vmem>> -> memref<128xi32, #tpu.memory_space<vmem>>
        %dma_wait3A_127 = arith.constant 0 : i32
        %dma_wait3A_128 = arith.constant 0 : i32
        %dma_wait3A_129 = tpu.memref_slice %arg2[%dma_wait3A_127, %dma_wait3A_128] : memref<10240x128xf32, #tpu.memory_space<hbm>> -> memref<10240x128xf32, #tpu.memory_space<hbm>>
        tpu.wait_indirect_dma semaphore(%arg14 : memref<!tpu.dma_semaphore, #tpu.memory_space<semaphore_mem>>) src(%dma_wait3A_129 : memref<10240x128xf32, #tpu.memory_space<hbm>>) dst(%dma_wait3A_123 : memref<128x128xf32, #tpu.memory_space<vmem>>)
        %run_scoped3A_130 = arith.constant 0 : i32
        "tpu.region"() ({
          %run_scoped3A_145 = tpu.sem_alloc : memref<!tpu.dma_semaphore, #tpu.memory_space<semaphore_mem>>
          %dma_start3A_146 = arith.constant 0 : i32
          %dma_start3A_147 = arith.constant 0 : i32
          %dma_start3A_148 = tpu.memref_slice %arg11[%run_scoped3A_130, %dma_start3A_146, %dma_start3A_147] : memref<2x128x128xf32, #tpu.memory_space<vmem>> -> memref<1x128x128xf32, #tpu.memory_space<vmem>>
          %dma_start3A_149 = tpu.memref_squeeze %dma_start3A_148 : memref<1x128x128xf32, #tpu.memory_space<vmem>> -> memref<128x128xf32, #tpu.memory_space<vmem>>
          %dma_start3A_150 = arith.constant 0 : i32
          %dma_start3A_151 = tpu.memref_slice %arg10[%mul3A_94, %dma_start3A_150] : memref<8x128xi32, #tpu.memory_space<vmem>> -> memref<1x128xi32, #tpu.memory_space<vmem>>
          %dma_start3A_152 = tpu.memref_squeeze %dma_start3A_151 : memref<1x128xi32, #tpu.memory_space<vmem>> -> memref<128xi32, #tpu.memory_space<vmem>>
          %dma_start3A_153 = arith.constant 0 : i32
          %dma_start3A_154 = arith.constant 0 : i32
          %dma_start3A_155 = tpu.memref_slice %arg13[%dma_start3A_153, %dma_start3A_154] : memref<10240x128xf32, #tpu.memory_space<vmem_shared>> -> memref<10240x128xf32, #tpu.memory_space<vmem_shared>>
          tpu.enqueue_indirect_dma source(%dma_start3A_149 : memref<128x128xf32, #tpu.memory_space<vmem>>) target(%dma_start3A_155 : memref<10240x128xf32, #tpu.memory_space<vmem_shared>>) offsets(%dma_start3A_152 : memref<128xi32, #tpu.memory_space<vmem>>) semaphore(%run_scoped3A_145 : memref<!tpu.dma_semaphore, #tpu.memory_space<semaphore_mem>>) {add = true}
          %dma_wait3A_156 = arith.constant 0 : i32
          %dma_wait3A_157 = arith.constant 0 : i32
          %dma_wait3A_158 = tpu.memref_slice %arg11[%run_scoped3A_130, %dma_wait3A_156, %dma_wait3A_157] : memref<2x128x128xf32, #tpu.memory_space<vmem>> -> memref<1x128x128xf32, #tpu.memory_space<vmem>>
          %dma_wait3A_159 = tpu.memref_squeeze %dma_wait3A_158 : memref<1x128x128xf32, #tpu.memory_space<vmem>> -> memref<128x128xf32, #tpu.memory_space<vmem>>
          %dma_wait3A_160 = arith.constant 0 : i32
          %dma_wait3A_161 = tpu.memref_slice %arg10[%mul3A_94, %dma_wait3A_160] : memref<8x128xi32, #tpu.memory_space<vmem>> -> memref<1x128xi32, #tpu.memory_space<vmem>>
          %dma_wait3A_162 = tpu.memref_squeeze %dma_wait3A_161 : memref<1x128xi32, #tpu.memory_space<vmem>> -> memref<128xi32, #tpu.memory_space<vmem>>
          %dma_wait3A_163 = arith.constant 0 : i32
          %dma_wait3A_164 = arith.constant 0 : i32
          %dma_wait3A_165 = tpu.memref_slice %arg13[%dma_wait3A_163, %dma_wait3A_164] : memref<10240x128xf32, #tpu.memory_space<vmem_shared>> -> memref<10240x128xf32, #tpu.memory_space<vmem_shared>>
          tpu.wait_indirect_dma semaphore(%run_scoped3A_145 : memref<!tpu.dma_semaphore, #tpu.memory_space<semaphore_mem>>) src(%dma_wait3A_159 : memref<128x128xf32, #tpu.memory_space<vmem>>) dst(%dma_wait3A_165 : memref<10240x128xf32, #tpu.memory_space<vmem_shared>>)
          tpu.yield
        }) : () -> ()
        %dma_wait3A_131 = arith.constant 1 : i32
        %dma_wait3A_132 = arith.constant 0 : i32
        %dma_wait3A_133 = arith.constant 0 : i32
        %dma_wait3A_134 = tpu.memref_slice %arg11[%dma_wait3A_131, %dma_wait3A_132, %dma_wait3A_133] : memref<2x128x128xf32, #tpu.memory_space<vmem>> -> memref<1x128x128xf32, #tpu.memory_space<vmem>>
        %dma_wait3A_135 = tpu.memref_squeeze %dma_wait3A_134 : memref<1x128x128xf32, #tpu.memory_space<vmem>> -> memref<128x128xf32, #tpu.memory_space<vmem>>
        %dma_wait3A_136 = arith.constant 0 : i32
        %dma_wait3A_137 = tpu.memref_slice %arg9[%add3A_107, %dma_wait3A_136] : memref<8x128xi32, #tpu.memory_space<vmem>> -> memref<1x128xi32, #tpu.memory_space<vmem>>
        %dma_wait3A_138 = tpu.memref_squeeze %dma_wait3A_137 : memref<1x128xi32, #tpu.memory_space<vmem>> -> memref<128xi32, #tpu.memory_space<vmem>>
        %dma_wait3A_139 = arith.constant 0 : i32
        %dma_wait3A_140 = arith.constant 0 : i32
        %dma_wait3A_141 = tpu.memref_slice %arg2[%dma_wait3A_139, %dma_wait3A_140] : memref<10240x128xf32, #tpu.memory_space<hbm>> -> memref<10240x128xf32, #tpu.memory_space<hbm>>
        tpu.wait_indirect_dma semaphore(%arg15 : memref<!tpu.dma_semaphore, #tpu.memory_space<semaphore_mem>>) src(%dma_wait3A_141 : memref<10240x128xf32, #tpu.memory_space<hbm>>) dst(%dma_wait3A_135 : memref<128x128xf32, #tpu.memory_space<vmem>>)
        %add3A_142 = arith.constant 1 : i32
        %add3A_143 = arith.addi %mul3A_94, %add3A_142 : i32
        %run_scoped3A_144 = arith.constant 1 : i32
        "tpu.region"() ({
          %run_scoped3A_145 = tpu.sem_alloc : memref<!tpu.dma_semaphore, #tpu.memory_space<semaphore_mem>>
          %dma_start3A_146 = arith.constant 0 : i32
          %dma_start3A_147 = arith.constant 0 : i32
          %dma_start3A_148 = tpu.memref_slice %arg11[%run_scoped3A_144, %dma_start3A_146, %dma_start3A_147] : memref<2x128x128xf32, #tpu.memory_space<vmem>> -> memref<1x128x128xf32, #tpu.memory_space<vmem>>
          %dma_start3A_149 = tpu.memref_squeeze %dma_start3A_148 : memref<1x128x128xf32, #tpu.memory_space<vmem>> -> memref<128x128xf32, #tpu.memory_space<vmem>>
          %dma_start3A_150 = arith.constant 0 : i32
          %dma_start3A_151 = tpu.memref_slice %arg10[%add3A_143, %dma_start3A_150] : memref<8x128xi32, #tpu.memory_space<vmem>> -> memref<1x128xi32, #tpu.memory_space<vmem>>
          %dma_start3A_152 = tpu.memref_squeeze %dma_start3A_151 : memref<1x128xi32, #tpu.memory_space<vmem>> -> memref<128xi32, #tpu.memory_space<vmem>>
          %dma_start3A_153 = arith.constant 0 : i32
          %dma_start3A_154 = arith.constant 0 : i32
          %dma_start3A_155 = tpu.memref_slice %arg13[%dma_start3A_153, %dma_start3A_154] : memref<10240x128xf32, #tpu.memory_space<vmem_shared>> -> memref<10240x128xf32, #tpu.memory_space<vmem_shared>>
          tpu.enqueue_indirect_dma source(%dma_start3A_149 : memref<128x128xf32, #tpu.memory_space<vmem>>) target(%dma_start3A_155 : memref<10240x128xf32, #tpu.memory_space<vmem_shared>>) offsets(%dma_start3A_152 : memref<128xi32, #tpu.memory_space<vmem>>) semaphore(%run_scoped3A_145 : memref<!tpu.dma_semaphore, #tpu.memory_space<semaphore_mem>>) {add = true}
          %dma_wait3A_156 = arith.constant 0 : i32
          %dma_wait3A_157 = arith.constant 0 : i32
          %dma_wait3A_158 = tpu.memref_slice %arg11[%run_scoped3A_144, %dma_wait3A_156, %dma_wait3A_157] : memref<2x128x128xf32, #tpu.memory_space<vmem>> -> memref<1x128x128xf32, #tpu.memory_space<vmem>>
          %dma_wait3A_159 = tpu.memref_squeeze %dma_wait3A_158 : memref<1x128x128xf32, #tpu.memory_space<vmem>> -> memref<128x128xf32, #tpu.memory_space<vmem>>
          %dma_wait3A_160 = arith.constant 0 : i32
          %dma_wait3A_161 = tpu.memref_slice %arg10[%add3A_143, %dma_wait3A_160] : memref<8x128xi32, #tpu.memory_space<vmem>> -> memref<1x128xi32, #tpu.memory_space<vmem>>
          %dma_wait3A_162 = tpu.memref_squeeze %dma_wait3A_161 : memref<1x128xi32, #tpu.memory_space<vmem>> -> memref<128xi32, #tpu.memory_space<vmem>>
          %dma_wait3A_163 = arith.constant 0 : i32
          %dma_wait3A_164 = arith.constant 0 : i32
          %dma_wait3A_165 = tpu.memref_slice %arg13[%dma_wait3A_163, %dma_wait3A_164] : memref<10240x128xf32, #tpu.memory_space<vmem_shared>> -> memref<10240x128xf32, #tpu.memory_space<vmem_shared>>
          tpu.wait_indirect_dma semaphore(%run_scoped3A_145 : memref<!tpu.dma_semaphore, #tpu.memory_space<semaphore_mem>>) src(%dma_wait3A_159 : memref<128x128xf32, #tpu.memory_space<vmem>>) dst(%dma_wait3A_165 : memref<10240x128xf32, #tpu.memory_space<vmem_shared>>)
          tpu.yield
        }) : () -> ()
      }
      %scan3A_91 = arith.constant 4 : i32
    }
    %while3A_46 = arith.constant 1 : i32
    scf.for %while3A_82 = %while3A_44 to %while3A_40 step %while3A_46  : i32 {
      %mul3A_83 = arith.constant 8 : i32
      %mul3A_84 = arith.muli %while3A_82, %mul3A_83 : i32
      %add3A_85 = arith.addi %select_n3A, %mul3A_84 : i32
      "tpu.region"() ({
        %run_scoped3A_92 = tpu.sem_alloc : memref<!tpu.dma_semaphore, #tpu.memory_space<semaphore_mem>>
        %dma_start3A_93 = arith.constant 0 : i32
        %dma_start3A_94 = tpu.memref_slice %arg3[%add3A_85, %dma_start3A_93] : memref<2560x128xi32, #tpu.memory_space<hbm>> -> memref<8x128xi32, #tpu.memory_space<hbm>>
        %dma_start3A_95 = arith.constant 0 : i32
        %dma_start3A_96 = tpu.memref_slice %arg3[%add3A_85, %dma_start3A_95] : memref<2560x128xi32, #tpu.memory_space<hbm>> -> memref<8x128xi32, #tpu.memory_space<hbm>>
        tpu.enqueue_dma source(%dma_start3A_96 : memref<8x128xi32, #tpu.memory_space<hbm>>) target(%arg9 : memref<8x128xi32, #tpu.memory_space<vmem>>) target_semaphore(%run_scoped3A_92 : memref<!tpu.dma_semaphore, #tpu.memory_space<semaphore_mem>>)
        %dma_wait3A_97 = arith.constant 0 : i32
        %dma_wait3A_98 = tpu.memref_slice %arg3[%add3A_85, %dma_wait3A_97] : memref<2560x128xi32, #tpu.memory_space<hbm>> -> memref<8x128xi32, #tpu.memory_space<hbm>>
        %dma_wait3A_99 = arith.constant 0 : i32
        %dma_wait3A_100 = tpu.memref_slice %arg3[%add3A_85, %dma_wait3A_99] : memref<2560x128xi32, #tpu.memory_space<hbm>> -> memref<8x128xi32, #tpu.memory_space<hbm>>
        tpu.wait_dma2 semaphore(%run_scoped3A_92 : memref<!tpu.dma_semaphore, #tpu.memory_space<semaphore_mem>>) src(%dma_wait3A_100 : memref<8x128xi32, #tpu.memory_space<hbm>>) dst(%arg9 : memref<8x128xi32, #tpu.memory_space<vmem>>)
        tpu.yield
      }) : () -> ()
      "tpu.region"() ({
        %run_scoped3A_92 = tpu.sem_alloc : memref<!tpu.dma_semaphore, #tpu.memory_space<semaphore_mem>>
        %dma_start3A_93 = arith.constant 0 : i32
        %dma_start3A_94 = tpu.memref_slice %arg4[%add3A_85, %dma_start3A_93] : memref<2560x128xi32, #tpu.memory_space<hbm>> -> memref<8x128xi32, #tpu.memory_space<hbm>>
        %dma_start3A_95 = arith.constant 0 : i32
        %dma_start3A_96 = tpu.memref_slice %arg4[%add3A_85, %dma_start3A_95] : memref<2560x128xi32, #tpu.memory_space<hbm>> -> memref<8x128xi32, #tpu.memory_space<hbm>>
        tpu.enqueue_dma source(%dma_start3A_96 : memref<8x128xi32, #tpu.memory_space<hbm>>) target(%arg10 : memref<8x128xi32, #tpu.memory_space<vmem>>) target_semaphore(%run_scoped3A_92 : memref<!tpu.dma_semaphore, #tpu.memory_space<semaphore_mem>>)
        %dma_wait3A_97 = arith.constant 0 : i32
        %dma_wait3A_98 = tpu.memref_slice %arg4[%add3A_85, %dma_wait3A_97] : memref<2560x128xi32, #tpu.memory_space<hbm>> -> memref<8x128xi32, #tpu.memory_space<hbm>>
        %dma_wait3A_99 = arith.constant 0 : i32
        %dma_wait3A_100 = tpu.memref_slice %arg4[%add3A_85, %dma_wait3A_99] : memref<2560x128xi32, #tpu.memory_space<hbm>> -> memref<8x128xi32, #tpu.memory_space<hbm>>
        tpu.wait_dma2 semaphore(%run_scoped3A_92 : memref<!tpu.dma_semaphore, #tpu.memory_space<semaphore_mem>>) src(%dma_wait3A_100 : memref<8x128xi32, #tpu.memory_space<hbm>>) dst(%arg10 : memref<8x128xi32, #tpu.memory_space<vmem>>)
        tpu.yield
      }) : () -> ()
      %scan3A_86 = arith.constant 0 : i32
      %scan3A_87 = arith.constant 0 : i32
      %scan3A_88 = arith.constant 4 : i32
      %scan3A_89 = arith.addi %scan3A_87, %scan3A_88 : i32
      %scan3A_90 = arith.constant 1 : i32
      scf.for %scan3A_92 = %scan3A_87 to %scan3A_89 step %scan3A_90  : i32 {
        %mul3A_93 = arith.constant 2 : i32
        %mul3A_94 = arith.muli %mul3A_93, %scan3A_92 : i32
        %dma_start3A_95 = arith.constant 0 : i32
        %dma_start3A_96 = arith.constant 0 : i32
        %dma_start3A_97 = arith.constant 0 : i32
        %dma_start3A_98 = tpu.memref_slice %arg11[%dma_start3A_95, %dma_start3A_96, %dma_start3A_97] : memref<2x128x128xf32, #tpu.memory_space<vmem>> -> memref<1x128x128xf32, #tpu.memory_space<vmem>>
        %dma_start3A_99 = tpu.memref_squeeze %dma_start3A_98 : memref<1x128x128xf32, #tpu.memory_space<vmem>> -> memref<128x128xf32, #tpu.memory_space<vmem>>
        %dma_start3A_100 = arith.constant 0 : i32
        %dma_start3A_101 = tpu.memref_slice %arg9[%mul3A_94, %dma_start3A_100] : memref<8x128xi32, #tpu.memory_space<vmem>> -> memref<1x128xi32, #tpu.memory_space<vmem>>
        %dma_start3A_102 = tpu.memref_squeeze %dma_start3A_101 : memref<1x128xi32, #tpu.memory_space<vmem>> -> memref<128xi32, #tpu.memory_space<vmem>>
        %dma_start3A_103 = arith.constant 0 : i32
        %dma_start3A_104 = arith.constant 0 : i32
        %dma_start3A_105 = tpu.memref_slice %arg2[%dma_start3A_103, %dma_start3A_104] : memref<10240x128xf32, #tpu.memory_space<hbm>> -> memref<10240x128xf32, #tpu.memory_space<hbm>>
        tpu.enqueue_indirect_dma source(%dma_start3A_105 : memref<10240x128xf32, #tpu.memory_space<hbm>>) target(%dma_start3A_99 : memref<128x128xf32, #tpu.memory_space<vmem>>) offsets(%dma_start3A_102 : memref<128xi32, #tpu.memory_space<vmem>>) semaphore(%arg14 : memref<!tpu.dma_semaphore, #tpu.memory_space<semaphore_mem>>)
        %add3A_106 = arith.constant 1 : i32
        %add3A_107 = arith.addi %mul3A_94, %add3A_106 : i32
        %dma_start3A_108 = arith.constant 1 : i32
        %dma_start3A_109 = arith.constant 0 : i32
        %dma_start3A_110 = arith.constant 0 : i32
        %dma_start3A_111 = tpu.memref_slice %arg11[%dma_start3A_108, %dma_start3A_109, %dma_start3A_110] : memref<2x128x128xf32, #tpu.memory_space<vmem>> -> memref<1x128x128xf32, #tpu.memory_space<vmem>>
        %dma_start3A_112 = tpu.memref_squeeze %dma_start3A_111 : memref<1x128x128xf32, #tpu.memory_space<vmem>> -> memref<128x128xf32, #tpu.memory_space<vmem>>
        %dma_start3A_113 = arith.constant 0 : i32
        %dma_start3A_114 = tpu.memref_slice %arg9[%add3A_107, %dma_start3A_113] : memref<8x128xi32, #tpu.memory_space<vmem>> -> memref<1x128xi32, #tpu.memory_space<vmem>>
        %dma_start3A_115 = tpu.memref_squeeze %dma_start3A_114 : memref<1x128xi32, #tpu.memory_space<vmem>> -> memref<128xi32, #tpu.memory_space<vmem>>
        %dma_start3A_116 = arith.constant 0 : i32
        %dma_start3A_117 = arith.constant 0 : i32
        %dma_start3A_118 = tpu.memref_slice %arg2[%dma_start3A_116, %dma_start3A_117] : memref<10240x128xf32, #tpu.memory_space<hbm>> -> memref<10240x128xf32, #tpu.memory_space<hbm>>
        tpu.enqueue_indirect_dma source(%dma_start3A_118 : memref<10240x128xf32, #tpu.memory_space<hbm>>) target(%dma_start3A_112 : memref<128x128xf32, #tpu.memory_space<vmem>>) offsets(%dma_start3A_115 : memref<128xi32, #tpu.memory_space<vmem>>) semaphore(%arg15 : memref<!tpu.dma_semaphore, #tpu.memory_space<semaphore_mem>>)
        %dma_wait3A_119 = arith.constant 0 : i32
        %dma_wait3A_120 = arith.constant 0 : i32
        %dma_wait3A_121 = arith.constant 0 : i32
        %dma_wait3A_122 = tpu.memref_slice %arg11[%dma_wait3A_119, %dma_wait3A_120, %dma_wait3A_121] : memref<2x128x128xf32, #tpu.memory_space<vmem>> -> memref<1x128x128xf32, #tpu.memory_space<vmem>>
        %dma_wait3A_123 = tpu.memref_squeeze %dma_wait3A_122 : memref<1x128x128xf32, #tpu.memory_space<vmem>> -> memref<128x128xf32, #tpu.memory_space<vmem>>
        %dma_wait3A_124 = arith.constant 0 : i32
        %dma_wait3A_125 = tpu.memref_slice %arg9[%mul3A_94, %dma_wait3A_124] : memref<8x128xi32, #tpu.memory_space<vmem>> -> memref<1x128xi32, #tpu.memory_space<vmem>>
        %dma_wait3A_126 = tpu.memref_squeeze %dma_wait3A_125 : memref<1x128xi32, #tpu.memory_space<vmem>> -> memref<128xi32, #tpu.memory_space<vmem>>
        %dma_wait3A_127 = arith.constant 0 : i32
        %dma_wait3A_128 = arith.constant 0 : i32
        %dma_wait3A_129 = tpu.memref_slice %arg2[%dma_wait3A_127, %dma_wait3A_128] : memref<10240x128xf32, #tpu.memory_space<hbm>> -> memref<10240x128xf32, #tpu.memory_space<hbm>>
        tpu.wait_indirect_dma semaphore(%arg14 : memref<!tpu.dma_semaphore, #tpu.memory_space<semaphore_mem>>) src(%dma_wait3A_129 : memref<10240x128xf32, #tpu.memory_space<hbm>>) dst(%dma_wait3A_123 : memref<128x128xf32, #tpu.memory_space<vmem>>)
        %run_scoped3A_130 = arith.constant 0 : i32
        "tpu.region"() ({
          %run_scoped3A_145 = tpu.sem_alloc : memref<!tpu.dma_semaphore, #tpu.memory_space<semaphore_mem>>
          %dma_start3A_146 = arith.constant 0 : i32
          %dma_start3A_147 = arith.constant 0 : i32
          %dma_start3A_148 = tpu.memref_slice %arg11[%run_scoped3A_130, %dma_start3A_146, %dma_start3A_147] : memref<2x128x128xf32, #tpu.memory_space<vmem>> -> memref<1x128x128xf32, #tpu.memory_space<vmem>>
          %dma_start3A_149 = tpu.memref_squeeze %dma_start3A_148 : memref<1x128x128xf32, #tpu.memory_space<vmem>> -> memref<128x128xf32, #tpu.memory_space<vmem>>
          %dma_start3A_150 = arith.constant 0 : i32
          %dma_start3A_151 = tpu.memref_slice %arg10[%mul3A_94, %dma_start3A_150] : memref<8x128xi32, #tpu.memory_space<vmem>> -> memref<1x128xi32, #tpu.memory_space<vmem>>
          %dma_start3A_152 = tpu.memref_squeeze %dma_start3A_151 : memref<1x128xi32, #tpu.memory_space<vmem>> -> memref<128xi32, #tpu.memory_space<vmem>>
          %dma_start3A_153 = arith.constant 0 : i32
          %dma_start3A_154 = arith.constant 0 : i32
          %dma_start3A_155 = tpu.memref_slice %arg13[%dma_start3A_153, %dma_start3A_154] : memref<10240x128xf32, #tpu.memory_space<vmem_shared>> -> memref<10240x128xf32, #tpu.memory_space<vmem_shared>>
          tpu.enqueue_indirect_dma source(%dma_start3A_149 : memref<128x128xf32, #tpu.memory_space<vmem>>) target(%dma_start3A_155 : memref<10240x128xf32, #tpu.memory_space<vmem_shared>>) offsets(%dma_start3A_152 : memref<128xi32, #tpu.memory_space<vmem>>) semaphore(%run_scoped3A_145 : memref<!tpu.dma_semaphore, #tpu.memory_space<semaphore_mem>>) {add = true}
          %dma_wait3A_156 = arith.constant 0 : i32
          %dma_wait3A_157 = arith.constant 0 : i32
          %dma_wait3A_158 = tpu.memref_slice %arg11[%run_scoped3A_130, %dma_wait3A_156, %dma_wait3A_157] : memref<2x128x128xf32, #tpu.memory_space<vmem>> -> memref<1x128x128xf32, #tpu.memory_space<vmem>>
          %dma_wait3A_159 = tpu.memref_squeeze %dma_wait3A_158 : memref<1x128x128xf32, #tpu.memory_space<vmem>> -> memref<128x128xf32, #tpu.memory_space<vmem>>
          %dma_wait3A_160 = arith.constant 0 : i32
          %dma_wait3A_161 = tpu.memref_slice %arg10[%mul3A_94, %dma_wait3A_160] : memref<8x128xi32, #tpu.memory_space<vmem>> -> memref<1x128xi32, #tpu.memory_space<vmem>>
          %dma_wait3A_162 = tpu.memref_squeeze %dma_wait3A_161 : memref<1x128xi32, #tpu.memory_space<vmem>> -> memref<128xi32, #tpu.memory_space<vmem>>
          %dma_wait3A_163 = arith.constant 0 : i32
          %dma_wait3A_164 = arith.constant 0 : i32
          %dma_wait3A_165 = tpu.memref_slice %arg13[%dma_wait3A_163, %dma_wait3A_164] : memref<10240x128xf32, #tpu.memory_space<vmem_shared>> -> memref<10240x128xf32, #tpu.memory_space<vmem_shared>>
          tpu.wait_indirect_dma semaphore(%run_scoped3A_145 : memref<!tpu.dma_semaphore, #tpu.memory_space<semaphore_mem>>) src(%dma_wait3A_159 : memref<128x128xf32, #tpu.memory_space<vmem>>) dst(%dma_wait3A_165 : memref<10240x128xf32, #tpu.memory_space<vmem_shared>>)
          tpu.yield
        }) : () -> ()
        %dma_wait3A_131 = arith.constant 1 : i32
        %dma_wait3A_132 = arith.constant 0 : i32
        %dma_wait3A_133 = arith.constant 0 : i32
        %dma_wait3A_134 = tpu.memref_slice %arg11[%dma_wait3A_131, %dma_wait3A_132, %dma_wait3A_133] : memref<2x128x128xf32, #tpu.memory_space<vmem>> -> memref<1x128x128xf32, #tpu.memory_space<vmem>>
        %dma_wait3A_135 = tpu.memref_squeeze %dma_wait3A_134 : memref<1x128x128xf32, #tpu.memory_space<vmem>> -> memref<128x128xf32, #tpu.memory_space<vmem>>
        %dma_wait3A_136 = arith.constant 0 : i32
        %dma_wait3A_137 = tpu.memref_slice %arg9[%add3A_107, %dma_wait3A_136] : memref<8x128xi32, #tpu.memory_space<vmem>> -> memref<1x128xi32, #tpu.memory_space<vmem>>
        %dma_wait3A_138 = tpu.memref_squeeze %dma_wait3A_137 : memref<1x128xi32, #tpu.memory_space<vmem>> -> memref<128xi32, #tpu.memory_space<vmem>>
        %dma_wait3A_139 = arith.constant 0 : i32
        %dma_wait3A_140 = arith.constant 0 : i32
        %dma_wait3A_141 = tpu.memref_slice %arg2[%dma_wait3A_139, %dma_wait3A_140] : memref<10240x128xf32, #tpu.memory_space<hbm>> -> memref<10240x128xf32, #tpu.memory_space<hbm>>
        tpu.wait_indirect_dma semaphore(%arg15 : memref<!tpu.dma_semaphore, #tpu.memory_space<semaphore_mem>>) src(%dma_wait3A_141 : memref<10240x128xf32, #tpu.memory_space<hbm>>) dst(%dma_wait3A_135 : memref<128x128xf32, #tpu.memory_space<vmem>>)
        %add3A_142 = arith.constant 1 : i32
        %add3A_143 = arith.addi %mul3A_94, %add3A_142 : i32
        %run_scoped3A_144 = arith.constant 1 : i32
        "tpu.region"() ({
          %run_scoped3A_145 = tpu.sem_alloc : memref<!tpu.dma_semaphore, #tpu.memory_space<semaphore_mem>>
          %dma_start3A_146 = arith.constant 0 : i32
          %dma_start3A_147 = arith.constant 0 : i32
          %dma_start3A_148 = tpu.memref_slice %arg11[%run_scoped3A_144, %dma_start3A_146, %dma_start3A_147] : memref<2x128x128xf32, #tpu.memory_space<vmem>> -> memref<1x128x128xf32, #tpu.memory_space<vmem>>
          %dma_start3A_149 = tpu.memref_squeeze %dma_start3A_148 : memref<1x128x128xf32, #tpu.memory_space<vmem>> -> memref<128x128xf32, #tpu.memory_space<vmem>>
          %dma_start3A_150 = arith.constant 0 : i32
          %dma_start3A_151 = tpu.memref_slice %arg10[%add3A_143, %dma_start3A_150] : memref<8x128xi32, #tpu.memory_space<vmem>> -> memref<1x128xi32, #tpu.memory_space<vmem>>
          %dma_start3A_152 = tpu.memref_squeeze %dma_start3A_151 : memref<1x128xi32, #tpu.memory_space<vmem>> -> memref<128xi32, #tpu.memory_space<vmem>>
          %dma_start3A_153 = arith.constant 0 : i32
          %dma_start3A_154 = arith.constant 0 : i32
          %dma_start3A_155 = tpu.memref_slice %arg13[%dma_start3A_153, %dma_start3A_154] : memref<10240x128xf32, #tpu.memory_space<vmem_shared>> -> memref<10240x128xf32, #tpu.memory_space<vmem_shared>>
          tpu.enqueue_indirect_dma source(%dma_start3A_149 : memref<128x128xf32, #tpu.memory_space<vmem>>) target(%dma_start3A_155 : memref<10240x128xf32, #tpu.memory_space<vmem_shared>>) offsets(%dma_start3A_152 : memref<128xi32, #tpu.memory_space<vmem>>) semaphore(%run_scoped3A_145 : memref<!tpu.dma_semaphore, #tpu.memory_space<semaphore_mem>>) {add = true}
          %dma_wait3A_156 = arith.constant 0 : i32
          %dma_wait3A_157 = arith.constant 0 : i32
          %dma_wait3A_158 = tpu.memref_slice %arg11[%run_scoped3A_144, %dma_wait3A_156, %dma_wait3A_157] : memref<2x128x128xf32, #tpu.memory_space<vmem>> -> memref<1x128x128xf32, #tpu.memory_space<vmem>>
          %dma_wait3A_159 = tpu.memref_squeeze %dma_wait3A_158 : memref<1x128x128xf32, #tpu.memory_space<vmem>> -> memref<128x128xf32, #tpu.memory_space<vmem>>
          %dma_wait3A_160 = arith.constant 0 : i32
          %dma_wait3A_161 = tpu.memref_slice %arg10[%add3A_143, %dma_wait3A_160] : memref<8x128xi32, #tpu.memory_space<vmem>> -> memref<1x128xi32, #tpu.memory_space<vmem>>
          %dma_wait3A_162 = tpu.memref_squeeze %dma_wait3A_161 : memref<1x128xi32, #tpu.memory_space<vmem>> -> memref<128xi32, #tpu.memory_space<vmem>>
          %dma_wait3A_163 = arith.constant 0 : i32
          %dma_wait3A_164 = arith.constant 0 : i32
          %dma_wait3A_165 = tpu.memref_slice %arg13[%dma_wait3A_163, %dma_wait3A_164] : memref<10240x128xf32, #tpu.memory_space<vmem_shared>> -> memref<10240x128xf32, #tpu.memory_space<vmem_shared>>
          tpu.wait_indirect_dma semaphore(%run_scoped3A_145 : memref<!tpu.dma_semaphore, #tpu.memory_space<semaphore_mem>>) src(%dma_wait3A_159 : memref<128x128xf32, #tpu.memory_space<vmem>>) dst(%dma_wait3A_165 : memref<10240x128xf32, #tpu.memory_space<vmem_shared>>)
          tpu.yield
        }) : () -> ()
      }
      %scan3A_91 = arith.constant 4 : i32
    }
    %dma_start3A = arith.constant 0 : i32
    %dma_start3A_47 = arith.constant 0 : i32
    %dma_start3A_48 = arith.constant 0 : i32
    %dma_start3A_49 = tpu.memref_slice %arg11[%dma_start3A, %dma_start3A_47, %dma_start3A_48] : memref<2x128x128xf32, #tpu.memory_space<vmem>> -> memref<1x128x128xf32, #tpu.memory_space<vmem>>
    %dma_start3A_50 = tpu.memref_squeeze %dma_start3A_49 : memref<1x128x128xf32, #tpu.memory_space<vmem>> -> memref<128x128xf32, #tpu.memory_space<vmem>>
    %dma_start3A_51 = arith.constant 0 : i32
    %dma_start3A_52 = tpu.memref_slice %arg12[%arg0, %dma_start3A_51] : memref<2x128xi32, #tpu.memory_space<vmem>> -> memref<1x128xi32, #tpu.memory_space<vmem>>
    %dma_start3A_53 = tpu.memref_squeeze %dma_start3A_52 : memref<1x128xi32, #tpu.memory_space<vmem>> -> memref<128xi32, #tpu.memory_space<vmem>>
    %dma_start3A_54 = arith.constant 0 : i32
    %dma_start3A_55 = arith.constant 0 : i32
    %dma_start3A_56 = tpu.memref_slice %arg2[%dma_start3A_54, %dma_start3A_55] : memref<10240x128xf32, #tpu.memory_space<hbm>> -> memref<10240x128xf32, #tpu.memory_space<hbm>>
    tpu.enqueue_indirect_dma source(%dma_start3A_56 : memref<10240x128xf32, #tpu.memory_space<hbm>>) target(%dma_start3A_50 : memref<128x128xf32, #tpu.memory_space<vmem>>) offsets(%dma_start3A_53 : memref<128xi32, #tpu.memory_space<vmem>>) semaphore(%arg14 : memref<!tpu.dma_semaphore, #tpu.memory_space<semaphore_mem>>)
    %dma_wait3A = arith.constant 0 : i32
    %dma_wait3A_57 = arith.constant 0 : i32
    %dma_wait3A_58 = arith.constant 0 : i32
    %dma_wait3A_59 = tpu.memref_slice %arg11[%dma_wait3A, %dma_wait3A_57, %dma_wait3A_58] : memref<2x128x128xf32, #tpu.memory_space<vmem>> -> memref<1x128x128xf32, #tpu.memory_space<vmem>>
    %dma_wait3A_60 = tpu.memref_squeeze %dma_wait3A_59 : memref<1x128x128xf32, #tpu.memory_space<vmem>> -> memref<128x128xf32, #tpu.memory_space<vmem>>
    %dma_wait3A_61 = arith.constant 0 : i32
    %dma_wait3A_62 = tpu.memref_slice %arg12[%arg0, %dma_wait3A_61] : memref<2x128xi32, #tpu.memory_space<vmem>> -> memref<1x128xi32, #tpu.memory_space<vmem>>
    %dma_wait3A_63 = tpu.memref_squeeze %dma_wait3A_62 : memref<1x128xi32, #tpu.memory_space<vmem>> -> memref<128xi32, #tpu.memory_space<vmem>>
    %dma_wait3A_64 = arith.constant 0 : i32
    %dma_wait3A_65 = arith.constant 0 : i32
    %dma_wait3A_66 = tpu.memref_slice %arg2[%dma_wait3A_64, %dma_wait3A_65] : memref<10240x128xf32, #tpu.memory_space<hbm>> -> memref<10240x128xf32, #tpu.memory_space<hbm>>
    tpu.wait_indirect_dma semaphore(%arg14 : memref<!tpu.dma_semaphore, #tpu.memory_space<semaphore_mem>>) src(%dma_wait3A_66 : memref<10240x128xf32, #tpu.memory_space<hbm>>) dst(%dma_wait3A_60 : memref<128x128xf32, #tpu.memory_space<vmem>>)
    %mul3A_67 = arith.constant 2 : i32
    %mul3A_68 = arith.muli %mul3A_67, %arg1 : i32
    %add3A_69 = arith.addi %mul3A_68, %arg0 : i32
    %mul3A_70 = arith.constant 128 : i32
    %mul3A_71 = arith.muli %add3A_69, %mul3A_70 : i32
    %run_scoped3A_72 = arith.constant 0 : i32
    "tpu.region"() ({
      %run_scoped3A_82 = tpu.sem_alloc : memref<!tpu.dma_semaphore, #tpu.memory_space<semaphore_mem>>
      %dma_start3A_83 = arith.constant 0 : i32
      %dma_start3A_84 = arith.constant 0 : i32
      %dma_start3A_85 = tpu.memref_slice %arg11[%run_scoped3A_72, %dma_start3A_83, %dma_start3A_84] : memref<2x128x128xf32, #tpu.memory_space<vmem>> -> memref<1x128x128xf32, #tpu.memory_space<vmem>>
      %dma_start3A_86 = tpu.memref_squeeze %dma_start3A_85 : memref<1x128x128xf32, #tpu.memory_space<vmem>> -> memref<128x128xf32, #tpu.memory_space<vmem>>
      %dma_start3A_87 = arith.constant 0 : i32
      %dma_start3A_88 = tpu.memref_slice %arg8[%mul3A_71, %dma_start3A_87] : memref<4096x128xf32, #tpu.memory_space<hbm>> -> memref<128x128xf32, #tpu.memory_space<hbm>>
      %dma_start3A_89 = arith.constant 0 : i32
      %dma_start3A_90 = tpu.memref_slice %arg8[%mul3A_71, %dma_start3A_89] : memref<4096x128xf32, #tpu.memory_space<hbm>> -> memref<128x128xf32, #tpu.memory_space<hbm>>
      %dma_start3A_91 = arith.constant 0 : i32
      %dma_start3A_92 = arith.constant 0 : i32
      %dma_start3A_93 = tpu.memref_slice %arg11[%run_scoped3A_72, %dma_start3A_91, %dma_start3A_92] : memref<2x128x128xf32, #tpu.memory_space<vmem>> -> memref<1x128x128xf32, #tpu.memory_space<vmem>>
      %dma_start3A_94 = tpu.memref_squeeze %dma_start3A_93 : memref<1x128x128xf32, #tpu.memory_space<vmem>> -> memref<128x128xf32, #tpu.memory_space<vmem>>
      tpu.enqueue_dma source(%dma_start3A_94 : memref<128x128xf32, #tpu.memory_space<vmem>>) target(%dma_start3A_90 : memref<128x128xf32, #tpu.memory_space<hbm>>) target_semaphore(%run_scoped3A_82 : memref<!tpu.dma_semaphore, #tpu.memory_space<semaphore_mem>>)
      %dma_wait3A_95 = arith.constant 0 : i32
      %dma_wait3A_96 = arith.constant 0 : i32
      %dma_wait3A_97 = tpu.memref_slice %arg11[%run_scoped3A_72, %dma_wait3A_95, %dma_wait3A_96] : memref<2x128x128xf32, #tpu.memory_space<vmem>> -> memref<1x128x128xf32, #tpu.memory_space<vmem>>
      %dma_wait3A_98 = tpu.memref_squeeze %dma_wait3A_97 : memref<1x128x128xf32, #tpu.memory_space<vmem>> -> memref<128x128xf32, #tpu.memory_space<vmem>>
      %dma_wait3A_99 = arith.constant 0 : i32
      %dma_wait3A_100 = tpu.memref_slice %arg8[%mul3A_71, %dma_wait3A_99] : memref<4096x128xf32, #tpu.memory_space<hbm>> -> memref<128x128xf32, #tpu.memory_space<hbm>>
      %dma_wait3A_101 = arith.constant 0 : i32
      %dma_wait3A_102 = tpu.memref_slice %arg8[%mul3A_71, %dma_wait3A_101] : memref<4096x128xf32, #tpu.memory_space<hbm>> -> memref<128x128xf32, #tpu.memory_space<hbm>>
      %dma_wait3A_103 = arith.constant 0 : i32
      %dma_wait3A_104 = arith.constant 0 : i32
      %dma_wait3A_105 = tpu.memref_slice %arg11[%run_scoped3A_72, %dma_wait3A_103, %dma_wait3A_104] : memref<2x128x128xf32, #tpu.memory_space<vmem>> -> memref<1x128x128xf32, #tpu.memory_space<vmem>>
      %dma_wait3A_106 = tpu.memref_squeeze %dma_wait3A_105 : memref<1x128x128xf32, #tpu.memory_space<vmem>> -> memref<128x128xf32, #tpu.memory_space<vmem>>
      tpu.wait_dma2 semaphore(%run_scoped3A_82 : memref<!tpu.dma_semaphore, #tpu.memory_space<semaphore_mem>>) src(%dma_wait3A_106 : memref<128x128xf32, #tpu.memory_space<vmem>>) dst(%dma_wait3A_102 : memref<128x128xf32, #tpu.memory_space<hbm>>)
      tpu.yield
    }) : () -> ()
    %barrier3A_73 = arith.constant 0 : index
    tpu.barrier barrier_id(%barrier3A_73)
    %eq3A_74 = arith.constant 0 : i32
    %eq3A_75 = arith.cmpi eq, %arg0, %eq3A_74 : i32
    %convert_element_type3A = arith.extui %eq3A_75 : i1 to i32
    %cond3A = arith.constant 0 : i32
    %cond3A_76 = arith.cmpi ne, %convert_element_type3A, %cond3A : i32
    scf.if %cond3A_76 {
      %mul3A_82 = arith.constant 640 : i32
      %mul3A_83 = arith.muli %arg1, %mul3A_82 : i32
      %mul3A_84 = arith.constant 640 : i32
      %mul3A_85 = arith.muli %arg1, %mul3A_84 : i32
      "tpu.region"() ({
        %run_scoped3A_86 = tpu.sem_alloc : memref<!tpu.dma_semaphore, #tpu.memory_space<semaphore_mem>>
        %dma_start3A_87 = arith.constant 0 : i32
        %dma_start3A_88 = tpu.memref_slice %arg6[%mul3A_85, %dma_start3A_87] : memref<10240x128xf32, #tpu.memory_space<hbm>> -> memref<640x128xf32, #tpu.memory_space<hbm>>
        %dma_start3A_89 = arith.constant 0 : i32
        %dma_start3A_90 = tpu.memref_slice %arg13[%mul3A_83, %dma_start3A_89] : memref<10240x128xf32, #tpu.memory_space<vmem_shared>> -> memref<640x128xf32, #tpu.memory_space<vmem_shared>>
        tpu.enqueue_dma source(%dma_start3A_90 : memref<640x128xf32, #tpu.memory_space<vmem_shared>>) target(%dma_start3A_88 : memref<640x128xf32, #tpu.memory_space<hbm>>) target_semaphore(%run_scoped3A_86 : memref<!tpu.dma_semaphore, #tpu.memory_space<semaphore_mem>>)
        %dma_wait3A_91 = arith.constant 0 : i32
        %dma_wait3A_92 = tpu.memref_slice %arg6[%mul3A_85, %dma_wait3A_91] : memref<10240x128xf32, #tpu.memory_space<hbm>> -> memref<640x128xf32, #tpu.memory_space<hbm>>
        %dma_wait3A_93 = arith.constant 0 : i32
        %dma_wait3A_94 = tpu.memref_slice %arg13[%mul3A_83, %dma_wait3A_93] : memref<10240x128xf32, #tpu.memory_space<vmem_shared>> -> memref<640x128xf32, #tpu.memory_space<vmem_shared>>
        tpu.wait_dma2 semaphore(%run_scoped3A_86 : memref<!tpu.dma_semaphore, #tpu.memory_space<semaphore_mem>>) src(%dma_wait3A_94 : memref<640x128xf32, #tpu.memory_space<vmem_shared>>) dst(%dma_wait3A_92 : memref<640x128xf32, #tpu.memory_space<hbm>>)
        tpu.yield
      }) : () -> ()
    } else {
    }
    %eq3A_77 = arith.constant 1 : i32
    %eq3A_78 = arith.cmpi eq, %arg0, %eq3A_77 : i32
    %convert_element_type3A_79 = arith.extui %eq3A_78 : i1 to i32
    %cond3A_80 = arith.constant 0 : i32
    %cond3A_81 = arith.cmpi ne, %convert_element_type3A_79, %cond3A_80 : i32
    scf.if %cond3A_81 {
      %mul3A_82 = arith.constant 640 : i32
      %mul3A_83 = arith.muli %arg1, %mul3A_82 : i32
      %mul3A_84 = arith.constant 640 : i32
      %mul3A_85 = arith.muli %arg1, %mul3A_84 : i32
      "tpu.region"() ({
        %run_scoped3A_86 = tpu.sem_alloc : memref<!tpu.dma_semaphore, #tpu.memory_space<semaphore_mem>>
        %dma_start3A_87 = arith.constant 0 : i32
        %dma_start3A_88 = tpu.memref_slice %arg7[%mul3A_85, %dma_start3A_87] : memref<10240x128xf32, #tpu.memory_space<hbm>> -> memref<640x128xf32, #tpu.memory_space<hbm>>
        %dma_start3A_89 = arith.constant 0 : i32
        %dma_start3A_90 = tpu.memref_slice %arg13[%mul3A_83, %dma_start3A_89] : memref<10240x128xf32, #tpu.memory_space<vmem_shared>> -> memref<640x128xf32, #tpu.memory_space<vmem_shared>>
        tpu.enqueue_dma source(%dma_start3A_90 : memref<640x128xf32, #tpu.memory_space<vmem_shared>>) target(%dma_start3A_88 : memref<640x128xf32, #tpu.memory_space<hbm>>) target_semaphore(%run_scoped3A_86 : memref<!tpu.dma_semaphore, #tpu.memory_space<semaphore_mem>>)
        %dma_wait3A_91 = arith.constant 0 : i32
        %dma_wait3A_92 = tpu.memref_slice %arg7[%mul3A_85, %dma_wait3A_91] : memref<10240x128xf32, #tpu.memory_space<hbm>> -> memref<640x128xf32, #tpu.memory_space<hbm>>
        %dma_wait3A_93 = arith.constant 0 : i32
        %dma_wait3A_94 = tpu.memref_slice %arg13[%mul3A_83, %dma_wait3A_93] : memref<10240x128xf32, #tpu.memory_space<vmem_shared>> -> memref<640x128xf32, #tpu.memory_space<vmem_shared>>
        tpu.wait_dma2 semaphore(%run_scoped3A_86 : memref<!tpu.dma_semaphore, #tpu.memory_space<semaphore_mem>>) src(%dma_wait3A_94 : memref<640x128xf32, #tpu.memory_space<vmem_shared>>) dst(%dma_wait3A_92 : memref<640x128xf32, #tpu.memory_space<hbm>>)
        tpu.yield
      }) : () -> ()
    } else {
    }
    return
  }
}

module attributes {stable_mosaic.version = 14 : i64} {
  func.func @_layer1_body(%arg0: i32, %arg1: memref<1024x128xf32, #tpu.memory_space<vmem>>, %arg2: memref<1024x128xf32, #tpu.memory_space<vmem>>, %arg3: memref<1024x128xf32, #tpu.memory_space<vmem>>, %arg4: memref<128x128xf32, #tpu.memory_space<vmem>>, %arg5: memref<128x128xf32, #tpu.memory_space<vmem>>, %arg6: memref<1x128xf32, #tpu.memory_space<vmem>>, %arg7: memref<1024x128xf32, #tpu.memory_space<vmem>>) attributes {dimension_semantics = [#tpu.dimension_semantics<arbitrary>], iteration_bounds = array<i64: 10>, scalar_prefetch = 0 : i64, scratch_operands = 0 : i64, tpu.core_type = #tpu.core_type<tc>, window_params = [{transform_indices = @transform_0, window_bounds = array<i64: 1024, 128>}, {transform_indices = @transform_1, window_bounds = array<i64: 1024, 128>}, {transform_indices = @transform_2, window_bounds = array<i64: 1024, 128>}, {pipeline_mode = #tpu.pipeline_mode<synchronous>, transform_indices = @transform_3, window_bounds = array<i64: 128, 128>}, {pipeline_mode = #tpu.pipeline_mode<synchronous>, transform_indices = @transform_4, window_bounds = array<i64: 128, 128>}, {pipeline_mode = #tpu.pipeline_mode<synchronous>, transform_indices = @transform_5, window_bounds = array<i64: 1, 128>}, {transform_indices = @transform_6, window_bounds = array<i64: 1024, 128>}]} {
    %get3A = arith.constant 0 : index
    %get3A_0 = arith.constant 0 : index
    %get3A_1 = vector.load %arg2[%get3A, %get3A_0] : memref<1024x128xf32, #tpu.memory_space<vmem>>, vector<1024x128xf32>
    %get3A_2 = arith.constant 0 : index
    %get3A_3 = arith.constant 0 : index
    %get3A_4 = vector.load %arg3[%get3A_2, %get3A_3] : memref<1024x128xf32, #tpu.memory_space<vmem>>, vector<1024x128xf32>
    %add3A = arith.addf %get3A_1, %get3A_4 : vector<1024x128xf32>
    %get3A_5 = arith.constant 0 : index
    %get3A_6 = arith.constant 0 : index
    %get3A_7 = vector.load %arg1[%get3A_5, %get3A_6] : memref<1024x128xf32, #tpu.memory_space<vmem>>, vector<1024x128xf32>
    %get3A_8 = arith.constant 0 : index
    %get3A_9 = arith.constant 0 : index
    %get3A_10 = vector.load %arg4[%get3A_8, %get3A_9] : memref<128x128xf32, #tpu.memory_space<vmem>>, vector<128x128xf32>
    %dot_general3A = arith.constant dense<0.000000e+00> : vector<1024x128xf32>
    %dot_general3A_11 = tpu.matmul %get3A_7, %get3A_10, %dot_general3A {dimension_numbers = #tpu.dot_dimension_numbers<[1], [0], [0], [1], [0, 0, 1, 1], [], []>, transpose_lhs_hint = false} : vector<1024x128xf32>, vector<128x128xf32>, vector<1024x128xf32> -> vector<1024x128xf32>
    %get3A_12 = arith.constant 0 : index
    %get3A_13 = arith.constant 0 : index
    %get3A_14 = vector.load %arg5[%get3A_12, %get3A_13] : memref<128x128xf32, #tpu.memory_space<vmem>>, vector<128x128xf32>
    %dot_general3A_15 = arith.constant dense<0.000000e+00> : vector<1024x128xf32>
    %dot_general3A_16 = tpu.matmul %add3A, %get3A_14, %dot_general3A_15 {dimension_numbers = #tpu.dot_dimension_numbers<[1], [0], [0], [1], [0, 0, 1, 1], [], []>, transpose_lhs_hint = false} : vector<1024x128xf32>, vector<128x128xf32>, vector<1024x128xf32> -> vector<1024x128xf32>
    %add3A_17 = arith.addf %dot_general3A_11, %dot_general3A_16 : vector<1024x128xf32>
    %get3A_18 = arith.constant 0 : index
    %get3A_19 = arith.constant 0 : index
    %get3A_20 = vector.load %arg6[%get3A_18, %get3A_19] : memref<1x128xf32, #tpu.memory_space<vmem>>, vector<1x128xf32>
    %add3A_21 = vector.broadcast %get3A_20 : vector<1x128xf32> to vector<1024x128xf32>
    %add3A_22 = arith.addf %add3A_17, %add3A_21 : vector<1024x128xf32>
    %tanh3A = math.tanh %add3A_22 : vector<1024x128xf32>
    %swap3A = arith.constant 0 : index
    %swap3A_23 = arith.constant 0 : index
    %swap3A_24 = vector.load %arg7[%swap3A, %swap3A_23] : memref<1024x128xf32, #tpu.memory_space<vmem>>, vector<1024x128xf32>
    tpu.vector_store %arg7[%swap3A, %swap3A_23], %tanh3A {strides = array<i32>} : memref<1024x128xf32, #tpu.memory_space<vmem>>, vector<1024x128xf32>,
    return
  }
  func.func @transform_0(%arg0: i32) -> (i32, i32) {
    %c0_i32 = arith.constant 0 : i32
    %c0_i32_0 = arith.constant 0 : i32
    return %arg0, %c0_i32 : i32, i32
  }
  func.func @transform_1(%arg0: i32) -> (i32, i32) {
    %c0_i32 = arith.constant 0 : i32
    %c0_i32_0 = arith.constant 0 : i32
    return %arg0, %c0_i32 : i32, i32
  }
  func.func @transform_2(%arg0: i32) -> (i32, i32) {
    %c0_i32 = arith.constant 0 : i32
    %c0_i32_0 = arith.constant 0 : i32
    return %arg0, %c0_i32 : i32, i32
  }
  func.func @transform_3(%arg0: i32) -> (i32, i32) {
    %c0_i32 = arith.constant 0 : i32
    %c0_i32_0 = arith.constant 0 : i32
    %c0_i32_1 = arith.constant 0 : i32
    return %c0_i32, %c0_i32_0 : i32, i32
  }
  func.func @transform_4(%arg0: i32) -> (i32, i32) {
    %c0_i32 = arith.constant 0 : i32
    %c0_i32_0 = arith.constant 0 : i32
    %c0_i32_1 = arith.constant 0 : i32
    return %c0_i32, %c0_i32_0 : i32, i32
  }
  func.func @transform_5(%arg0: i32) -> (i32, i32) {
    %c0_i32 = arith.constant 0 : i32
    %c0_i32_0 = arith.constant 0 : i32
    %c0_i32_1 = arith.constant 0 : i32
    return %c0_i32, %c0_i32_0 : i32, i32
  }
  func.func @transform_6(%arg0: i32) -> (i32, i32) {
    %c0_i32 = arith.constant 0 : i32
    %c0_i32_0 = arith.constant 0 : i32
    return %arg0, %c0_i32 : i32, i32
  }
}

module attributes {stable_mosaic.version = 14 : i64} {
  func.func @_layer2_body(%arg0: memref<4096x128xf32, #tpu.memory_space<vmem>>, %arg1: memref<4096x128xf32, #tpu.memory_space<vmem>>, %arg2: memref<4096x128xf32, #tpu.memory_space<vmem>>, %arg3: memref<128x128xf32, #tpu.memory_space<vmem>>, %arg4: memref<128x128xf32, #tpu.memory_space<vmem>>, %arg5: memref<1x128xf32, #tpu.memory_space<vmem>>, %arg6: memref<4096x128xf32, #tpu.memory_space<vmem>>) attributes {dimension_semantics = [], scalar_prefetch = 0 : i64, scratch_operands = 0 : i64, tpu.core_type = #tpu.core_type<tc>} {
    %get3A = arith.constant 0 : index
    %get3A_0 = arith.constant 0 : index
    %get3A_1 = vector.load %arg1[%get3A, %get3A_0] : memref<4096x128xf32, #tpu.memory_space<vmem>>, vector<4096x128xf32>
    %get3A_2 = arith.constant 0 : index
    %get3A_3 = arith.constant 0 : index
    %get3A_4 = vector.load %arg2[%get3A_2, %get3A_3] : memref<4096x128xf32, #tpu.memory_space<vmem>>, vector<4096x128xf32>
    %add3A = arith.addf %get3A_1, %get3A_4 : vector<4096x128xf32>
    %get3A_5 = arith.constant 0 : index
    %get3A_6 = arith.constant 0 : index
    %get3A_7 = vector.load %arg0[%get3A_5, %get3A_6] : memref<4096x128xf32, #tpu.memory_space<vmem>>, vector<4096x128xf32>
    %get3A_8 = arith.constant 0 : index
    %get3A_9 = arith.constant 0 : index
    %get3A_10 = vector.load %arg3[%get3A_8, %get3A_9] : memref<128x128xf32, #tpu.memory_space<vmem>>, vector<128x128xf32>
    %dot_general3A = arith.constant dense<0.000000e+00> : vector<4096x128xf32>
    %dot_general3A_11 = tpu.matmul %get3A_7, %get3A_10, %dot_general3A {dimension_numbers = #tpu.dot_dimension_numbers<[1], [0], [0], [1], [0, 0, 1, 1], [], []>, transpose_lhs_hint = false} : vector<4096x128xf32>, vector<128x128xf32>, vector<4096x128xf32> -> vector<4096x128xf32>
    %get3A_12 = arith.constant 0 : index
    %get3A_13 = arith.constant 0 : index
    %get3A_14 = vector.load %arg4[%get3A_12, %get3A_13] : memref<128x128xf32, #tpu.memory_space<vmem>>, vector<128x128xf32>
    %dot_general3A_15 = arith.constant dense<0.000000e+00> : vector<4096x128xf32>
    %dot_general3A_16 = tpu.matmul %add3A, %get3A_14, %dot_general3A_15 {dimension_numbers = #tpu.dot_dimension_numbers<[1], [0], [0], [1], [0, 0, 1, 1], [], []>, transpose_lhs_hint = false} : vector<4096x128xf32>, vector<128x128xf32>, vector<4096x128xf32> -> vector<4096x128xf32>
    %add3A_17 = arith.addf %dot_general3A_11, %dot_general3A_16 : vector<4096x128xf32>
    %get3A_18 = arith.constant 0 : index
    %get3A_19 = arith.constant 0 : index
    %get3A_20 = vector.load %arg5[%get3A_18, %get3A_19] : memref<1x128xf32, #tpu.memory_space<vmem>>, vector<1x128xf32>
    %add3A_21 = vector.broadcast %get3A_20 : vector<1x128xf32> to vector<4096x128xf32>
    %add3A_22 = arith.addf %add3A_17, %add3A_21 : vector<4096x128xf32>
    %mul3A = arith.mulf %add3A_22, %add3A_22 : vector<4096x128xf32>
    %reduce_sum3A = arith.constant dense<0.000000e+00> : vector<4096xf32>
    %reduce_sum3A_23 = vector.multi_reduction <add>, %mul3A, %reduce_sum3A [1] : vector<4096x128xf32> to vector<4096xf32>
    %broadcast_in_dim3A = vector.shape_cast %reduce_sum3A_23 : vector<4096xf32> to vector<4096x1xf32>
    %sqrt3A = math.sqrt %broadcast_in_dim3A : vector<4096x1xf32>
    %max3A = arith.constant 9.99999996E-13 : f32
    %max3A_24 = vector.broadcast %max3A : f32 to vector<4096x1xf32>
    %max3A_25 = arith.maximumf %sqrt3A, %max3A_24 : vector<4096x1xf32>
    %div3A = vector.broadcast %max3A_25 : vector<4096x1xf32> to vector<4096x128xf32>
    %div3A_26 = arith.divf %add3A_22, %div3A : vector<4096x128xf32>
    %swap3A = arith.constant 0 : index
    %swap3A_27 = arith.constant 0 : index
    %swap3A_28 = vector.load %arg6[%swap3A, %swap3A_27] : memref<4096x128xf32, #tpu.memory_space<vmem>>, vector<4096x128xf32>
    tpu.vector_store %arg6[%swap3A, %swap3A_27], %div3A_26 {strides = array<i32>} : memref<4096x128xf32, #tpu.memory_space<vmem>>, vector<4096x128xf32>,
    return
  }
}

</mosaic_0001>

<sc_bundles>
// kernel: kernel.6.cloned.1.call-start
scs
__scs_entry_jumppad:
0x0: {  	(pc) =	sbr.rel $0x88, $3  }
0x1: {  	(tag) =	ssettag $0x0;
	lr =	simm.s32 $0x1  }
0x2: {  	[smem:$0x3F98] =	sst lr;
	_ =	strace $0xD0000000  }
0x3: {  	_ = 	snop  }
0x4: {  	_ = 	snop  }
0x5: {  	_ = 	snop  }
0x6: {  	_ = 	snop  }
0x7: {  	_ = 	snop  }
__scs_overlays_trampoline_lowered:
0x8: {  	[smem:$0x3FA7] =	sst s0  }
0x9: {  	[smem:$0x3FA8] =	sst s1  }
0xa: {  	[smem:$0x3FA9] =	sst s2  }
0xb: {  	[smem:$0x3FAA] =	sst s3  }
0xc: {  	[smem:$0x3FAB] =	sst s4  }
0xd: {  	[smem:$0x3FAC] =	sst s5  }
0xe: {  	[smem:$0x3FAD] =	sst s6  }
0xf: {  	[smem:$0x3FAE] =	sst s7  }
0x10: {  	[smem:$0x3FAF] =	sst s8  }
0x11: {  	[smem:$0x3FB0] =	sst s9;
	s0 =	simm.s32 @!p0 $0x0  }
0x12: {  	s1 =	sld [smem:$0x3F96];
	s0 =	simm.s32 @p0 $0x1  }
0x13: {  	[smem:$0x3FB1] =	sst s0;
	s0 =	simm.s32 @!p1 $0x0  }
0x14: {  	s2 =	sld [smem:$0x3F95];
	s0 =	simm.s32 @p1 $0x1  }
0x15: {  	[smem:$0x3FB2] =	sst s0;
	s0 =	simm.s32 @!p2 $0x0  }
0x16: {  	s3 =	sld [smem:$0x3FDB];
	s0 =	simm.s32 @p2 $0x1  }
0x17: {  	s4 =	simm.s32 $0x1BF5;
	[smem:$0x3FB4] =	sst s0  }
0x18: {  	s0 =	sld [smem:$0x3F97];
	_ =	swait.ge [sflag:s4], $0x0  }
0x19: {  	s7 =	sld [smem:$0x3F98]  }
0x1a: {  	s8 =	sadd.s32 $0xFFFFE003, lr  }
0x1b: {  	s9 =	sadd.s32 $0xFFFFFEF7, lr;
	s5 =	simm.s32 $0xFFFFFFFF;
	p2 =	slt.u32 s8, $0xFFFFF086  }
0x1c: {  	p1 =	slt.u32 s9, $0xF7A;
	s5 =	simm.s32 @!p2 $0x0  }
0x1d: {  	s5 =	simm.s32 @p1 $0x1;
	p0 =	seq.s32 s7, s2  }
0x1e: {  	s7 =	smul.u32 @!p0 $0xF7A, s2;
	p2 =	seq.s32 @!p0 s5, $0x0  }
0x1f: {  	s9 =	smul.u32 $0xF7A, s1;
	s8 =	simm.s32 @!p0 $0x1BF5;
	p2 =	por !p2, p0  }
0x20: {  	[sflag:s8] =	ssyncset.s32 @!p0 $0xFFFFF086;
	s6 =	sadd.s32 @!p0 s3, s7;
	s7 =	simm.s32 @!p0 $0x108  }
0x21: {  	s3 =	sadd.s32 s3, s9;
	s6 =	sadd.s32 @!p0 $0x88, s6;
	s7 =	simm.s32 @p2 $0x1082  }
0x22: {  	[simem:s7], [sflag:s8] =	dma.local @!p0 [hbm:s6], $0xF7A  }
0x23: {  	s9 =	sor.u32 $0xD0000000, s2;
	s6 =	simm.s32 $0x108;
	_ =	swait.ge @!p0 [sflag:s8], $0x0  }
0x24: {  	s3 =	sadd.s32 $0x88, s3;
	s6 =	simm.s32 @!p1 $0x1082;
	[sflag:s4] =	ssyncset.s32 $0xFFFFF086  }
0x25: {  	[simem:s6], [sflag:s4] =	dma.local [hbm:s3], $0xF7A  }
0x26: {  	[smem:$0x3F98] =	sst s1;
	(tag) =	ssettag s2;
	_ =	strace s9  }
0x27: {  	s1 =	sld [smem:$0x3FA8]  }
0x28: {  	s2 =	sld [smem:$0x3FA9]  }
0x29: {  	s4 =	sld [smem:$0x3FAB]  }
0x2a: {  	p0 =	seq.s32 s5, $0x0;
	s5 =	sld [smem:$0x3FAC]  }
0x2b: {  	s6 =	sld [smem:$0x3FAD]  }
0x2c: {  	s7 =	sld [smem:$0x3FAE]  }
0x2d: {  	s3 =	simm.s32 $0x108;
	s8 =	sld [smem:$0x3FAF]  }
0x2e: {  	s3 =	simm.s32 @!p0 $0x1082;
	s9 =	sld [smem:$0x3FB0]  }
0x2f: {  	lr =	sadd.s32 s0, s3;
	s0 =	sld [smem:$0x3FA7]  }
0x30: {  	s3 =	sld [smem:$0x3FAA]  }
0x31: {  	[smem:$0x3FB3] =	sst s10  }
0x32: {  	s10 =	sld [smem:$0x3FB1];
	_ =	sdelay $0x3  }
0x33: {  	p0 =	seq.s32 s10, $0x1;
	s10 =	sld [smem:$0x3FB3];
	_ =	sdelay $0x3  }
0x34: {  	[smem:$0x3FB3] =	sst s10  }
0x35: {  	s10 =	sld [smem:$0x3FB2];
	_ =	sdelay $0x3  }
0x36: {  	p1 =	seq.s32 s10, $0x1;
	s10 =	sld [smem:$0x3FB3];
	_ =	sdelay $0x3  }
0x37: {  	[smem:$0x3FB3] =	sst s10  }
0x38: {  	s10 =	sld [smem:$0x3FB4]  }
0x39: {  	_ = 	snop;
	(pc) =	sbr.ind lr, $3  }
0x3a: {  	_ = 	snop  }
0x3b: {  	_ = 	snop  }
0x3c: {  	p2 =	seq.s32 s10, $0x1;
	s10 =	sld [smem:$0x3FB3]  }
0x3d: {  	_ =	shalt  }
0x3e: {  	_ =	shalt  }
0x3f: {  	_ =	shalt  }
0x40: {  	_ =	shalt  }
0x41: {  	_ =	shalt  }
0x42: {  	_ =	shalt  }
0x43: {  	_ =	shalt  }
0x44: {  	_ =	shalt  }
0x45: {  	_ =	shalt  }
0x46: {  	_ =	shalt  }
0x47: {  	_ =	shalt  }
0x48: {  	_ =	shalt  }
0x49: {  	_ =	shalt  }
0x4a: {  	_ =	shalt  }
0x4b: {  	_ =	shalt  }
0x4c: {  	_ =	shalt  }
0x4d: {  	_ =	shalt  }
0x4e: {  	_ =	shalt  }
0x4f: {  	_ =	shalt  }
0x50: {  	_ =	shalt  }
0x51: {  	_ =	shalt  }
0x52: {  	_ =	shalt  }
0x53: {  	_ =	shalt  }
0x54: {  	_ =	shalt  }
0x55: {  	_ =	shalt  }
0x56: {  	_ =	shalt  }
0x57: {  	_ =	shalt  }
0x58: {  	_ =	shalt  }
0x59: {  	_ =	shalt  }
0x5a: {  	_ =	shalt  }
0x5b: {  	_ =	shalt  }
0x5c: {  	_ =	shalt  }
0x5d: {  	_ =	shalt  }
0x5e: {  	_ =	shalt  }
0x5f: {  	_ =	shalt  }
0x60: {  	_ =	shalt  }
0x61: {  	_ =	shalt  }
0x62: {  	_ =	shalt  }
0x63: {  	_ =	shalt  }
0x64: {  	_ =	shalt  }
0x65: {  	_ =	shalt  }
0x66: {  	_ =	shalt  }
0x67: {  	_ =	shalt  }
0x68: {  	_ =	shalt  }
0x69: {  	_ =	shalt  }
0x6a: {  	_ =	shalt  }
0x6b: {  	_ =	shalt  }
0x6c: {  	_ =	shalt  }
0x6d: {  	_ =	shalt  }
0x6e: {  	_ =	shalt  }
0x6f: {  	_ =	shalt  }
0x70: {  	_ =	shalt  }
0x71: {  	_ =	shalt  }
0x72: {  	_ =	shalt  }
0x73: {  	_ =	shalt  }
0x74: {  	_ =	shalt  }
0x75: {  	_ =	shalt  }
0x76: {  	_ =	shalt  }
0x77: {  	_ =	shalt  }
0x78: {  	_ =	shalt  }
0x79: {  	_ =	shalt  }
0x7a: {  	_ =	shalt  }
0x7b: {  	_ =	shalt  }
0x7c: {  	_ =	shalt  }
0x7d: {  	_ =	shalt  }
0x7e: {  	_ =	shalt  }
0x7f: {  	_ =	shalt  }
0x80: {  	_ =	shalt  }
0x81: {  	_ =	shalt  }
0x82: {  	_ =	shalt  }
0x83: {  	_ =	shalt  }
0x84: {  	_ =	shalt  }
0x85: {  	_ =	shalt  }
0x86: {  	_ =	shalt  }
0x87: {  	_ =	shalt  }
.Lfunc_end0:
.L_simem_size_0:
called_computation_lowered:
.L_overlay_start_0:
0x88: {  	s2 =	sld [smem:$0x3FD9]  }
0x89: {  	s3 =	sld [smem:$0x3FFE];
	_ =	sdelay $0x1  }
0x8a: {  	s1 =	srdreg.scid  }
0x8b: {  	s0 =	sand.u32 $0x1, s1  }
0x8c: {  	s14 =	sshll.u32 s0, $0xA;
	s2 =	sadd.s32 s3, s2  }
0x8d: {  	s2 =	sadd.s32 s2, s14  }
0x8e: {  	[smem:$0x3FBF] =	sst s2  }
0x8f: {  	_ = 	snop  }
0x90: {  	s2 =	sld [smem:$0x3FD0];
	_ =	sdelay $0x2  }
0x91: {  	s15 =	simm.s32 $0xA;
	s4 =	simm.s32 $0x10  }
0x92: {  	[smem:s4], [sflag:s15] =	dma.local [hbm:s2], $0x1  }
0x93: {  	_ =	swait.eq [sflag:s15], $0x1  }
0x94: {  	[sflag:s15] =	ssyncset.done $0x0  }
0x95: {  	[sflag:s15] =	ssyncadd.s32 $0xFFFFFFFF  }
0x96: {  	s16 =	sld [smem:$0x10];
	(tm) =	ssettm $0x1  }
0x97: {  	s17 =	sld [smem:$0x3FFB];
	_ =	sdelay $0x3  }
0x98: {  	_ =	strace s17  }
0x99: {  	s3 =	sld [smem:$0x3FFC];
	_ =	sdelay $0x3  }
0x9a: {  	_ =	strace s3  }
0x9b: {  	s3 =	sld [smem:$0x3FFD];
	_ =	sdelay $0x3  }
0x9c: {  	_ =	strace s3  }
0x9d: {  	_ =	strace $0x8FFFFFFF  }
0x9e: {  	s18 =	sld [smem:$0x3FDB];
	_ =	sdelay $0x1  }
0x9f: {  	s19 =	simm.s32 $_scs_section_size  }
0xa0: {  	s5 =	simm.s32 $_size__tile_overlayer_lowered;
	s6 =	simm.s32 $_tile_overlayer_lowered  }
0xa1: {  	s22 =	simm.s32 $0x1BFF;
	s21 =	sshll.u32 s6, $0x1;
	s3 =	sadd.s32 s19, s18  }
0xa2: {  	s7 =	simm.s32 $0x0;
	s20 =	sshll.u32 s5, $0x1;
	s5 =	sadd.s32 s21, s3  }
0xa3: {  	[timem:s7], [sflag:s22] =	dma.local [hbm:s5], s20  }
0xa4: {  	_ =	swait.ge [sflag:s22], s20  }
0xa5: {  	s4 =	ssub.s32 $0x0, s20;
	[sflag:s22] =	ssyncset.done $0x0  }
0xa6: {  	[sflag:s22] =	ssyncadd.s32 s4;
	_ =	sdelay $0x1  }
0xa7: {  	s23 =	simm.s32 $0x1B8B  }
0xa8: {  	_ =	swait.ge [sflag:s23], $0x1  }
0xa9: {  	[sflag:s23] =	ssyncset.done $0x0  }
0xaa: {  	s25 =	simm.s32 $0x1B8E;
	s24 =	sld [smem:$0x3FFE];
	[sflag:s23] =	ssyncadd.s32 $0xFFFFFFFF  }
0xab: {  	s26 =	simm.s32 $execute0_lowered;
	[smem:$0x3FD2] =	sst s25  }
0xac: {  	s5 =	sshll.u32 s26, $0x1;
	_ =	strace $0x80000046;
	[dreg:$0x1] =	wrdreg $0xFFFFFFFF  }
0xad: {  	s28 =	simm.s32 $_size_execute0_lowered;
	s3 =	sadd.s32 s3, s5;
	[dreg:$0x0] =	wrdreg $0x0  }
0xae: {  	s5 =	sshll.u32 s28, $0x1;
	[dreg:$0x2] =	wrdreg s3  }
0xaf: {  	[dreg:$0x3] =	wrdreg s5  }
0xb0: {  	[dreg:$0x4] =	wrdreg $0xC0  }
0xb1: {  	_ =	task [dreg:s7], $0x5FFFF  }
0xb2: {  	[dreg:$0x1] =	wrdreg $0xFFFFFFFF  }
0xb3: {  	[dreg:$0x0] =	wrdreg $0x60  }
0xb4: {  	[dreg:$0x2] =	wrdreg s24  }
0xb5: {  	[dreg:$0x3] =	wrdreg s16  }
0xb6: {  	[dreg:$0x4] =	wrdreg $0x89000  }
0xb7: {  	[dreg:$0x5] =	wrdreg $0x9  }
0xb8: {  	_ =	task.clear_ibuf [dreg:s7], $0x6FFFF;
	_ =	strace $0x90000046  }
0xb9: {  	s29 =	simm.s32 $0x9;
	_ =	strace $0x80000048  }
0xba: {  	_ =	swait.ge [sflag:s29], $0x1  }
0xbb: {  	[sflag:s29] =	ssyncadd.s32 $0xFFFFFFFF  }
0xbc: {  	_ =	strace $0x90000048  }
0xbd: {  	_ =	sfence  }
0xbe: {  	s30 =	sld [smem:$0x0];
	_ =	sdelay $0x2  }
0xbf: {  	s31 =	sshll.u32 s1, $0xD;
	s1 =	sshrl.u32 s1, $0x2  }
0xc0: {  	s3 =	sand.u32 $0x4000, s31;
	s1 =	sadd.s32 s1, s30  }
0xc1: {  	s0 =	sor.u32 s3, s0;
	s1 =	sshll.u32 s1, $0x11  }
0xc2: {  	s0 =	sor.u32 s1, s0  }
0xc3: {  	s0 =	sadd.s32 $0x8F2B, s0  }
0xc4: {  	[sflag:s0] =	ssyncadd.remote.s32 $0x1  }
0xc5: {  	_ =	sfence.sel $0xFFFF  }
0xc6: {  	[dreg:$0x0] =	wrdreg $0xFFFFFFFF;
	(pc) =	sbr.abs _section_cstart, $3  }
0xc7: {  	[dreg:$0x1] =	wrdreg $0xFFFFFFFF  }
0xc8: {  	_ =	task.clear_ibuf [dreg:s7], $0x2FFFF;
	_ =	strace $0x9FFFFFFF  }
0xc9: {  	(tm) =	ssettm $0x7FFFFFFF  }
tec
execute0_lowered:
.L_overlay_start_1:
0x0: {  	(tag) =	ssettag $0x1  }
0x1: {  	s0 =	rddreg [dreg:$0x0]  }
0x2: {  	s1 =	rddreg [dreg:$0x1]  }
0x3: {  	s2 =	rddreg [dreg:$0x2]  }
0x4: {  	s13 =	stileid.u32;
	s3 =	srdreg.scid  }
0x5: {  	s28 =	simm.s32 $0x180;
	s29 =	simm.s32 $0x500;
	s30 =	simm.s32 $0x580  }
0x6: {  	s31 =	simm.s32 $0x200;
	s4 =	smul.u32 $0x50, s13;
	s6 =	sand.u32 $0x1, s3  }
0x7: {  	s3 =	simm.s32 $0x0;
	s17 =	smul.u32 $0x50000, s13;
	s8 =	sadd.s32 $0x3EE00, s0  }
0x8: {  	s9 =	sadd.s32 $0x66E00, s0;
	s19 =	sshll.u32 s13, $0x5;
	s23 =	sshll.u32 s13, $0xC  }
0x9: {  	s24 =	smul.u32 $0x2800, s13;
	p0 =	seq.s32 s6, $0x0;
	[smem:$0x7FF] =	sst s3  }
0xa: {  	s10 =	ssub.s32 $0x2, s6;
	s11 =	sshll.u32 s6, $0xB;
	s1 =	sadd.s32 s1, s19  }
0xb: {  	s22 =	sshll.u32 s6, $0x7;
	s19 =	simm.s32 $0x600;
	s6 =	simm.s32 $0x300  }
0xc: {  	s5 =	sadd.s32 $0x500, s4;
	_ =	strace $0x80000047;
	s12 =	sshrl.u32 s10, $0x1  }
0xd: {  	[dreg:$0x9] =	wrdreg s1;
	s1 =	sor.u32 $0x8800, s22;
	s9 =	smov.u32 @p0 s8  }
0xe: {  	s22 =	simm.s32 $0x4800;
	s8 =	simm.s32 $0x700;
	s5 =	smov.u32 @p0 s4  }
0xf: {  	s4 =	sadd.s32 $0x2E00, s0;
	s10 =	ssub.s32 s10, s12;
	[dreg:$0xa] =	wrdreg s1  }
0x10: {  	s26 =	sadd.s32 s9, s24;
	s24 =	simm.s32 $0x2;
	s1 =	simm.s32 $0x280  }
0x11: {  	s9 =	simm.s32 $0x780;
	s5 =	sshll.u32 s5, $0x4;
	s25 =	smax.u32 s10, $0x1  }
0x12: {  	[dreg:$0xd] =	wrdreg s26;
	s26 =	simm.s32 $0x100;
	s10 =	simm.s32 $0x0  }
0x13: {  	s7 =	sadd.s32 s5, s0;
	s5 =	sshrl.u32 s17, $0x2;
	s0 =	sadd.s32 s11, s0  }
0x14: {  	[dreg:$0xc] =	wrdreg s25;
	s17 =	simm.s32 $0x800;
	s14 =	sadd.s32 s5, s2  }
0x15: {  	s25 =	simm.s32 $0x480;
	s5 =	sadd.s32 $0x4000, s14;
	[dreg:$0x4] =	wrdreg s14  }
0x16: {  	s0 =	sadd.s32 s23, s0;
	s18 =	sadd.s32 $0x8000, s14;
	[dreg:$0x5] =	wrdreg s5  }
0x17: {  	s15 =	sadd.s32 $0x34E00, s7;
	s20 =	sadd.s32 $0xC000, s14;
	[dreg:$0x6] =	wrdreg s18  }
0x18: {  	s16 =	sadd.s32 $0x2AE00, s7;
	s21 =	sadd.s32 $0x10000, s14;
	[dreg:$0x7] =	wrdreg s20  }
0x19: {  	s23 =	simm.s32 $0x1;
	s0 =	sadd.s32 $0x8EE00, s0;
	[dreg:$0x8] =	wrdreg s21  }
0x1a: {  	s7 =	simm.s32 $0x380;
	[dreg:$0xb] =	wrdreg s0;
	s18 =	simm.s32 $0x3  }
0x1b: {  	v0 =	vimm.f32 $0.0e+00;
	s20 =	simm.s32 $0x400;
	s21 =	simm.s32 $0x80;
	s0 =	simm.s32 $0x680  }
.LBB2_1:
0x1c: {  	s11 =	simm.s32 $0x0;
	s12 =	simm.s32 $0x200  }
.LBB2_2:
0x1d: {  	p0 =	sne.s32 s12, $0xFE00;
	[tilespmem:s11+$0x870] =	vst v0  }
0x1e: {  	[tilespmem:s11+$0x800] =	vst v0  }
0x1f: {  	[tilespmem:s11+$0x810] =	vst v0  }
.Ltmp0:
0x20: {  	[tilespmem:s11+$0x820] =	vst v0;
	(pc) =	sbr.rel @p0 .LBB2_2-.Ltmp0, $4  }
0x21: {  	[tilespmem:s11+$0x830] =	vst v0  }
0x22: {  	[tilespmem:s11+$0x840] =	vst v0  }
0x23: {  	[tilespmem:s11+$0x850] =	vst v0  }
0x24: {  	[tilespmem:s11+$0x860] =	vst v0;
	s11 =	sshra.s32 s12, $0x2;
	s12 =	sadd.s32 $0x200, s12  }
0x25: {  	[tilespmem:s11+$0x870] =	vst v0  }
0x26: {  	[tilespmem:s11+$0x800] =	vst v0  }
0x27: {  	[tilespmem:s11+$0x810] =	vst v0  }
0x28: {  	[tilespmem:s11+$0x820] =	vst v0  }
0x29: {  	[tilespmem:s11+$0x830] =	vst v0  }
0x2a: {  	[tilespmem:s11+$0x840] =	vst v0  }
0x2b: {  	[tilespmem:s11+$0x850] =	vst v0  }
0x2c: {  	[tilespmem:s11+$0x860] =	vst v0  }
0x2d: {  	[spmem:s14] =	stream.linear.scatter [tilespmem:s17], [sflag:$0x3], $0x4000, $0x38;
	[tilespmem:$0x1C900] =	vst v63  }
0x2e: {  	_ =	swait.ge [sflag:s18], $0x4000  }
0x2f: {  	[sflag:s18] =	ssyncset.done $0x0  }
0x30: {  	s5 =	rddreg [dreg:$0x5];
	[sflag:s18] =	ssyncadd.s32 $0xFFFFC000  }
0x31: {  	[spmem:s5] =	stream.linear.scatter [tilespmem:s17], [sflag:$0x3], $0x4000, $0x38;
	[tilespmem:$0x1C900] =	vst v63  }
0x32: {  	_ =	swait.ge [sflag:s18], $0x4000  }
0x33: {  	[sflag:s18] =	ssyncset.done $0x0  }
0x34: {  	s14 =	rddreg [dreg:$0x6];
	[sflag:s18] =	ssyncadd.s32 $0xFFFFC000  }
0x35: {  	[spmem:s14] =	stream.linear.scatter [tilespmem:s17], [sflag:$0x3], $0x4000, $0x38;
	[tilespmem:$0x1C900] =	vst v63  }
0x36: {  	_ =	swait.ge [sflag:s18], $0x4000  }
0x37: {  	[sflag:s18] =	ssyncset.done $0x0  }
0x38: {  	s11 =	rddreg [dreg:$0x7];
	[sflag:s18] =	ssyncadd.s32 $0xFFFFC000  }
0x39: {  	[spmem:s11] =	stream.linear.scatter [tilespmem:s17], [sflag:$0x3], $0x4000, $0x38;
	[tilespmem:$0x1C900] =	vst v63  }
0x3a: {  	_ =	swait.ge [sflag:s18], $0x4000  }
0x3b: {  	[sflag:s18] =	ssyncset.done $0x0  }
0x3c: {  	s12 =	rddreg [dreg:$0x8];
	[sflag:s18] =	ssyncadd.s32 $0xFFFFC000  }
0x3d: {  	[spmem:s12] =	stream.linear.scatter [tilespmem:s17], [sflag:$0x3], $0x4000, $0x38;
	[tilespmem:$0x1C900] =	vst v63  }
0x3e: {  	_ =	swait.ge [sflag:s18], $0x4000  }
0x3f: {  	s13 =	simm.s32 $0x0;
	[sflag:s18] =	ssyncset.done $0x0  }
0x40: {  	s12 =	simm.s32 $0x8800;
	s14 =	rddreg [dreg:$0x9];
	[sflag:s18] =	ssyncadd.s32 $0xFFFFC000  }
0x41: {  	[tilespmem:s12], [sflag:$0x3] =	stream.linear.gather [hbm4b:s14+s13], $0x100, $0x38;
	[tilespmem:$0x1C900] =	vst v63  }
0x42: {  	_ =	swait.ge [sflag:s18], $0x100  }
0x43: {  	[sflag:s18] =	ssyncset.done $0x0  }
0x44: {  	[sflag:s18] =	ssyncadd.s32 $0xFFFFFF00  }
0x45: {  	s13 =	sadd.s32 $0x0, s16;
	[bflag:$0x0] =	sbarrier.arrive $0xFFFF  }
0x46: {  	[tilespmem:s3], [sflag:$0x3] =	stream.linear.gather [hbm4b:s13+s3], $0x400, $0x38;
	[tilespmem:$0x1C900] =	vst v63  }
0x47: {  	_ =	swait.ge [sflag:s18], $0x400  }
0x48: {  	[sflag:s18] =	ssyncset.done $0x0  }
0x49: {  	s14 =	sadd.s32 $0x0, s15;
	[sflag:s18] =	ssyncadd.s32 $0xFFFFFC00  }
0x4a: {  	[tilespmem:s20], [sflag:$0x3] =	stream.linear.gather [hbm4b:s14+s3], $0x400, $0x38;
	[tilespmem:$0x1C900] =	vst v63  }
0x4b: {  	_ =	swait.ge [sflag:s18], $0x400  }
0x4c: {  	[sflag:s18] =	ssyncset.done $0x0  }
0x4d: {  	[sflag:s18] =	ssyncadd.s32 $0xFFFFFC00  }
0x4e: {  	[tilespmem:s17], [sflag:$0x1] =	stream.indirect.gather [hbm4b:s4+s21], $0x80, s3, s21, $0xb8;
	[tilespmem:$0x1C900] =	vst v63  }
0x4f: {  	_ = 	snop  }
0x50: {  	[tilespmem:s22], [sflag:$0x2] =	stream.indirect.gather [hbm4b:s4+s21], $0x80, s21, s21, $0xb8;
	[tilespmem:$0x1C900] =	vst v63  }
0x51: {  	_ =	swait.ge [sflag:s23], $0x4000  }
0x52: {  	[sflag:s23] =	ssyncset.done $0x0  }
0x53: {  	[sflag:s23] =	ssyncadd.s32 $0xFFFFC000  }
0x54: {  	[spmem:s2] =	stream.indirect.scatter.add.f32 [tilespmem:s17], [sflag:$0x3], $0x80, s20, s21, $0xb8;
	[tilespmem:$0x1C900] =	vst v63  }
0x55: {  	_ =	swait.ge [sflag:s18], $0x4000  }
0x56: {  	[sflag:s18] =	ssyncset.done $0x0  }
0x57: {  	[sflag:s18] =	ssyncadd.s32 $0xFFFFC000  }
0x58: {  	_ =	swait.ge [sflag:s24], $0x4000  }
0x59: {  	[sflag:s24] =	ssyncset.done $0x0  }
0x5a: {  	[sflag:s24] =	ssyncadd.s32 $0xFFFFC000  }
0x5b: {  	[spmem:s2] =	stream.indirect.scatter.add.f32 [tilespmem:s22], [sflag:$0x3], $0x80, s25, s21, $0xb8;
	[tilespmem:$0x1C900] =	vst v63  }
0x5c: {  	_ =	swait.ge [sflag:s18], $0x4000  }
0x5d: {  	[sflag:s18] =	ssyncset.done $0x0  }
0x5e: {  	[sflag:s18] =	ssyncadd.s32 $0xFFFFC000  }
0x5f: {  	[tilespmem:s17], [sflag:$0x1] =	stream.indirect.gather [hbm4b:s4+s21], $0x80, s26, s21, $0xb8;
	[tilespmem:$0x1C900] =	vst v63  }
0x60: {  	_ = 	snop  }
0x61: {  	[tilespmem:s22], [sflag:$0x2] =	stream.indirect.gather [hbm4b:s4+s21], $0x80, s28, s21, $0xb8;
	[tilespmem:$0x1C900] =	vst v63  }
0x62: {  	_ =	swait.ge [sflag:s23], $0x4000  }
0x63: {  	[sflag:s23] =	ssyncset.done $0x0  }
0x64: {  	[sflag:s23] =	ssyncadd.s32 $0xFFFFC000  }
0x65: {  	[spmem:s2] =	stream.indirect.scatter.add.f32 [tilespmem:s17], [sflag:$0x3], $0x80, s29, s21, $0xb8;
	[tilespmem:$0x1C900] =	vst v63  }
0x66: {  	_ =	swait.ge [sflag:s18], $0x4000  }
0x67: {  	[sflag:s18] =	ssyncset.done $0x0  }
0x68: {  	[sflag:s18] =	ssyncadd.s32 $0xFFFFC000  }
0x69: {  	_ =	swait.ge [sflag:s24], $0x4000  }
0x6a: {  	[sflag:s24] =	ssyncset.done $0x0  }
0x6b: {  	[sflag:s24] =	ssyncadd.s32 $0xFFFFC000  }
0x6c: {  	[spmem:s2] =	stream.indirect.scatter.add.f32 [tilespmem:s22], [sflag:$0x3], $0x80, s30, s21, $0xb8;
	[tilespmem:$0x1C900] =	vst v63  }
0x6d: {  	_ =	swait.ge [sflag:s18], $0x4000  }
0x6e: {  	[sflag:s18] =	ssyncset.done $0x0  }
0x6f: {  	[sflag:s18] =	ssyncadd.s32 $0xFFFFC000  }
0x70: {  	[tilespmem:s17], [sflag:$0x1] =	stream.indirect.gather [hbm4b:s4+s21], $0x80, s31, s21, $0xb8;
	[tilespmem:$0x1C900] =	vst v63  }
0x71: {  	_ = 	snop  }
0x72: {  	[tilespmem:s22], [sflag:$0x2] =	stream.indirect.gather [hbm4b:s4+s21], $0x80, s1, s21, $0xb8;
	[tilespmem:$0x1C900] =	vst v63  }
0x73: {  	_ =	swait.ge [sflag:s23], $0x4000  }
0x74: {  	[sflag:s23] =	ssyncset.done $0x0  }
0x75: {  	[sflag:s23] =	ssyncadd.s32 $0xFFFFC000  }
0x76: {  	[spmem:s2] =	stream.indirect.scatter.add.f32 [tilespmem:s17], [sflag:$0x3], $0x80, s19, s21, $0xb8;
	[tilespmem:$0x1C900] =	vst v63  }
0x77: {  	_ =	swait.ge [sflag:s18], $0x4000  }
0x78: {  	[sflag:s18] =	ssyncset.done $0x0  }
0x79: {  	[sflag:s18] =	ssyncadd.s32 $0xFFFFC000  }
0x7a: {  	_ =	swait.ge [sflag:s24], $0x4000  }
0x7b: {  	[sflag:s24] =	ssyncset.done $0x0  }
0x7c: {  	[sflag:s24] =	ssyncadd.s32 $0xFFFFC000  }
0x7d: {  	[spmem:s2] =	stream.indirect.scatter.add.f32 [tilespmem:s22], [sflag:$0x3], $0x80, s0, s21, $0xb8;
	[tilespmem:$0x1C900] =	vst v63  }
0x7e: {  	_ =	swait.ge [sflag:s18], $0x4000  }
0x7f: {  	[sflag:s18] =	ssyncset.done $0x0  }
0x80: {  	[sflag:s18] =	ssyncadd.s32 $0xFFFFC000  }
0x81: {  	[tilespmem:s17], [sflag:$0x1] =	stream.indirect.gather [hbm4b:s4+s21], $0x80, s6, s21, $0xb8;
	[tilespmem:$0x1C900] =	vst v63  }
0x82: {  	_ = 	snop  }
0x83: {  	[tilespmem:s22], [sflag:$0x2] =	stream.indirect.gather [hbm4b:s4+s21], $0x80, s7, s21, $0xb8;
	[tilespmem:$0x1C900] =	vst v63  }
0x84: {  	_ =	swait.ge [sflag:s23], $0x4000  }
0x85: {  	[sflag:s23] =	ssyncset.done $0x0  }
0x86: {  	[sflag:s23] =	ssyncadd.s32 $0xFFFFC000  }
0x87: {  	[spmem:s2] =	stream.indirect.scatter.add.f32 [tilespmem:s17], [sflag:$0x3], $0x80, s8, s21, $0xb8;
	[tilespmem:$0x1C900] =	vst v63  }
0x88: {  	_ =	swait.ge [sflag:s18], $0x4000  }
0x89: {  	[sflag:s18] =	ssyncset.done $0x0  }
0x8a: {  	[sflag:s18] =	ssyncadd.s32 $0xFFFFC000  }
0x8b: {  	_ =	swait.ge [sflag:s24], $0x4000  }
0x8c: {  	[sflag:s24] =	ssyncset.done $0x0  }
0x8d: {  	[sflag:s24] =	ssyncadd.s32 $0xFFFFC000  }
0x8e: {  	[spmem:s2] =	stream.indirect.scatter.add.f32 [tilespmem:s22], [sflag:$0x3], $0x80, s9, s21, $0xb8;
	[tilespmem:$0x1C900] =	vst v63  }
0x8f: {  	_ =	swait.ge [sflag:s18], $0x4000  }
0x90: {  	s11 =	simm.s32 $0x80;
	s12 =	simm.s32 $0x100;
	[sflag:s18] =	ssyncset.done $0x0  }
.LBB2_4:
0x91: {  	s14 =	sadd.s32 s11, s16  }
0x92: {  	[sflag:s18] =	ssyncadd.s32 $0xFFFFC000;
	s5 =	smov.u32 s12;
	s13 =	sadd.s32 $0x80, s12  }
0x93: {  	[tilespmem:s3], [sflag:$0x3] =	stream.linear.gather [hbm4b:s14+s3], $0x400, $0x38;
	[tilespmem:$0x1C900] =	vst v63  }
0x94: {  	p0 =	sne.s32 s12, $0x480;
	_ =	swait.ge [sflag:s18], $0x400  }
0x95: {  	[sflag:s18] =	ssyncset.done $0x0  }
0x96: {  	s12 =	sadd.s32 s11, s15;
	s11 =	smov.u32 s5;
	[sflag:s18] =	ssyncadd.s32 $0xFFFFFC00  }
0x97: {  	[tilespmem:s20], [sflag:$0x3] =	stream.linear.gather [hbm4b:s12+s3], $0x400, $0x38;
	[tilespmem:$0x1C900] =	vst v63  }
0x98: {  	_ =	swait.ge [sflag:s18], $0x400  }
0x99: {  	[sflag:s18] =	ssyncset.done $0x0  }
0x9a: {  	[sflag:s18] =	ssyncadd.s32 $0xFFFFFC00  }
0x9b: {  	[tilespmem:s17], [sflag:$0x1] =	stream.indirect.gather [hbm4b:s4+s21], $0x80, s3, s21, $0xb8;
	[tilespmem:$0x1C900] =	vst v63  }
0x9c: {  	_ = 	snop  }
0x9d: {  	[tilespmem:s22], [sflag:$0x2] =	stream.indirect.gather [hbm4b:s4+s21], $0x80, s21, s21, $0xb8;
	[tilespmem:$0x1C900] =	vst v63  }
0x9e: {  	_ =	swait.ge [sflag:s23], $0x4000  }
0x9f: {  	[sflag:s23] =	ssyncset.done $0x0  }
0xa0: {  	[sflag:s23] =	ssyncadd.s32 $0xFFFFC000  }
0xa1: {  	[spmem:s2] =	stream.indirect.scatter.add.f32 [tilespmem:s17], [sflag:$0x3], $0x80, s20, s21, $0xb8;
	[tilespmem:$0x1C900] =	vst v63  }
0xa2: {  	_ =	swait.ge [sflag:s18], $0x4000  }
0xa3: {  	[sflag:s18] =	ssyncset.done $0x0  }
0xa4: {  	[sflag:s18] =	ssyncadd.s32 $0xFFFFC000  }
0xa5: {  	_ =	swait.ge [sflag:s24], $0x4000  }
0xa6: {  	[sflag:s24] =	ssyncset.done $0x0  }
0xa7: {  	[sflag:s24] =	ssyncadd.s32 $0xFFFFC000  }
0xa8: {  	[spmem:s2] =	stream.indirect.scatter.add.f32 [tilespmem:s22], [sflag:$0x3], $0x80, s25, s21, $0xb8;
	[tilespmem:$0x1C900] =	vst v63  }
0xa9: {  	_ =	swait.ge [sflag:s18], $0x4000  }
0xaa: {  	[sflag:s18] =	ssyncset.done $0x0  }
0xab: {  	[sflag:s18] =	ssyncadd.s32 $0xFFFFC000  }
0xac: {  	[tilespmem:s17], [sflag:$0x1] =	stream.indirect.gather [hbm4b:s4+s21], $0x80, s26, s21, $0xb8;
	[tilespmem:$0x1C900] =	vst v63  }
0xad: {  	_ = 	snop  }
0xae: {  	[tilespmem:s22], [sflag:$0x2] =	stream.indirect.gather [hbm4b:s4+s21], $0x80, s28, s21, $0xb8;
	[tilespmem:$0x1C900] =	vst v63  }
0xaf: {  	_ =	swait.ge [sflag:s23], $0x4000  }
0xb0: {  	[sflag:s23] =	ssyncset.done $0x0  }
0xb1: {  	[sflag:s23] =	ssyncadd.s32 $0xFFFFC000  }
0xb2: {  	[spmem:s2] =	stream.indirect.scatter.add.f32 [tilespmem:s17], [sflag:$0x3], $0x80, s29, s21, $0xb8;
	[tilespmem:$0x1C900] =	vst v63  }
0xb3: {  	_ =	swait.ge [sflag:s18], $0x4000  }
0xb4: {  	[sflag:s18] =	ssyncset.done $0x0  }
0xb5: {  	[sflag:s18] =	ssyncadd.s32 $0xFFFFC000  }
0xb6: {  	_ =	swait.ge [sflag:s24], $0x4000  }
0xb7: {  	[sflag:s24] =	ssyncset.done $0x0  }
0xb8: {  	[sflag:s24] =	ssyncadd.s32 $0xFFFFC000  }
0xb9: {  	[spmem:s2] =	stream.indirect.scatter.add.f32 [tilespmem:s22], [sflag:$0x3], $0x80, s30, s21, $0xb8;
	[tilespmem:$0x1C900] =	vst v63  }
0xba: {  	_ =	swait.ge [sflag:s18], $0x4000  }
0xbb: {  	[sflag:s18] =	ssyncset.done $0x0  }
0xbc: {  	[sflag:s18] =	ssyncadd.s32 $0xFFFFC000  }
0xbd: {  	[tilespmem:s17], [sflag:$0x1] =	stream.indirect.gather [hbm4b:s4+s21], $0x80, s31, s21, $0xb8;
	[tilespmem:$0x1C900] =	vst v63  }
0xbe: {  	_ = 	snop  }
0xbf: {  	[tilespmem:s22], [sflag:$0x2] =	stream.indirect.gather [hbm4b:s4+s21], $0x80, s1, s21, $0xb8;
	[tilespmem:$0x1C900] =	vst v63  }
0xc0: {  	_ =	swait.ge [sflag:s23], $0x4000  }
0xc1: {  	[sflag:s23] =	ssyncset.done $0x0  }
0xc2: {  	[sflag:s23] =	ssyncadd.s32 $0xFFFFC000  }
0xc3: {  	[spmem:s2] =	stream.indirect.scatter.add.f32 [tilespmem:s17], [sflag:$0x3], $0x80, s19, s21, $0xb8;
	[tilespmem:$0x1C900] =	vst v63  }
0xc4: {  	_ =	swait.ge [sflag:s18], $0x4000  }
0xc5: {  	[sflag:s18] =	ssyncset.done $0x0  }
0xc6: {  	[sflag:s18] =	ssyncadd.s32 $0xFFFFC000  }
0xc7: {  	_ =	swait.ge [sflag:s24], $0x4000  }
0xc8: {  	[sflag:s24] =	ssyncset.done $0x0  }
0xc9: {  	[sflag:s24] =	ssyncadd.s32 $0xFFFFC000  }
0xca: {  	[spmem:s2] =	stream.indirect.scatter.add.f32 [tilespmem:s22], [sflag:$0x3], $0x80, s0, s21, $0xb8;
	[tilespmem:$0x1C900] =	vst v63  }
0xcb: {  	_ =	swait.ge [sflag:s18], $0x4000  }
0xcc: {  	[sflag:s18] =	ssyncset.done $0x0  }
0xcd: {  	[sflag:s18] =	ssyncadd.s32 $0xFFFFC000  }
0xce: {  	[tilespmem:s17], [sflag:$0x1] =	stream.indirect.gather [hbm4b:s4+s21], $0x80, s6, s21, $0xb8;
	[tilespmem:$0x1C900] =	vst v63  }
0xcf: {  	_ = 	snop  }
0xd0: {  	[tilespmem:s22], [sflag:$0x2] =	stream.indirect.gather [hbm4b:s4+s21], $0x80, s7, s21, $0xb8;
	[tilespmem:$0x1C900] =	vst v63  }
0xd1: {  	_ =	swait.ge [sflag:s23], $0x4000  }
0xd2: {  	[sflag:s23] =	ssyncset.done $0x0  }
0xd3: {  	[sflag:s23] =	ssyncadd.s32 $0xFFFFC000  }
0xd4: {  	[spmem:s2] =	stream.indirect.scatter.add.f32 [tilespmem:s17], [sflag:$0x3], $0x80, s8, s21, $0xb8;
	[tilespmem:$0x1C900] =	vst v63  }
0xd5: {  	_ =	swait.ge [sflag:s18], $0x4000  }
0xd6: {  	[sflag:s18] =	ssyncset.done $0x0  }
0xd7: {  	[sflag:s18] =	ssyncadd.s32 $0xFFFFC000  }
0xd8: {  	_ =	swait.ge [sflag:s24], $0x4000  }
.Ltmp1:
0xd9: {  	[sflag:s24] =	ssyncset.done $0x0;
	(pc) =	sbr.rel @p0 .LBB2_4-.Ltmp1, $4  }
0xda: {  	[sflag:s24] =	ssyncadd.s32 $0xFFFFC000  }
0xdb: {  	[spmem:s2] =	stream.indirect.scatter.add.f32 [tilespmem:s22], [sflag:$0x3], $0x80, s9, s21, $0xb8;
	[tilespmem:$0x1C900] =	vst v63  }
0xdc: {  	_ =	swait.ge [sflag:s18], $0x4000  }
0xdd: {  	s12 =	smov.u32 s13;
	[sflag:s18] =	ssyncset.done $0x0  }
0xde: {  	s5 =	sadd.s32 s11, s16;
	[sflag:s18] =	ssyncadd.s32 $0xFFFFC000  }
0xdf: {  	[tilespmem:s3], [sflag:$0x3] =	stream.linear.gather [hbm4b:s5+s3], $0x400, $0x38;
	[tilespmem:$0x1C900] =	vst v63  }
0xe0: {  	_ =	swait.ge [sflag:s18], $0x400  }
0xe1: {  	[sflag:s18] =	ssyncset.done $0x0  }
0xe2: {  	s13 =	sadd.s32 s11, s15;
	[sflag:s18] =	ssyncadd.s32 $0xFFFFFC00  }
0xe3: {  	[tilespmem:s20], [sflag:$0x3] =	stream.linear.gather [hbm4b:s13+s3], $0x400, $0x38;
	[tilespmem:$0x1C900] =	vst v63  }
0xe4: {  	_ =	swait.ge [sflag:s18], $0x400  }
0xe5: {  	[sflag:s18] =	ssyncset.done $0x0  }
0xe6: {  	[sflag:s18] =	ssyncadd.s32 $0xFFFFFC00  }
0xe7: {  	[tilespmem:s17], [sflag:$0x1] =	stream.indirect.gather [hbm4b:s4+s21], $0x80, s3, s21, $0xb8;
	[tilespmem:$0x1C900] =	vst v63  }
0xe8: {  	_ = 	snop  }
0xe9: {  	[tilespmem:s22], [sflag:$0x2] =	stream.indirect.gather [hbm4b:s4+s21], $0x80, s21, s21, $0xb8;
	[tilespmem:$0x1C900] =	vst v63  }
0xea: {  	_ =	swait.ge [sflag:s23], $0x4000  }
0xeb: {  	[sflag:s23] =	ssyncset.done $0x0  }
0xec: {  	[sflag:s23] =	ssyncadd.s32 $0xFFFFC000  }
0xed: {  	[spmem:s2] =	stream.indirect.scatter.add.f32 [tilespmem:s17], [sflag:$0x3], $0x80, s20, s21, $0xb8;
	[tilespmem:$0x1C900] =	vst v63  }
0xee: {  	_ =	swait.ge [sflag:s18], $0x4000  }
0xef: {  	[sflag:s18] =	ssyncset.done $0x0  }
0xf0: {  	[sflag:s18] =	ssyncadd.s32 $0xFFFFC000  }
0xf1: {  	_ =	swait.ge [sflag:s24], $0x4000  }
0xf2: {  	[sflag:s24] =	ssyncset.done $0x0  }
0xf3: {  	[sflag:s24] =	ssyncadd.s32 $0xFFFFC000  }
0xf4: {  	[spmem:s2] =	stream.indirect.scatter.add.f32 [tilespmem:s22], [sflag:$0x3], $0x80, s25, s21, $0xb8;
	[tilespmem:$0x1C900] =	vst v63  }
0xf5: {  	_ =	swait.ge [sflag:s18], $0x4000  }
0xf6: {  	[sflag:s18] =	ssyncset.done $0x0  }
0xf7: {  	[sflag:s18] =	ssyncadd.s32 $0xFFFFC000  }
0xf8: {  	[tilespmem:s17], [sflag:$0x1] =	stream.indirect.gather [hbm4b:s4+s21], $0x80, s26, s21, $0xb8;
	[tilespmem:$0x1C900] =	vst v63  }
0xf9: {  	_ = 	snop  }
0xfa: {  	[tilespmem:s22], [sflag:$0x2] =	stream.indirect.gather [hbm4b:s4+s21], $0x80, s28, s21, $0xb8;
	[tilespmem:$0x1C900] =	vst v63  }
0xfb: {  	_ =	swait.ge [sflag:s23], $0x4000  }
0xfc: {  	[sflag:s23] =	ssyncset.done $0x0  }
0xfd: {  	[sflag:s23] =	ssyncadd.s32 $0xFFFFC000  }
0xfe: {  	[spmem:s2] =	stream.indirect.scatter.add.f32 [tilespmem:s17], [sflag:$0x3], $0x80, s29, s21, $0xb8;
	[tilespmem:$0x1C900] =	vst v63  }
0xff: {  	_ =	swait.ge [sflag:s18], $0x4000  }
0x100: {  	[sflag:s18] =	ssyncset.done $0x0  }
0x101: {  	[sflag:s18] =	ssyncadd.s32 $0xFFFFC000  }
0x102: {  	_ =	swait.ge [sflag:s24], $0x4000  }
0x103: {  	[sflag:s24] =	ssyncset.done $0x0  }
0x104: {  	[sflag:s24] =	ssyncadd.s32 $0xFFFFC000  }
0x105: {  	[spmem:s2] =	stream.indirect.scatter.add.f32 [tilespmem:s22], [sflag:$0x3], $0x80, s30, s21, $0xb8;
	[tilespmem:$0x1C900] =	vst v63  }
0x106: {  	_ =	swait.ge [sflag:s18], $0x4000  }
0x107: {  	[sflag:s18] =	ssyncset.done $0x0  }
0x108: {  	[sflag:s18] =	ssyncadd.s32 $0xFFFFC000  }
0x109: {  	[tilespmem:s17], [sflag:$0x1] =	stream.indirect.gather [hbm4b:s4+s21], $0x80, s31, s21, $0xb8;
	[tilespmem:$0x1C900] =	vst v63  }
0x10a: {  	_ = 	snop  }
0x10b: {  	[tilespmem:s22], [sflag:$0x2] =	stream.indirect.gather [hbm4b:s4+s21], $0x80, s1, s21, $0xb8;
	[tilespmem:$0x1C900] =	vst v63  }
0x10c: {  	_ =	swait.ge [sflag:s23], $0x4000  }
0x10d: {  	[sflag:s23] =	ssyncset.done $0x0  }
0x10e: {  	[sflag:s23] =	ssyncadd.s32 $0xFFFFC000  }
0x10f: {  	[spmem:s2] =	stream.indirect.scatter.add.f32 [tilespmem:s17], [sflag:$0x3], $0x80, s19, s21, $0xb8;
	[tilespmem:$0x1C900] =	vst v63  }
0x110: {  	_ =	swait.ge [sflag:s18], $0x4000  }
0x111: {  	[sflag:s18] =	ssyncset.done $0x0  }
0x112: {  	[sflag:s18] =	ssyncadd.s32 $0xFFFFC000  }
0x113: {  	_ =	swait.ge [sflag:s24], $0x4000  }
0x114: {  	[sflag:s24] =	ssyncset.done $0x0  }
0x115: {  	[sflag:s24] =	ssyncadd.s32 $0xFFFFC000  }
0x116: {  	[spmem:s2] =	stream.indirect.scatter.add.f32 [tilespmem:s22], [sflag:$0x3], $0x80, s0, s21, $0xb8;
	[tilespmem:$0x1C900] =	vst v63  }
0x117: {  	_ =	swait.ge [sflag:s18], $0x4000  }
0x118: {  	[sflag:s18] =	ssyncset.done $0x0  }
0x119: {  	[sflag:s18] =	ssyncadd.s32 $0xFFFFC000  }
0x11a: {  	[tilespmem:s17], [sflag:$0x1] =	stream.indirect.gather [hbm4b:s4+s21], $0x80, s6, s21, $0xb8;
	[tilespmem:$0x1C900] =	vst v63  }
0x11b: {  	_ = 	snop  }
0x11c: {  	[tilespmem:s22], [sflag:$0x2] =	stream.indirect.gather [hbm4b:s4+s21], $0x80, s7, s21, $0xb8;
	[tilespmem:$0x1C900] =	vst v63  }
0x11d: {  	_ =	swait.ge [sflag:s23], $0x4000  }
0x11e: {  	[sflag:s23] =	ssyncset.done $0x0  }
0x11f: {  	[sflag:s23] =	ssyncadd.s32 $0xFFFFC000  }
0x120: {  	[spmem:s2] =	stream.indirect.scatter.add.f32 [tilespmem:s17], [sflag:$0x3], $0x80, s8, s21, $0xb8;
	[tilespmem:$0x1C900] =	vst v63  }
0x121: {  	_ =	swait.ge [sflag:s18], $0x4000  }
0x122: {  	[sflag:s18] =	ssyncset.done $0x0  }
0x123: {  	[sflag:s18] =	ssyncadd.s32 $0xFFFFC000  }
0x124: {  	_ =	swait.ge [sflag:s24], $0x4000  }
0x125: {  	[sflag:s24] =	ssyncset.done $0x0  }
0x126: {  	[sflag:s24] =	ssyncadd.s32 $0xFFFFC000  }
0x127: {  	[spmem:s2] =	stream.indirect.scatter.add.f32 [tilespmem:s22], [sflag:$0x3], $0x80, s9, s21, $0xb8;
	[tilespmem:$0x1C900] =	vst v63  }
0x128: {  	_ =	swait.ge [sflag:s18], $0x4000  }
0x129: {  	[sflag:s18] =	ssyncset.done $0x0  }
0x12a: {  	s14 =	rddreg [dreg:$0xa];
	[sflag:s18] =	ssyncadd.s32 $0xFFFFC000  }
0x12b: {  	[tilespmem:s17], [sflag:$0x1] =	stream.indirect.gather [hbm4b:s4+s21], $0x80, s14, s21, $0xb8;
	[tilespmem:$0x1C900] =	vst v63  }
0x12c: {  	_ =	swait.ge [sflag:s23], $0x4000  }
0x12d: {  	[sflag:s23] =	ssyncset.done $0x0  }
0x12e: {  	s11 =	rddreg [dreg:$0xb];
	[sflag:s23] =	ssyncadd.s32 $0xFFFFC000  }
0x12f: {  	[hbm4b:s11+s3] =	stream.linear.scatter [tilespmem:s17], [sflag:$0x3], $0x4000, $0x38;
	[tilespmem:$0x1C900] =	vst v63  }
0x130: {  	_ =	swait.ge [sflag:s18], $0x4000  }
0x131: {  	[sflag:s18] =	ssyncset.done $0x0  }
0x132: {  	[sflag:s18] =	ssyncadd.s32 $0xFFFFC000  }
0x133: {  	s12 =	stileid.u32;
	[bflag:$0x0] =	sbarrier.arrive $0xFFFF  }
0x134: {  	s5 =	sshll.u32 s12, $0x6;
	s14 =	rddreg [dreg:$0x4]  }
0x135: {  	s5 =	sor.u32 $0x1C03, s5;
	s12 =	rddreg [dreg:$0xd];
	s13 =	sshrl.u32 s14, $0x3  }
0x136: {  	[hbm:s12], [sflag:s5] =	dma.local [spmem:s13], $0x2800  }
0x137: {  	_ =	swait.ge [sflag:s18], $0x2800  }
0x138: {  	s10 =	sadd.s32 $0x1, s10;
	s13 =	rddreg [dreg:$0xc]  }
0x139: {  	p0 =	sne.s32 s10, s13  }
.Ltmp2:
0x13a: {  	_ = 	snop;
	(pc) =	sbr.rel @p0 .LBB2_1-.Ltmp2, $3  }
0x13b: {  	_ =	sdelay $0x1  }
0x13c: {  	[sflag:s18] =	ssyncset.done $0x0  }
0x13d: {  	[sflag:s18] =	ssyncadd.s32 $0xFFFFD800  }
0x13e: {  	_ =	sfence.sel $0x180000  }
0x13f: {  	[bflag:$0x0] =	sbarrier.arrive $0xFFFF  }
0x140: {  	_ =	strace $0x90000047  }
0x141: {  	s0 =	stileid.u32;
	[bflag:$0x2] =	sbarrier.arrive $0xFFFF  }
0x142: {  	p0 =	sne.s32 s0, $0x0;
	s0 =	rddreg [dreg:$0x3]  }
0x143: {  	s0 =	sadd.s32 @!p0 $0x100000, s0  }
0x144: {  	[sflag:s0] =	ssyncadd.tile.s32 @!p0 $0x1;
	_ =	shalt  }
.Lfunc_end2:
_tile_overlayer_lowered:
.L_overlay_start_2:
0x145: {  	(tag) =	ssettag $0x2  }
0x146: {  	s0 =	rddreg [dreg:$0x0];
	s2 =	stileid.u32  }
0x147: {  	s1 =	rddreg [dreg:$0x1];
	p0 =	sne.s32 s2, $0x0  }
0x148: {  	s3 =	rddreg [dreg:$0x2];
	[bflag:$0x3] =	sbarrier.arrive $0xFFFF;
	s2 =	simm.s32 @!p0 $0x1C03  }
0x149: {  	[timem:s3], [sflag:s2] =	dma.local @!p0 [hbm:s0], s1  }
0x14a: {  	s0 =	simm.s32 @!p0 $0x3  }
0x14b: {  	_ =	swait.ge @!p0 [sflag:s0], s1  }
0x14c: {  	s1 =	ssub.s32 @!p0 $0x0, s1;
	[sflag:s0] =	ssyncset.done @!p0 $0x0  }
0x14d: {  	[sflag:s0] =	ssyncadd.s32 @!p0 s1  }
0x14e: {  	[bflag:$0x3] =	sbarrier.arrive $0xFFFF  }
0x14f: {  	_ =	shalt  }

// kernel: kernel.9.cloned.1.call-start
scs
__scs_entry_jumppad:
0x0: {  	(pc) =	sbr.rel $0x88, $3  }
0x1: {  	(tag) =	ssettag $0x0;
	lr =	simm.s32 $0x1  }
0x2: {  	[smem:$0x3F98] =	sst lr;
	_ =	strace $0xD0000000  }
0x3: {  	_ = 	snop  }
0x4: {  	_ = 	snop  }
0x5: {  	_ = 	snop  }
0x6: {  	_ = 	snop  }
0x7: {  	_ = 	snop  }
__scs_overlays_trampoline_lowered:
0x8: {  	[smem:$0x3FA7] =	sst s0  }
0x9: {  	[smem:$0x3FA8] =	sst s1  }
0xa: {  	[smem:$0x3FA9] =	sst s2  }
0xb: {  	[smem:$0x3FAA] =	sst s3  }
0xc: {  	[smem:$0x3FAB] =	sst s4  }
0xd: {  	[smem:$0x3FAC] =	sst s5  }
0xe: {  	[smem:$0x3FAD] =	sst s6  }
0xf: {  	[smem:$0x3FAE] =	sst s7  }
0x10: {  	[smem:$0x3FAF] =	sst s8  }
0x11: {  	[smem:$0x3FB0] =	sst s9;
	s0 =	simm.s32 @!p0 $0x0  }
0x12: {  	s1 =	sld [smem:$0x3F96];
	s0 =	simm.s32 @p0 $0x1  }
0x13: {  	[smem:$0x3FB1] =	sst s0;
	s0 =	simm.s32 @!p1 $0x0  }
0x14: {  	s2 =	sld [smem:$0x3F95];
	s0 =	simm.s32 @p1 $0x1  }
0x15: {  	[smem:$0x3FB2] =	sst s0;
	s0 =	simm.s32 @!p2 $0x0  }
0x16: {  	s3 =	sld [smem:$0x3FDB];
	s0 =	simm.s32 @p2 $0x1  }
0x17: {  	s4 =	simm.s32 $0x1BF5;
	[smem:$0x3FB4] =	sst s0  }
0x18: {  	s0 =	sld [smem:$0x3F97];
	_ =	swait.ge [sflag:s4], $0x0  }
0x19: {  	s7 =	sld [smem:$0x3F98]  }
0x1a: {  	s8 =	sadd.s32 $0xFFFFE003, lr  }
0x1b: {  	s9 =	sadd.s32 $0xFFFFFEF7, lr;
	s5 =	simm.s32 $0xFFFFFFFF;
	p2 =	slt.u32 s8, $0xFFFFF086  }
0x1c: {  	p1 =	slt.u32 s9, $0xF7A;
	s5 =	simm.s32 @!p2 $0x0  }
0x1d: {  	s5 =	simm.s32 @p1 $0x1;
	p0 =	seq.s32 s7, s2  }
0x1e: {  	s7 =	smul.u32 @!p0 $0xF7A, s2;
	p2 =	seq.s32 @!p0 s5, $0x0  }
0x1f: {  	s9 =	smul.u32 $0xF7A, s1;
	s8 =	simm.s32 @!p0 $0x1BF5;
	p2 =	por !p2, p0  }
0x20: {  	[sflag:s8] =	ssyncset.s32 @!p0 $0xFFFFF086;
	s6 =	sadd.s32 @!p0 s3, s7;
	s7 =	simm.s32 @!p0 $0x108  }
0x21: {  	s3 =	sadd.s32 s3, s9;
	s6 =	sadd.s32 @!p0 $0x88, s6;
	s7 =	simm.s32 @p2 $0x1082  }
0x22: {  	[simem:s7], [sflag:s8] =	dma.local @!p0 [hbm:s6], $0xF7A  }
0x23: {  	s9 =	sor.u32 $0xD0000000, s2;
	s6 =	simm.s32 $0x108;
	_ =	swait.ge @!p0 [sflag:s8], $0x0  }
0x24: {  	s3 =	sadd.s32 $0x88, s3;
	s6 =	simm.s32 @!p1 $0x1082;
	[sflag:s4] =	ssyncset.s32 $0xFFFFF086  }
0x25: {  	[simem:s6], [sflag:s4] =	dma.local [hbm:s3], $0xF7A  }
0x26: {  	[smem:$0x3F98] =	sst s1;
	(tag) =	ssettag s2;
	_ =	strace s9  }
0x27: {  	s1 =	sld [smem:$0x3FA8]  }
0x28: {  	s2 =	sld [smem:$0x3FA9]  }
0x29: {  	s4 =	sld [smem:$0x3FAB]  }
0x2a: {  	p0 =	seq.s32 s5, $0x0;
	s5 =	sld [smem:$0x3FAC]  }
0x2b: {  	s6 =	sld [smem:$0x3FAD]  }
0x2c: {  	s7 =	sld [smem:$0x3FAE]  }
0x2d: {  	s3 =	simm.s32 $0x108;
	s8 =	sld [smem:$0x3FAF]  }
0x2e: {  	s3 =	simm.s32 @!p0 $0x1082;
	s9 =	sld [smem:$0x3FB0]  }
0x2f: {  	lr =	sadd.s32 s0, s3;
	s0 =	sld [smem:$0x3FA7]  }
0x30: {  	s3 =	sld [smem:$0x3FAA]  }
0x31: {  	[smem:$0x3FB3] =	sst s10  }
0x32: {  	s10 =	sld [smem:$0x3FB1];
	_ =	sdelay $0x3  }
0x33: {  	p0 =	seq.s32 s10, $0x1;
	s10 =	sld [smem:$0x3FB3];
	_ =	sdelay $0x3  }
0x34: {  	[smem:$0x3FB3] =	sst s10  }
0x35: {  	s10 =	sld [smem:$0x3FB2];
	_ =	sdelay $0x3  }
0x36: {  	p1 =	seq.s32 s10, $0x1;
	s10 =	sld [smem:$0x3FB3];
	_ =	sdelay $0x3  }
0x37: {  	[smem:$0x3FB3] =	sst s10  }
0x38: {  	s10 =	sld [smem:$0x3FB4]  }
0x39: {  	_ = 	snop;
	(pc) =	sbr.ind lr, $3  }
0x3a: {  	_ = 	snop  }
0x3b: {  	_ = 	snop  }
0x3c: {  	p2 =	seq.s32 s10, $0x1;
	s10 =	sld [smem:$0x3FB3]  }
0x3d: {  	_ =	shalt  }
0x3e: {  	_ =	shalt  }
0x3f: {  	_ =	shalt  }
0x40: {  	_ =	shalt  }
0x41: {  	_ =	shalt  }
0x42: {  	_ =	shalt  }
0x43: {  	_ =	shalt  }
0x44: {  	_ =	shalt  }
0x45: {  	_ =	shalt  }
0x46: {  	_ =	shalt  }
0x47: {  	_ =	shalt  }
0x48: {  	_ =	shalt  }
0x49: {  	_ =	shalt  }
0x4a: {  	_ =	shalt  }
0x4b: {  	_ =	shalt  }
0x4c: {  	_ =	shalt  }
0x4d: {  	_ =	shalt  }
0x4e: {  	_ =	shalt  }
0x4f: {  	_ =	shalt  }
0x50: {  	_ =	shalt  }
0x51: {  	_ =	shalt  }
0x52: {  	_ =	shalt  }
0x53: {  	_ =	shalt  }
0x54: {  	_ =	shalt  }
0x55: {  	_ =	shalt  }
0x56: {  	_ =	shalt  }
0x57: {  	_ =	shalt  }
0x58: {  	_ =	shalt  }
0x59: {  	_ =	shalt  }
0x5a: {  	_ =	shalt  }
0x5b: {  	_ =	shalt  }
0x5c: {  	_ =	shalt  }
0x5d: {  	_ =	shalt  }
0x5e: {  	_ =	shalt  }
0x5f: {  	_ =	shalt  }
0x60: {  	_ =	shalt  }
0x61: {  	_ =	shalt  }
0x62: {  	_ =	shalt  }
0x63: {  	_ =	shalt  }
0x64: {  	_ =	shalt  }
0x65: {  	_ =	shalt  }
0x66: {  	_ =	shalt  }
0x67: {  	_ =	shalt  }
0x68: {  	_ =	shalt  }
0x69: {  	_ =	shalt  }
0x6a: {  	_ =	shalt  }
0x6b: {  	_ =	shalt  }
0x6c: {  	_ =	shalt  }
0x6d: {  	_ =	shalt  }
0x6e: {  	_ =	shalt  }
0x6f: {  	_ =	shalt  }
0x70: {  	_ =	shalt  }
0x71: {  	_ =	shalt  }
0x72: {  	_ =	shalt  }
0x73: {  	_ =	shalt  }
0x74: {  	_ =	shalt  }
0x75: {  	_ =	shalt  }
0x76: {  	_ =	shalt  }
0x77: {  	_ =	shalt  }
0x78: {  	_ =	shalt  }
0x79: {  	_ =	shalt  }
0x7a: {  	_ =	shalt  }
0x7b: {  	_ =	shalt  }
0x7c: {  	_ =	shalt  }
0x7d: {  	_ =	shalt  }
0x7e: {  	_ =	shalt  }
0x7f: {  	_ =	shalt  }
0x80: {  	_ =	shalt  }
0x81: {  	_ =	shalt  }
0x82: {  	_ =	shalt  }
0x83: {  	_ =	shalt  }
0x84: {  	_ =	shalt  }
0x85: {  	_ =	shalt  }
0x86: {  	_ =	shalt  }
0x87: {  	_ =	shalt  }
.Lfunc_end0:
.L_simem_size_0:
called_computation.1_lowered:
.L_overlay_start_0:
0x88: {  	s2 =	sld [smem:$0x3FD9]  }
0x89: {  	s3 =	sld [smem:$0x3FFE];
	_ =	sdelay $0x1  }
0x8a: {  	s1 =	srdreg.scid  }
0x8b: {  	s0 =	sand.u32 $0x1, s1  }
0x8c: {  	s14 =	sshll.u32 s0, $0xA;
	s2 =	sadd.s32 s3, s2  }
0x8d: {  	s2 =	sadd.s32 s2, s14  }
0x8e: {  	[smem:$0x3FBF] =	sst s2  }
0x8f: {  	_ = 	snop  }
0x90: {  	s2 =	sld [smem:$0x3FD0];
	_ =	sdelay $0x2  }
0x91: {  	s15 =	simm.s32 $0xA;
	s4 =	simm.s32 $0x10  }
0x92: {  	[smem:s4], [sflag:s15] =	dma.local [hbm:s2], $0x1  }
0x93: {  	_ =	swait.eq [sflag:s15], $0x1  }
0x94: {  	[sflag:s15] =	ssyncset.done $0x0  }
0x95: {  	[sflag:s15] =	ssyncadd.s32 $0xFFFFFFFF  }
0x96: {  	s16 =	sld [smem:$0x10];
	(tm) =	ssettm $0x1  }
0x97: {  	s17 =	sld [smem:$0x3FFB];
	_ =	sdelay $0x3  }
0x98: {  	_ =	strace s17  }
0x99: {  	s3 =	sld [smem:$0x3FFC];
	_ =	sdelay $0x3  }
0x9a: {  	_ =	strace s3  }
0x9b: {  	s3 =	sld [smem:$0x3FFD];
	_ =	sdelay $0x3  }
0x9c: {  	_ =	strace s3  }
0x9d: {  	_ =	strace $0x8FFFFFFF  }
0x9e: {  	s18 =	sld [smem:$0x3FDB];
	_ =	sdelay $0x1  }
0x9f: {  	s19 =	simm.s32 $_scs_section_size  }
0xa0: {  	s5 =	simm.s32 $_size__tile_overlayer_lowered;
	s6 =	simm.s32 $_tile_overlayer_lowered  }
0xa1: {  	s22 =	simm.s32 $0x1BFF;
	s21 =	sshll.u32 s6, $0x1;
	s3 =	sadd.s32 s19, s18  }
0xa2: {  	s7 =	simm.s32 $0x0;
	s20 =	sshll.u32 s5, $0x1;
	s5 =	sadd.s32 s21, s3  }
0xa3: {  	[timem:s7], [sflag:s22] =	dma.local [hbm:s5], s20  }
0xa4: {  	_ =	swait.ge [sflag:s22], s20  }
0xa5: {  	s4 =	ssub.s32 $0x0, s20;
	[sflag:s22] =	ssyncset.done $0x0  }
0xa6: {  	[sflag:s22] =	ssyncadd.s32 s4;
	_ =	sdelay $0x1  }
0xa7: {  	s23 =	simm.s32 $0x1B8B  }
0xa8: {  	_ =	swait.ge [sflag:s23], $0x1  }
0xa9: {  	[sflag:s23] =	ssyncset.done $0x0  }
0xaa: {  	s25 =	simm.s32 $0x1B8E;
	s24 =	sld [smem:$0x3FFE];
	[sflag:s23] =	ssyncadd.s32 $0xFFFFFFFF  }
0xab: {  	s26 =	simm.s32 $execute0_lowered;
	[smem:$0x3FD2] =	sst s25  }
0xac: {  	s5 =	sshll.u32 s26, $0x1;
	_ =	strace $0x80000049;
	[dreg:$0x1] =	wrdreg $0xFFFFFFFF  }
0xad: {  	s28 =	simm.s32 $_size_execute0_lowered;
	s3 =	sadd.s32 s3, s5;
	[dreg:$0x0] =	wrdreg $0x0  }
0xae: {  	s5 =	sshll.u32 s28, $0x1;
	[dreg:$0x2] =	wrdreg s3  }
0xaf: {  	[dreg:$0x3] =	wrdreg s5  }
0xb0: {  	[dreg:$0x4] =	wrdreg $0xC0  }
0xb1: {  	_ =	task [dreg:s7], $0x5FFFF  }
0xb2: {  	[dreg:$0x1] =	wrdreg $0xFFFFFFFF  }
0xb3: {  	[dreg:$0x0] =	wrdreg $0x60  }
0xb4: {  	[dreg:$0x2] =	wrdreg s24  }
0xb5: {  	[dreg:$0x3] =	wrdreg s16  }
0xb6: {  	[dreg:$0x4] =	wrdreg $0x89000  }
0xb7: {  	[dreg:$0x5] =	wrdreg $0x9  }
0xb8: {  	_ =	task.clear_ibuf [dreg:s7], $0x6FFFF;
	_ =	strace $0x90000049  }
0xb9: {  	s29 =	simm.s32 $0x9;
	_ =	strace $0x8000004B  }
0xba: {  	_ =	swait.ge [sflag:s29], $0x1  }
0xbb: {  	[sflag:s29] =	ssyncadd.s32 $0xFFFFFFFF  }
0xbc: {  	_ =	strace $0x9000004B  }
0xbd: {  	_ =	sfence  }
0xbe: {  	s30 =	sld [smem:$0x0];
	_ =	sdelay $0x2  }
0xbf: {  	s31 =	sshll.u32 s1, $0xD;
	s1 =	sshrl.u32 s1, $0x2  }
0xc0: {  	s3 =	sand.u32 $0x4000, s31;
	s1 =	sadd.s32 s1, s30  }
0xc1: {  	s0 =	sor.u32 s3, s0;
	s1 =	sshll.u32 s1, $0x11  }
0xc2: {  	s0 =	sor.u32 s1, s0  }
0xc3: {  	s0 =	sadd.s32 $0x8F2B, s0  }
0xc4: {  	[sflag:s0] =	ssyncadd.remote.s32 $0x1  }
0xc5: {  	_ =	sfence.sel $0xFFFF  }
0xc6: {  	[dreg:$0x0] =	wrdreg $0xFFFFFFFF;
	(pc) =	sbr.abs _section_cstart, $3  }
0xc7: {  	[dreg:$0x1] =	wrdreg $0xFFFFFFFF  }
0xc8: {  	_ =	task.clear_ibuf [dreg:s7], $0x2FFFF;
	_ =	strace $0x9FFFFFFF  }
0xc9: {  	(tm) =	ssettm $0x7FFFFFFF  }
tec
execute0_lowered:
.L_overlay_start_1:
0x0: {  	(tag) =	ssettag $0x1  }
0x1: {  	s0 =	rddreg [dreg:$0x0]  }
0x2: {  	s1 =	rddreg [dreg:$0x1]  }
0x3: {  	s2 =	rddreg [dreg:$0x2]  }
0x4: {  	s11 =	stileid.u32;
	s3 =	srdreg.scid  }
0x5: {  	s16 =	simm.s32 $0x800;
	s12 =	simm.s32 $0x8800;
	s28 =	simm.s32 $0x500  }
0x6: {  	s29 =	simm.s32 $0x580;
	s30 =	simm.s32 $0x200;
	s31 =	simm.s32 $0x280  }
0x7: {  	s4 =	smul.u32 $0x50, s11;
	s5 =	sand.u32 $0x1, s3;
	s3 =	simm.s32 $0x0  }
0x8: {  	s7 =	smul.u32 $0x50000, s11;
	s9 =	sshll.u32 s11, $0xC;
	s24 =	sshll.u32 s11, $0x5  }
0x9: {  	p0 =	seq.s32 s5, $0x0;
	[smem:$0x7FF] =	sst s3;
	s8 =	sshll.u32 s5, $0x10  }
0xa: {  	s10 =	ssub.s32 $0x2, s5;
	s1 =	sadd.s32 s1, s24;
	s24 =	simm.s32 $0x480  }
0xb: {  	s6 =	sadd.s32 $0x500, s4;
	_ =	strace $0x8000004A;
	s17 =	sshrl.u32 s7, $0x2  }
0xc: {  	s18 =	sor.u32 s9, s8;
	s19 =	sshrl.u32 s10, $0x1;
	[dreg:$0x9] =	wrdreg s1  }
0xd: {  	s1 =	simm.s32 $0x600;
	s7 =	simm.s32 $0x380;
	s8 =	simm.s32 $0x700  }
0xe: {  	s9 =	simm.s32 $0x780;
	s6 =	smov.u32 @p0 s4;
	s4 =	sadd.s32 $0x2E00, s0  }
0xf: {  	s5 =	sadd.s32 s17, s2;
	s20 =	ssub.s32 s10, s19;
	s17 =	simm.s32 $0x3  }
0x10: {  	s19 =	simm.s32 $0x400;
	s21 =	sadd.s32 $0x4000, s5;
	[dreg:$0x4] =	wrdreg s5  }
0x11: {  	s10 =	simm.s32 $0x0;
	s22 =	sadd.s32 $0x8000, s5;
	[dreg:$0x5] =	wrdreg s21  }
0x12: {  	s6 =	sshll.u32 s6, $0x4;
	s23 =	sadd.s32 $0xC000, s5;
	[dreg:$0x6] =	wrdreg s22  }
0x13: {  	s5 =	sadd.s32 $0x10000, s5;
	s26 =	smax.u32 s20, $0x1;
	[dreg:$0x7] =	wrdreg s23  }
0x14: {  	s20 =	simm.s32 $0x80;
	s6 =	sadd.s32 s6, s0;
	[dreg:$0x8] =	wrdreg s5  }
0x15: {  	s0 =	sadd.s32 s18, s0;
	[dreg:$0xc] =	wrdreg s26;
	s21 =	simm.s32 $0x4800  }
0x16: {  	s22 =	simm.s32 $0x1;
	s23 =	simm.s32 $0x2;
	s26 =	simm.s32 $0x180  }
0x17: {  	s25 =	sadd.s32 $0x3EE00, s0;
	s0 =	sadd.s32 $0x3F600, s0;
	s14 =	sadd.s32 $0x34E00, s6  }
0x18: {  	s15 =	sadd.s32 $0x2AE00, s6;
	s6 =	simm.s32 $0x300;
	[dreg:$0xa] =	wrdreg s25  }
0x19: {  	v0 =	vimm.f32 $0.0e+00;
	[dreg:$0xb] =	wrdreg s0;
	s25 =	simm.s32 $0x100;
	s0 =	simm.s32 $0x680  }
.LBB2_1:
0x1a: {  	s11 =	simm.s32 $0x0;
	s18 =	simm.s32 $0x200  }
.LBB2_2:
0x1b: {  	p0 =	sne.s32 s18, $0xFE00;
	[tilespmem:s11+$0x870] =	vst v0  }
0x1c: {  	[tilespmem:s11+$0x800] =	vst v0  }
0x1d: {  	[tilespmem:s11+$0x810] =	vst v0  }
.Ltmp0:
0x1e: {  	[tilespmem:s11+$0x820] =	vst v0;
	(pc) =	sbr.rel @p0 .LBB2_2-.Ltmp0, $4  }
0x1f: {  	[tilespmem:s11+$0x830] =	vst v0  }
0x20: {  	[tilespmem:s11+$0x840] =	vst v0  }
0x21: {  	[tilespmem:s11+$0x850] =	vst v0  }
0x22: {  	[tilespmem:s11+$0x860] =	vst v0;
	s11 =	sshra.s32 s18, $0x2;
	s18 =	sadd.s32 $0x200, s18  }
0x23: {  	[tilespmem:s11+$0x870] =	vst v0  }
0x24: {  	[tilespmem:s11+$0x800] =	vst v0  }
0x25: {  	[tilespmem:s11+$0x810] =	vst v0  }
0x26: {  	[tilespmem:s11+$0x820] =	vst v0  }
0x27: {  	[tilespmem:s11+$0x830] =	vst v0  }
0x28: {  	[tilespmem:s11+$0x840] =	vst v0  }
0x29: {  	[tilespmem:s11+$0x850] =	vst v0  }
0x2a: {  	[tilespmem:s11+$0x860] =	vst v0;
	s5 =	rddreg [dreg:$0x4]  }
0x2b: {  	[spmem:s5] =	stream.linear.scatter [tilespmem:s16], [sflag:$0x3], $0x4000, $0x38;
	[tilespmem:$0x1C900] =	vst v63  }
0x2c: {  	_ =	swait.ge [sflag:s17], $0x4000  }
0x2d: {  	[sflag:s17] =	ssyncset.done $0x0  }
0x2e: {  	s11 =	rddreg [dreg:$0x5];
	[sflag:s17] =	ssyncadd.s32 $0xFFFFC000  }
0x2f: {  	[spmem:s11] =	stream.linear.scatter [tilespmem:s16], [sflag:$0x3], $0x4000, $0x38;
	[tilespmem:$0x1C900] =	vst v63  }
0x30: {  	_ =	swait.ge [sflag:s17], $0x4000  }
0x31: {  	[sflag:s17] =	ssyncset.done $0x0  }
0x32: {  	s13 =	rddreg [dreg:$0x6];
	[sflag:s17] =	ssyncadd.s32 $0xFFFFC000  }
0x33: {  	[spmem:s13] =	stream.linear.scatter [tilespmem:s16], [sflag:$0x3], $0x4000, $0x38;
	[tilespmem:$0x1C900] =	vst v63  }
0x34: {  	_ =	swait.ge [sflag:s17], $0x4000  }
0x35: {  	[sflag:s17] =	ssyncset.done $0x0  }
0x36: {  	s18 =	rddreg [dreg:$0x7];
	[sflag:s17] =	ssyncadd.s32 $0xFFFFC000  }
0x37: {  	[spmem:s18] =	stream.linear.scatter [tilespmem:s16], [sflag:$0x3], $0x4000, $0x38;
	[tilespmem:$0x1C900] =	vst v63  }
0x38: {  	_ =	swait.ge [sflag:s17], $0x4000  }
0x39: {  	[sflag:s17] =	ssyncset.done $0x0  }
0x3a: {  	s11 =	rddreg [dreg:$0x8];
	[sflag:s17] =	ssyncadd.s32 $0xFFFFC000  }
0x3b: {  	[spmem:s11] =	stream.linear.scatter [tilespmem:s16], [sflag:$0x3], $0x4000, $0x38;
	[tilespmem:$0x1C900] =	vst v63  }
0x3c: {  	_ =	swait.ge [sflag:s17], $0x4000  }
0x3d: {  	[sflag:s17] =	ssyncset.done $0x0  }
0x3e: {  	s13 =	simm.s32 $0x0;
	s18 =	rddreg [dreg:$0x9];
	[sflag:s17] =	ssyncadd.s32 $0xFFFFC000  }
0x3f: {  	[tilespmem:s12], [sflag:$0x3] =	stream.linear.gather [hbm4b:s18+s13], $0x100, $0x38;
	[tilespmem:$0x1C900] =	vst v63  }
0x40: {  	_ =	swait.ge [sflag:s17], $0x100  }
0x41: {  	[sflag:s17] =	ssyncset.done $0x0  }
0x42: {  	[sflag:s17] =	ssyncadd.s32 $0xFFFFFF00  }
0x43: {  	s13 =	sadd.s32 $0x0, s15;
	[bflag:$0x0] =	sbarrier.arrive $0xFFFF  }
0x44: {  	[tilespmem:s3], [sflag:$0x3] =	stream.linear.gather [hbm4b:s13+s3], $0x400, $0x38;
	[tilespmem:$0x1C900] =	vst v63  }
0x45: {  	_ =	swait.ge [sflag:s17], $0x400  }
0x46: {  	[sflag:s17] =	ssyncset.done $0x0  }
0x47: {  	s18 =	sadd.s32 $0x0, s14;
	[sflag:s17] =	ssyncadd.s32 $0xFFFFFC00  }
0x48: {  	[tilespmem:s19], [sflag:$0x3] =	stream.linear.gather [hbm4b:s18+s3], $0x400, $0x38;
	[tilespmem:$0x1C900] =	vst v63  }
0x49: {  	_ =	swait.ge [sflag:s17], $0x400  }
0x4a: {  	[sflag:s17] =	ssyncset.done $0x0  }
0x4b: {  	[sflag:s17] =	ssyncadd.s32 $0xFFFFFC00  }
0x4c: {  	[tilespmem:s16], [sflag:$0x1] =	stream.indirect.gather [hbm4b:s4+s20], $0x80, s3, s20, $0xb8;
	[tilespmem:$0x1C900] =	vst v63  }
0x4d: {  	_ = 	snop  }
0x4e: {  	[tilespmem:s21], [sflag:$0x2] =	stream.indirect.gather [hbm4b:s4+s20], $0x80, s20, s20, $0xb8;
	[tilespmem:$0x1C900] =	vst v63  }
0x4f: {  	_ =	swait.ge [sflag:s22], $0x4000  }
0x50: {  	[sflag:s22] =	ssyncset.done $0x0  }
0x51: {  	[sflag:s22] =	ssyncadd.s32 $0xFFFFC000  }
0x52: {  	[spmem:s2] =	stream.indirect.scatter.add.f32 [tilespmem:s16], [sflag:$0x3], $0x80, s19, s20, $0xb8;
	[tilespmem:$0x1C900] =	vst v63  }
0x53: {  	_ =	swait.ge [sflag:s17], $0x4000  }
0x54: {  	[sflag:s17] =	ssyncset.done $0x0  }
0x55: {  	[sflag:s17] =	ssyncadd.s32 $0xFFFFC000  }
0x56: {  	_ =	swait.ge [sflag:s23], $0x4000  }
0x57: {  	[sflag:s23] =	ssyncset.done $0x0  }
0x58: {  	[sflag:s23] =	ssyncadd.s32 $0xFFFFC000  }
0x59: {  	[spmem:s2] =	stream.indirect.scatter.add.f32 [tilespmem:s21], [sflag:$0x3], $0x80, s24, s20, $0xb8;
	[tilespmem:$0x1C900] =	vst v63  }
0x5a: {  	_ =	swait.ge [sflag:s17], $0x4000  }
0x5b: {  	[sflag:s17] =	ssyncset.done $0x0  }
0x5c: {  	[sflag:s17] =	ssyncadd.s32 $0xFFFFC000  }
0x5d: {  	[tilespmem:s16], [sflag:$0x1] =	stream.indirect.gather [hbm4b:s4+s20], $0x80, s25, s20, $0xb8;
	[tilespmem:$0x1C900] =	vst v63  }
0x5e: {  	_ = 	snop  }
0x5f: {  	[tilespmem:s21], [sflag:$0x2] =	stream.indirect.gather [hbm4b:s4+s20], $0x80, s26, s20, $0xb8;
	[tilespmem:$0x1C900] =	vst v63  }
0x60: {  	_ =	swait.ge [sflag:s22], $0x4000  }
0x61: {  	[sflag:s22] =	ssyncset.done $0x0  }
0x62: {  	[sflag:s22] =	ssyncadd.s32 $0xFFFFC000  }
0x63: {  	[spmem:s2] =	stream.indirect.scatter.add.f32 [tilespmem:s16], [sflag:$0x3], $0x80, s28, s20, $0xb8;
	[tilespmem:$0x1C900] =	vst v63  }
0x64: {  	_ =	swait.ge [sflag:s17], $0x4000  }
0x65: {  	[sflag:s17] =	ssyncset.done $0x0  }
0x66: {  	[sflag:s17] =	ssyncadd.s32 $0xFFFFC000  }
0x67: {  	_ =	swait.ge [sflag:s23], $0x4000  }
0x68: {  	[sflag:s23] =	ssyncset.done $0x0  }
0x69: {  	[sflag:s23] =	ssyncadd.s32 $0xFFFFC000  }
0x6a: {  	[spmem:s2] =	stream.indirect.scatter.add.f32 [tilespmem:s21], [sflag:$0x3], $0x80, s29, s20, $0xb8;
	[tilespmem:$0x1C900] =	vst v63  }
0x6b: {  	_ =	swait.ge [sflag:s17], $0x4000  }
0x6c: {  	[sflag:s17] =	ssyncset.done $0x0  }
0x6d: {  	[sflag:s17] =	ssyncadd.s32 $0xFFFFC000  }
0x6e: {  	[tilespmem:s16], [sflag:$0x1] =	stream.indirect.gather [hbm4b:s4+s20], $0x80, s30, s20, $0xb8;
	[tilespmem:$0x1C900] =	vst v63  }
0x6f: {  	_ = 	snop  }
0x70: {  	[tilespmem:s21], [sflag:$0x2] =	stream.indirect.gather [hbm4b:s4+s20], $0x80, s31, s20, $0xb8;
	[tilespmem:$0x1C900] =	vst v63  }
0x71: {  	_ =	swait.ge [sflag:s22], $0x4000  }
0x72: {  	[sflag:s22] =	ssyncset.done $0x0  }
0x73: {  	[sflag:s22] =	ssyncadd.s32 $0xFFFFC000  }
0x74: {  	[spmem:s2] =	stream.indirect.scatter.add.f32 [tilespmem:s16], [sflag:$0x3], $0x80, s1, s20, $0xb8;
	[tilespmem:$0x1C900] =	vst v63  }
0x75: {  	_ =	swait.ge [sflag:s17], $0x4000  }
0x76: {  	[sflag:s17] =	ssyncset.done $0x0  }
0x77: {  	[sflag:s17] =	ssyncadd.s32 $0xFFFFC000  }
0x78: {  	_ =	swait.ge [sflag:s23], $0x4000  }
0x79: {  	[sflag:s23] =	ssyncset.done $0x0  }
0x7a: {  	[sflag:s23] =	ssyncadd.s32 $0xFFFFC000  }
0x7b: {  	[spmem:s2] =	stream.indirect.scatter.add.f32 [tilespmem:s21], [sflag:$0x3], $0x80, s0, s20, $0xb8;
	[tilespmem:$0x1C900] =	vst v63  }
0x7c: {  	_ =	swait.ge [sflag:s17], $0x4000  }
0x7d: {  	[sflag:s17] =	ssyncset.done $0x0  }
0x7e: {  	[sflag:s17] =	ssyncadd.s32 $0xFFFFC000  }
0x7f: {  	[tilespmem:s16], [sflag:$0x1] =	stream.indirect.gather [hbm4b:s4+s20], $0x80, s6, s20, $0xb8;
	[tilespmem:$0x1C900] =	vst v63  }
0x80: {  	_ = 	snop  }
0x81: {  	[tilespmem:s21], [sflag:$0x2] =	stream.indirect.gather [hbm4b:s4+s20], $0x80, s7, s20, $0xb8;
	[tilespmem:$0x1C900] =	vst v63  }
0x82: {  	_ =	swait.ge [sflag:s22], $0x4000  }
0x83: {  	[sflag:s22] =	ssyncset.done $0x0  }
0x84: {  	[sflag:s22] =	ssyncadd.s32 $0xFFFFC000  }
0x85: {  	[spmem:s2] =	stream.indirect.scatter.add.f32 [tilespmem:s16], [sflag:$0x3], $0x80, s8, s20, $0xb8;
	[tilespmem:$0x1C900] =	vst v63  }
0x86: {  	_ =	swait.ge [sflag:s17], $0x4000  }
0x87: {  	[sflag:s17] =	ssyncset.done $0x0  }
0x88: {  	[sflag:s17] =	ssyncadd.s32 $0xFFFFC000  }
0x89: {  	_ =	swait.ge [sflag:s23], $0x4000  }
0x8a: {  	[sflag:s23] =	ssyncset.done $0x0  }
0x8b: {  	[sflag:s23] =	ssyncadd.s32 $0xFFFFC000  }
0x8c: {  	[spmem:s2] =	stream.indirect.scatter.add.f32 [tilespmem:s21], [sflag:$0x3], $0x80, s9, s20, $0xb8;
	[tilespmem:$0x1C900] =	vst v63  }
0x8d: {  	_ =	swait.ge [sflag:s17], $0x4000  }
0x8e: {  	s11 =	simm.s32 $0x80;
	s18 =	simm.s32 $0x100;
	[sflag:s17] =	ssyncset.done $0x0  }
.LBB2_4:
0x8f: {  	s13 =	sadd.s32 s11, s15  }
0x90: {  	[sflag:s17] =	ssyncadd.s32 $0xFFFFC000;
	s5 =	smov.u32 s18;
	s12 =	sadd.s32 $0x80, s18  }
0x91: {  	[tilespmem:s3], [sflag:$0x3] =	stream.linear.gather [hbm4b:s13+s3], $0x400, $0x38;
	[tilespmem:$0x1C900] =	vst v63  }
0x92: {  	p0 =	sne.s32 s18, $0x480;
	_ =	swait.ge [sflag:s17], $0x400  }
0x93: {  	[sflag:s17] =	ssyncset.done $0x0  }
0x94: {  	s13 =	sadd.s32 s11, s14;
	s11 =	smov.u32 s5;
	[sflag:s17] =	ssyncadd.s32 $0xFFFFFC00  }
0x95: {  	[tilespmem:s19], [sflag:$0x3] =	stream.linear.gather [hbm4b:s13+s3], $0x400, $0x38;
	[tilespmem:$0x1C900] =	vst v63  }
0x96: {  	_ =	swait.ge [sflag:s17], $0x400  }
0x97: {  	[sflag:s17] =	ssyncset.done $0x0  }
0x98: {  	[sflag:s17] =	ssyncadd.s32 $0xFFFFFC00  }
0x99: {  	[tilespmem:s16], [sflag:$0x1] =	stream.indirect.gather [hbm4b:s4+s20], $0x80, s3, s20, $0xb8;
	[tilespmem:$0x1C900] =	vst v63  }
0x9a: {  	_ = 	snop  }
0x9b: {  	[tilespmem:s21], [sflag:$0x2] =	stream.indirect.gather [hbm4b:s4+s20], $0x80, s20, s20, $0xb8;
	[tilespmem:$0x1C900] =	vst v63  }
0x9c: {  	_ =	swait.ge [sflag:s22], $0x4000  }
0x9d: {  	[sflag:s22] =	ssyncset.done $0x0  }
0x9e: {  	[sflag:s22] =	ssyncadd.s32 $0xFFFFC000  }
0x9f: {  	[spmem:s2] =	stream.indirect.scatter.add.f32 [tilespmem:s16], [sflag:$0x3], $0x80, s19, s20, $0xb8;
	[tilespmem:$0x1C900] =	vst v63  }
0xa0: {  	_ =	swait.ge [sflag:s17], $0x4000  }
0xa1: {  	[sflag:s17] =	ssyncset.done $0x0  }
0xa2: {  	[sflag:s17] =	ssyncadd.s32 $0xFFFFC000  }
0xa3: {  	_ =	swait.ge [sflag:s23], $0x4000  }
0xa4: {  	[sflag:s23] =	ssyncset.done $0x0  }
0xa5: {  	[sflag:s23] =	ssyncadd.s32 $0xFFFFC000  }
0xa6: {  	[spmem:s2] =	stream.indirect.scatter.add.f32 [tilespmem:s21], [sflag:$0x3], $0x80, s24, s20, $0xb8;
	[tilespmem:$0x1C900] =	vst v63  }
0xa7: {  	_ =	swait.ge [sflag:s17], $0x4000  }
0xa8: {  	[sflag:s17] =	ssyncset.done $0x0  }
0xa9: {  	[sflag:s17] =	ssyncadd.s32 $0xFFFFC000  }
0xaa: {  	[tilespmem:s16], [sflag:$0x1] =	stream.indirect.gather [hbm4b:s4+s20], $0x80, s25, s20, $0xb8;
	[tilespmem:$0x1C900] =	vst v63  }
0xab: {  	_ = 	snop  }
0xac: {  	[tilespmem:s21], [sflag:$0x2] =	stream.indirect.gather [hbm4b:s4+s20], $0x80, s26, s20, $0xb8;
	[tilespmem:$0x1C900] =	vst v63  }
0xad: {  	_ =	swait.ge [sflag:s22], $0x4000  }
0xae: {  	[sflag:s22] =	ssyncset.done $0x0  }
0xaf: {  	[sflag:s22] =	ssyncadd.s32 $0xFFFFC000  }
0xb0: {  	[spmem:s2] =	stream.indirect.scatter.add.f32 [tilespmem:s16], [sflag:$0x3], $0x80, s28, s20, $0xb8;
	[tilespmem:$0x1C900] =	vst v63  }
0xb1: {  	_ =	swait.ge [sflag:s17], $0x4000  }
0xb2: {  	[sflag:s17] =	ssyncset.done $0x0  }
0xb3: {  	[sflag:s17] =	ssyncadd.s32 $0xFFFFC000  }
0xb4: {  	_ =	swait.ge [sflag:s23], $0x4000  }
0xb5: {  	[sflag:s23] =	ssyncset.done $0x0  }
0xb6: {  	[sflag:s23] =	ssyncadd.s32 $0xFFFFC000  }
0xb7: {  	[spmem:s2] =	stream.indirect.scatter.add.f32 [tilespmem:s21], [sflag:$0x3], $0x80, s29, s20, $0xb8;
	[tilespmem:$0x1C900] =	vst v63  }
0xb8: {  	_ =	swait.ge [sflag:s17], $0x4000  }
0xb9: {  	[sflag:s17] =	ssyncset.done $0x0  }
0xba: {  	[sflag:s17] =	ssyncadd.s32 $0xFFFFC000  }
0xbb: {  	[tilespmem:s16], [sflag:$0x1] =	stream.indirect.gather [hbm4b:s4+s20], $0x80, s30, s20, $0xb8;
	[tilespmem:$0x1C900] =	vst v63  }
0xbc: {  	_ = 	snop  }
0xbd: {  	[tilespmem:s21], [sflag:$0x2] =	stream.indirect.gather [hbm4b:s4+s20], $0x80, s31, s20, $0xb8;
	[tilespmem:$0x1C900] =	vst v63  }
0xbe: {  	_ =	swait.ge [sflag:s22], $0x4000  }
0xbf: {  	[sflag:s22] =	ssyncset.done $0x0  }
0xc0: {  	[sflag:s22] =	ssyncadd.s32 $0xFFFFC000  }
0xc1: {  	[spmem:s2] =	stream.indirect.scatter.add.f32 [tilespmem:s16], [sflag:$0x3], $0x80, s1, s20, $0xb8;
	[tilespmem:$0x1C900] =	vst v63  }
0xc2: {  	_ =	swait.ge [sflag:s17], $0x4000  }
0xc3: {  	[sflag:s17] =	ssyncset.done $0x0  }
0xc4: {  	[sflag:s17] =	ssyncadd.s32 $0xFFFFC000  }
0xc5: {  	_ =	swait.ge [sflag:s23], $0x4000  }
0xc6: {  	[sflag:s23] =	ssyncset.done $0x0  }
0xc7: {  	[sflag:s23] =	ssyncadd.s32 $0xFFFFC000  }
0xc8: {  	[spmem:s2] =	stream.indirect.scatter.add.f32 [tilespmem:s21], [sflag:$0x3], $0x80, s0, s20, $0xb8;
	[tilespmem:$0x1C900] =	vst v63  }
0xc9: {  	_ =	swait.ge [sflag:s17], $0x4000  }
0xca: {  	[sflag:s17] =	ssyncset.done $0x0  }
0xcb: {  	[sflag:s17] =	ssyncadd.s32 $0xFFFFC000  }
0xcc: {  	[tilespmem:s16], [sflag:$0x1] =	stream.indirect.gather [hbm4b:s4+s20], $0x80, s6, s20, $0xb8;
	[tilespmem:$0x1C900] =	vst v63  }
0xcd: {  	_ = 	snop  }
0xce: {  	[tilespmem:s21], [sflag:$0x2] =	stream.indirect.gather [hbm4b:s4+s20], $0x80, s7, s20, $0xb8;
	[tilespmem:$0x1C900] =	vst v63  }
0xcf: {  	_ =	swait.ge [sflag:s22], $0x4000  }
0xd0: {  	[sflag:s22] =	ssyncset.done $0x0  }
0xd1: {  	[sflag:s22] =	ssyncadd.s32 $0xFFFFC000  }
0xd2: {  	[spmem:s2] =	stream.indirect.scatter.add.f32 [tilespmem:s16], [sflag:$0x3], $0x80, s8, s20, $0xb8;
	[tilespmem:$0x1C900] =	vst v63  }
0xd3: {  	_ =	swait.ge [sflag:s17], $0x4000  }
0xd4: {  	[sflag:s17] =	ssyncset.done $0x0  }
0xd5: {  	[sflag:s17] =	ssyncadd.s32 $0xFFFFC000  }
0xd6: {  	_ =	swait.ge [sflag:s23], $0x4000  }
.Ltmp1:
0xd7: {  	[sflag:s23] =	ssyncset.done $0x0;
	(pc) =	sbr.rel @p0 .LBB2_4-.Ltmp1, $4  }
0xd8: {  	[sflag:s23] =	ssyncadd.s32 $0xFFFFC000  }
0xd9: {  	[spmem:s2] =	stream.indirect.scatter.add.f32 [tilespmem:s21], [sflag:$0x3], $0x80, s9, s20, $0xb8;
	[tilespmem:$0x1C900] =	vst v63  }
0xda: {  	_ =	swait.ge [sflag:s17], $0x4000  }
0xdb: {  	s18 =	smov.u32 s12;
	[sflag:s17] =	ssyncset.done $0x0  }
0xdc: {  	s5 =	sadd.s32 s11, s15;
	[sflag:s17] =	ssyncadd.s32 $0xFFFFC000  }
0xdd: {  	[tilespmem:s3], [sflag:$0x3] =	stream.linear.gather [hbm4b:s5+s3], $0x400, $0x38;
	[tilespmem:$0x1C900] =	vst v63  }
0xde: {  	_ =	swait.ge [sflag:s17], $0x400  }
0xdf: {  	[sflag:s17] =	ssyncset.done $0x0  }
0xe0: {  	s13 =	sadd.s32 s11, s14;
	[sflag:s17] =	ssyncadd.s32 $0xFFFFFC00  }
0xe1: {  	[tilespmem:s19], [sflag:$0x3] =	stream.linear.gather [hbm4b:s13+s3], $0x400, $0x38;
	[tilespmem:$0x1C900] =	vst v63  }
0xe2: {  	_ =	swait.ge [sflag:s17], $0x400  }
0xe3: {  	[sflag:s17] =	ssyncset.done $0x0  }
0xe4: {  	[sflag:s17] =	ssyncadd.s32 $0xFFFFFC00  }
0xe5: {  	[tilespmem:s16], [sflag:$0x1] =	stream.indirect.gather [hbm4b:s4+s20], $0x80, s3, s20, $0xb8;
	[tilespmem:$0x1C900] =	vst v63  }
0xe6: {  	_ = 	snop  }
0xe7: {  	[tilespmem:s21], [sflag:$0x2] =	stream.indirect.gather [hbm4b:s4+s20], $0x80, s20, s20, $0xb8;
	[tilespmem:$0x1C900] =	vst v63  }
0xe8: {  	_ =	swait.ge [sflag:s22], $0x4000  }
0xe9: {  	[sflag:s22] =	ssyncset.done $0x0  }
0xea: {  	[sflag:s22] =	ssyncadd.s32 $0xFFFFC000  }
0xeb: {  	[spmem:s2] =	stream.indirect.scatter.add.f32 [tilespmem:s16], [sflag:$0x3], $0x80, s19, s20, $0xb8;
	[tilespmem:$0x1C900] =	vst v63  }
0xec: {  	_ =	swait.ge [sflag:s17], $0x4000  }
0xed: {  	[sflag:s17] =	ssyncset.done $0x0  }
0xee: {  	[sflag:s17] =	ssyncadd.s32 $0xFFFFC000  }
0xef: {  	_ =	swait.ge [sflag:s23], $0x4000  }
0xf0: {  	[sflag:s23] =	ssyncset.done $0x0  }
0xf1: {  	[sflag:s23] =	ssyncadd.s32 $0xFFFFC000  }
0xf2: {  	[spmem:s2] =	stream.indirect.scatter.add.f32 [tilespmem:s21], [sflag:$0x3], $0x80, s24, s20, $0xb8;
	[tilespmem:$0x1C900] =	vst v63  }
0xf3: {  	_ =	swait.ge [sflag:s17], $0x4000  }
0xf4: {  	[sflag:s17] =	ssyncset.done $0x0  }
0xf5: {  	[sflag:s17] =	ssyncadd.s32 $0xFFFFC000  }
0xf6: {  	[tilespmem:s16], [sflag:$0x1] =	stream.indirect.gather [hbm4b:s4+s20], $0x80, s25, s20, $0xb8;
	[tilespmem:$0x1C900] =	vst v63  }
0xf7: {  	_ = 	snop  }
0xf8: {  	[tilespmem:s21], [sflag:$0x2] =	stream.indirect.gather [hbm4b:s4+s20], $0x80, s26, s20, $0xb8;
	[tilespmem:$0x1C900] =	vst v63  }
0xf9: {  	_ =	swait.ge [sflag:s22], $0x4000  }
0xfa: {  	[sflag:s22] =	ssyncset.done $0x0  }
0xfb: {  	[sflag:s22] =	ssyncadd.s32 $0xFFFFC000  }
0xfc: {  	[spmem:s2] =	stream.indirect.scatter.add.f32 [tilespmem:s16], [sflag:$0x3], $0x80, s28, s20, $0xb8;
	[tilespmem:$0x1C900] =	vst v63  }
0xfd: {  	_ =	swait.ge [sflag:s17], $0x4000  }
0xfe: {  	[sflag:s17] =	ssyncset.done $0x0  }
0xff: {  	[sflag:s17] =	ssyncadd.s32 $0xFFFFC000  }
0x100: {  	_ =	swait.ge [sflag:s23], $0x4000  }
0x101: {  	[sflag:s23] =	ssyncset.done $0x0  }
0x102: {  	[sflag:s23] =	ssyncadd.s32 $0xFFFFC000  }
0x103: {  	[spmem:s2] =	stream.indirect.scatter.add.f32 [tilespmem:s21], [sflag:$0x3], $0x80, s29, s20, $0xb8;
	[tilespmem:$0x1C900] =	vst v63  }
0x104: {  	_ =	swait.ge [sflag:s17], $0x4000  }
0x105: {  	[sflag:s17] =	ssyncset.done $0x0  }
0x106: {  	[sflag:s17] =	ssyncadd.s32 $0xFFFFC000  }
0x107: {  	[tilespmem:s16], [sflag:$0x1] =	stream.indirect.gather [hbm4b:s4+s20], $0x80, s30, s20, $0xb8;
	[tilespmem:$0x1C900] =	vst v63  }
0x108: {  	_ = 	snop  }
0x109: {  	[tilespmem:s21], [sflag:$0x2] =	stream.indirect.gather [hbm4b:s4+s20], $0x80, s31, s20, $0xb8;
	[tilespmem:$0x1C900] =	vst v63  }
0x10a: {  	_ =	swait.ge [sflag:s22], $0x4000  }
0x10b: {  	[sflag:s22] =	ssyncset.done $0x0  }
0x10c: {  	[sflag:s22] =	ssyncadd.s32 $0xFFFFC000  }
0x10d: {  	[spmem:s2] =	stream.indirect.scatter.add.f32 [tilespmem:s16], [sflag:$0x3], $0x80, s1, s20, $0xb8;
	[tilespmem:$0x1C900] =	vst v63  }
0x10e: {  	_ =	swait.ge [sflag:s17], $0x4000  }
0x10f: {  	[sflag:s17] =	ssyncset.done $0x0  }
0x110: {  	[sflag:s17] =	ssyncadd.s32 $0xFFFFC000  }
0x111: {  	_ =	swait.ge [sflag:s23], $0x4000  }
0x112: {  	[sflag:s23] =	ssyncset.done $0x0  }
0x113: {  	[sflag:s23] =	ssyncadd.s32 $0xFFFFC000  }
0x114: {  	[spmem:s2] =	stream.indirect.scatter.add.f32 [tilespmem:s21], [sflag:$0x3], $0x80, s0, s20, $0xb8;
	[tilespmem:$0x1C900] =	vst v63  }
0x115: {  	_ =	swait.ge [sflag:s17], $0x4000  }
0x116: {  	[sflag:s17] =	ssyncset.done $0x0  }
0x117: {  	[sflag:s17] =	ssyncadd.s32 $0xFFFFC000  }
0x118: {  	[tilespmem:s16], [sflag:$0x1] =	stream.indirect.gather [hbm4b:s4+s20], $0x80, s6, s20, $0xb8;
	[tilespmem:$0x1C900] =	vst v63  }
0x119: {  	_ = 	snop  }
0x11a: {  	[tilespmem:s21], [sflag:$0x2] =	stream.indirect.gather [hbm4b:s4+s20], $0x80, s7, s20, $0xb8;
	[tilespmem:$0x1C900] =	vst v63  }
0x11b: {  	_ =	swait.ge [sflag:s22], $0x4000  }
0x11c: {  	[sflag:s22] =	ssyncset.done $0x0  }
0x11d: {  	[sflag:s22] =	ssyncadd.s32 $0xFFFFC000  }
0x11e: {  	[spmem:s2] =	stream.indirect.scatter.add.f32 [tilespmem:s16], [sflag:$0x3], $0x80, s8, s20, $0xb8;
	[tilespmem:$0x1C900] =	vst v63  }
0x11f: {  	_ =	swait.ge [sflag:s17], $0x4000  }
0x120: {  	[sflag:s17] =	ssyncset.done $0x0  }
0x121: {  	[sflag:s17] =	ssyncadd.s32 $0xFFFFC000  }
0x122: {  	_ =	swait.ge [sflag:s23], $0x4000  }
0x123: {  	[sflag:s23] =	ssyncset.done $0x0  }
0x124: {  	[sflag:s23] =	ssyncadd.s32 $0xFFFFC000  }
0x125: {  	[spmem:s2] =	stream.indirect.scatter.add.f32 [tilespmem:s21], [sflag:$0x3], $0x80, s9, s20, $0xb8;
	[tilespmem:$0x1C900] =	vst v63  }
0x126: {  	_ =	swait.ge [sflag:s17], $0x4000  }
0x127: {  	[sflag:s17] =	ssyncset.done $0x0  }
0x128: {  	[sflag:s17] =	ssyncadd.s32 $0xFFFFC000  }
0x129: {  	s12 =	simm.s32 $0x8800;
	[bflag:$0x0] =	sbarrier.arrive $0xFFFF  }
0x12a: {  	[tilespmem:s16], [sflag:$0x1] =	stream.indirect.gather [spmem:s2], $0x80, s12, s20, $0xb8;
	[tilespmem:$0x1C900] =	vst v63  }
0x12b: {  	s18 =	simm.s32 $0x8880  }
0x12c: {  	[tilespmem:s21], [sflag:$0x2] =	stream.indirect.gather [spmem:s2], $0x80, s18, s20, $0xb8;
	[tilespmem:$0x1C900] =	vst v63  }
0x12d: {  	_ =	swait.ge [sflag:s22], $0x4000  }
0x12e: {  	[sflag:s22] =	ssyncset.done $0x0  }
0x12f: {  	s11 =	rddreg [dreg:$0xa];
	[sflag:s22] =	ssyncadd.s32 $0xFFFFC000  }
0x130: {  	[hbm4b:s11+s3] =	stream.linear.scatter [tilespmem:s16], [sflag:$0x1], $0x4000, $0x38;
	[tilespmem:$0x1C900] =	vst v63  }
0x131: {  	_ =	swait.ge [sflag:s23], $0x4000  }
0x132: {  	[sflag:s23] =	ssyncset.done $0x0  }
0x133: {  	s13 =	rddreg [dreg:$0xb];
	[sflag:s23] =	ssyncadd.s32 $0xFFFFC000  }
0x134: {  	[hbm4b:s13+s3] =	stream.linear.scatter [tilespmem:s21], [sflag:$0x2], $0x4000, $0x38;
	[tilespmem:$0x1C900] =	vst v63  }
0x135: {  	_ =	swait.ge [sflag:s22], $0x4000  }
0x136: {  	[sflag:s22] =	ssyncset.done $0x0  }
0x137: {  	[sflag:s22] =	ssyncadd.s32 $0xFFFFC000  }
0x138: {  	_ =	swait.ge [sflag:s23], $0x4000  }
0x139: {  	s10 =	sadd.s32 $0x1, s10;
	s18 =	rddreg [dreg:$0xc]  }
0x13a: {  	p0 =	sne.s32 s10, s18  }
.Ltmp2:
0x13b: {  	_ = 	snop;
	(pc) =	sbr.rel @p0 .LBB2_1-.Ltmp2, $3  }
0x13c: {  	_ =	sdelay $0x1  }
0x13d: {  	[sflag:s23] =	ssyncset.done $0x0  }
0x13e: {  	[sflag:s23] =	ssyncadd.s32 $0xFFFFC000  }
0x13f: {  	_ =	sfence.sel $0x180000  }
0x140: {  	[bflag:$0x0] =	sbarrier.arrive $0xFFFF  }
0x141: {  	_ =	strace $0x9000004A  }
0x142: {  	s0 =	stileid.u32;
	[bflag:$0x2] =	sbarrier.arrive $0xFFFF  }
0x143: {  	p0 =	sne.s32 s0, $0x0;
	s0 =	rddreg [dreg:$0x3]  }
0x144: {  	s0 =	sadd.s32 @!p0 $0x100000, s0  }
0x145: {  	[sflag:s0] =	ssyncadd.tile.s32 @!p0 $0x1;
	_ =	shalt  }
.Lfunc_end2:
_tile_overlayer_lowered:
.L_overlay_start_2:
0x146: {  	(tag) =	ssettag $0x2  }
0x147: {  	s0 =	rddreg [dreg:$0x0];
	s2 =	stileid.u32  }
0x148: {  	s1 =	rddreg [dreg:$0x1];
	p0 =	sne.s32 s2, $0x0  }
0x149: {  	s3 =	rddreg [dreg:$0x2];
	[bflag:$0x3] =	sbarrier.arrive $0xFFFF;
	s2 =	simm.s32 @!p0 $0x1C03  }
0x14a: {  	[timem:s3], [sflag:s2] =	dma.local @!p0 [hbm:s0], s1  }
0x14b: {  	s0 =	simm.s32 @!p0 $0x3  }
0x14c: {  	_ =	swait.ge @!p0 [sflag:s0], s1  }
0x14d: {  	s1 =	ssub.s32 @!p0 $0x0, s1;
	[sflag:s0] =	ssyncset.done @!p0 $0x0  }
0x14e: {  	[sflag:s0] =	ssyncadd.s32 @!p0 s1  }
0x14f: {  	[bflag:$0x3] =	sbarrier.arrive $0xFFFF  }
0x150: {  	_ =	shalt  }

</sc_bundles>
